<compile_context>
chip_gen: v7x
topology: tpu7x:2x2x1
jax: 0.10.2.dev20260603
libtpu: 0.0.44.dev20260713+nightly
codegen_flags: <defaults>
</compile_context>

<pallas_src>
import functools

import jax
import jax.numpy as jnp
from jax import lax
from jax.experimental import pallas as pl
from jax.experimental.pallas import tpu as pltpu
from jax.experimental.pallas import tpu_sc as plsc

N_NODES = 10000
N_EDGES = 320000
D_IN = 128
D_HID = 128
D_OUT = 2
D_OUT_PAD = 16
N_GRAPHS = 64

NC = 2
NS = 16
NW = NC * NS

NP = 10240
EP = 327680
CH = 64
NCHK = EP // (NW * CH)
RPT = NP // NS
RB = RPT // CH
NCHK_A = 160
NCHK_B = 2 * NCHK - NCHK_A
NCHK_MAX = max(NCHK_A, NCHK_B)


def _mesh():
    return plsc.VectorSubcoreMesh(core_axis_name="c", subcore_axis_name="s")


def _zero_rows(buf, d):
    def fill(r, _):
        for k in range(d // 16):
            buf[r, pl.ds(k * 16, 16)] = jnp.zeros((16,), jnp.float32)
        return 0
    lax.fori_loop(0, CH, fill, 0)


def _deg_kernel(dst2d):
    @functools.partial(
        pl.kernel,
        mesh=_mesh(),
        compiler_params=pltpu.CompilerParams(use_tc_tiling_on_sc=False),
        out_type=jax.ShapeDtypeStruct((NC, NP, 16), jnp.float32),
        scratch_types=[
            pltpu.VMEM((NCHK, CH), jnp.int32),
            pltpu.VMEM((CH, 16), jnp.float32),
            pltpu.VMEM_SHARED((NP, 16), jnp.float32),
        ],
    )
    def k(dst_hbm, out_hbm, didx, ones, acc_sh):
        c = lax.axis_index("c")
        s = lax.axis_index("s")
        wid = c * NS + s
        _zero_rows(ones, 16)
        for b in range(RB):
            pltpu.sync_copy(ones, acc_sh.at[pl.ds(s * RPT + b * CH, CH)])
        def fill(r, _):
            ones[r, pl.ds(0, 16)] = jnp.ones((16,), jnp.float32)
            return 0
        lax.fori_loop(0, CH, fill, 0)
        pltpu.sync_copy(dst_hbm.at[pl.ds(wid * NCHK, NCHK)], didx)
        plsc.subcore_barrier()
        def step(j, _):
            pltpu.sync_copy(ones, acc_sh.at[didx.at[j]], add=True)
            return 0
        lax.fori_loop(0, NCHK, step, 0)
        plsc.subcore_barrier()
        for b in range(RB):
            r0 = s * RPT + b * CH
            pltpu.sync_copy(acc_sh.at[pl.ds(r0, CH)], out_hbm.at[c, pl.ds(r0, CH)])

    return k(dst2d)


def _spmm_kernel(src2d, dst2d, g, d):
    @functools.partial(
        pl.kernel,
        mesh=_mesh(),
        compiler_params=pltpu.CompilerParams(use_tc_tiling_on_sc=False),
        out_type=jax.ShapeDtypeStruct((NC, NP, d), jnp.float32),
        scratch_types=[
            pltpu.VMEM((NCHK_MAX, CH), jnp.int32),
            pltpu.VMEM((NCHK_MAX, CH), jnp.int32),
            pltpu.VMEM((CH, d), jnp.float32),
            pltpu.VMEM((CH, d), jnp.float32),
            pltpu.VMEM_SHARED((NP, d), jnp.float32),
            pltpu.SemaphoreType.DMA,
            pltpu.SemaphoreType.DMA,
            pltpu.SemaphoreType.DMA,
            pltpu.SemaphoreType.DMA,
        ],
    )
    def k(src_hbm, dst_hbm, g_hbm, out_hbm, sidx, didx, r0, r1, acc_sh,
          g0, g1, s0, s1):
        rows = [r0, r1]
        gsem = [g0, g1]
        ssem = [s0, s1]
        c = lax.axis_index("c")
        s = lax.axis_index("s")

        def fire_gather(j, slot):
            pltpu.async_copy(g_hbm.at[sidx.at[j]], rows[slot], gsem[slot])

        def wait_gather(slot):
            pltpu.make_async_copy(g_hbm.at[sidx.at[0]], rows[slot],
                                  gsem[slot]).wait()

        def fire_scatter(j, slot):
            pltpu.async_copy(rows[slot], acc_sh.at[didx.at[j]], ssem[slot],
                             add=True)

        def wait_scatter(slot):
            pltpu.make_async_copy(rows[slot], acc_sh.at[didx.at[0]],
                                  ssem[slot]).wait()

        _zero_rows(r0, d)
        for b in range(RB):
            pltpu.sync_copy(r0, acc_sh.at[pl.ds(s * RPT + b * CH, CH)])

        def run(nchk, base):
            pltpu.sync_copy(src_hbm.at[pl.ds(base, nchk)],
                            sidx.at[pl.ds(0, nchk)])
            pltpu.sync_copy(dst_hbm.at[pl.ds(base, nchk)],
                            didx.at[pl.ds(0, nchk)])
            fire_gather(0, 0)
            wait_gather(0)
            fire_gather(1, 1)
            fire_scatter(0, 0)

            def step(i, _):
                j = 2 * i + 1
                wait_gather(1)
                wait_scatter(0)
                fire_gather(j + 1, 0)
                fire_scatter(j, 1)
                wait_gather(0)
                wait_scatter(1)
                fire_gather(j + 2, 1)
                fire_scatter(j + 1, 0)
                return 0
            lax.fori_loop(0, nchk // 2 - 1, step, 0)
            wait_gather(1)
            fire_scatter(nchk - 1, 1)
            wait_scatter(0)
            wait_scatter(1)

        run(NCHK, (c * NS + s) * NCHK)
        plsc.subcore_barrier()
        for b in range(RB):
            r0 = s * RPT + b * CH
            pltpu.sync_copy(acc_sh.at[pl.ds(r0, CH)], out_hbm.at[c, pl.ds(r0, CH)])

    return k(src2d, dst2d, g)


CH2 = 80
NCHK2 = EP // (NW * CH2)


def _spmm16_kernel(src2d, dst2d, g):
    d = D_OUT_PAD

    @functools.partial(
        pl.kernel,
        mesh=_mesh(),
        compiler_params=pltpu.CompilerParams(use_tc_tiling_on_sc=False),
        out_type=jax.ShapeDtypeStruct((NC, NP, d), jnp.float32),
        scratch_types=[
            pltpu.VMEM((NCHK2, CH2), jnp.int32),
            pltpu.VMEM((NCHK2, CH2), jnp.int32),
            pltpu.VMEM((CH2, d), jnp.float32),
            pltpu.VMEM((CH2, d), jnp.float32),
            pltpu.VMEM((CH2, d), jnp.float32),
            pltpu.VMEM((CH2, d), jnp.float32),
            pltpu.VMEM_SHARED((NP, d), jnp.float32),
            pltpu.SemaphoreType.DMA,
            pltpu.SemaphoreType.DMA,
            pltpu.SemaphoreType.DMA,
            pltpu.SemaphoreType.DMA,
            pltpu.SemaphoreType.DMA,
            pltpu.SemaphoreType.DMA,
            pltpu.SemaphoreType.DMA,
            pltpu.SemaphoreType.DMA,
        ],
    )
    def k(src_hbm, dst_hbm, g_hbm, out_hbm, sidx, didx, r0, r1, r2, r3,
          acc_sh, g0, g1, g2, g3, s0, s1, s2, s3):
        rows = [r0, r1, r2, r3]
        gsem = [g0, g1, g2, g3]
        ssem = [s0, s1, s2, s3]
        c = lax.axis_index("c")
        s = lax.axis_index("s")
        wid = c * NS + s

        def fire_gather(j, slot):
            pltpu.async_copy(g_hbm.at[sidx.at[j]], rows[slot], gsem[slot])

        def wait_gather(slot):
            pltpu.make_async_copy(g_hbm.at[sidx.at[0]], rows[slot],
                                  gsem[slot]).wait()

        def fire_scatter(j, slot):
            pltpu.async_copy(rows[slot], acc_sh.at[didx.at[j]], ssem[slot],
                             add=True)

        def wait_scatter(slot):
            pltpu.make_async_copy(rows[slot], acc_sh.at[didx.at[0]],
                                  ssem[slot]).wait()

        _zero_rows(r0, d)
        for b in range(RPT // CH2):
            pltpu.sync_copy(r0, acc_sh.at[pl.ds(s * RPT + b * CH2, CH2)])
        pltpu.sync_copy(src_hbm.at[pl.ds(wid * NCHK2, NCHK2)], sidx)
        pltpu.sync_copy(dst_hbm.at[pl.ds(wid * NCHK2, NCHK2)], didx)
        plsc.subcore_barrier()
        fire_gather(0, 0)
        fire_gather(1, 1)
        wait_gather(0)
        fire_gather(2, 2)
        fire_scatter(0, 0)
        wait_gather(1)
        wait_scatter(0)
        fire_gather(3, 3)
        fire_scatter(1, 1)

        def step(i, _):
            j0 = 4 * i + 2
            for kk in range(4):
                slot = (2 + kk) % 4
                nslot = slot ^ 2
                pslot = (slot + 3) % 4
                jj = j0 + kk
                wait_gather(slot)
                wait_scatter(pslot)
                fire_gather(jj + 2, nslot)
                fire_scatter(jj, slot)
            return 0
        lax.fori_loop(0, (NCHK2 - 4) // 4, step, 0)
        wait_gather((NCHK2 - 2) % 4)
        wait_scatter((NCHK2 + 1) % 4)
        fire_scatter(NCHK2 - 2, (NCHK2 - 2) % 4)
        wait_gather((NCHK2 - 1) % 4)
        wait_scatter((NCHK2 - 2) % 4)
        fire_scatter(NCHK2 - 1, (NCHK2 - 1) % 4)
        wait_scatter((NCHK2 - 1) % 4)
        plsc.subcore_barrier()
        for b in range(RPT // CH2):
            r0b = s * RPT + b * CH2
            pltpu.sync_copy(acc_sh.at[pl.ds(r0b, CH2)],
                            out_hbm.at[c, pl.ds(r0b, CH2)])

    return k(src2d, dst2d, g)


def _prep1_body(x_ref, w_ref, deg_ref, g_ref):
    hist = deg_ref[0, :, 0:1] + deg_ref[1, :, 0:1]
    dis = lax.rsqrt(hist + 1.0)
    h = jnp.dot(x_ref[...], w_ref[...], preferred_element_type=jnp.float32)
    g_ref[...] = h * dis


def _prep2_body(acc_ref, g1_ref, deg_ref, w_ref, b1_ref, g2_ref):
    hist = deg_ref[0, :, 0:1] + deg_ref[1, :, 0:1]
    dis = lax.rsqrt(hist + 1.0)
    z = dis * (acc_ref[0] + acc_ref[1] + g1_ref[...]) + b1_ref[...]
    z = jnp.maximum(z, 0.0)
    h2 = jnp.dot(z, w_ref[...], preferred_element_type=jnp.float32)
    g2_ref[...] = h2 * dis


def _final_body(acc_ref, g2_ref, deg_ref, b2_ref, batch_ref, out_ref):
    hist = deg_ref[0, :, 0:1] + deg_ref[1, :, 0:1]
    dis = lax.rsqrt(hist + 1.0)
    out2 = dis * (acc_ref[0] + acc_ref[1] + g2_ref[...]) + b2_ref[...]
    ohT = (lax.broadcasted_iota(jnp.int32, (N_GRAPHS, NP), 0)
           == batch_ref[...]).astype(jnp.float32)
    sums = jnp.dot(ohT, out2, preferred_element_type=jnp.float32)
    counts = jnp.sum(ohT, axis=1, keepdims=True)
    pooled = sums / jnp.maximum(counts, 1.0)
    colmask = lax.broadcasted_iota(jnp.int32, (N_GRAPHS, D_OUT_PAD), 1) < D_OUT
    xm = jnp.where(colmask, pooled, -1e30)
    m = jnp.max(xm, axis=1, keepdims=True)
    e = jnp.where(colmask, jnp.exp(xm - m), 0.0)
    lse = jnp.log(jnp.sum(e, axis=1, keepdims=True)) + m
    out_ref[...] = pooled - lse


def kernel(x, edge_index, batch, W1, b1, W2, b2):
    f32 = jnp.float32
    pad = N_NODES + jnp.arange(EP - N_EDGES, dtype=jnp.int32) % (NP - N_NODES)
    src = jnp.concatenate([edge_index[0], pad])
    dst = jnp.concatenate([edge_index[1], pad])
    src2d = src.reshape(EP // CH, CH)
    dst2d = dst.reshape(EP // CH, CH)
    src2db = src.reshape(EP // CH2, CH2)
    dst2db = dst.reshape(EP // CH2, CH2)
    xp = jnp.zeros((NP, D_IN), f32).at[:N_NODES].set(x)
    W2p = jnp.zeros((D_HID, D_OUT_PAD), f32).at[:, :D_OUT].set(W2)
    b1r = b1.reshape(1, D_HID)
    b2r = jnp.zeros((1, D_OUT_PAD), f32).at[0, :D_OUT].set(b2)
    batch2d = jnp.full((1, NP), N_GRAPHS, jnp.int32).at[0, :N_NODES].set(batch)

    degp = _deg_kernel(dst2d)

    nblk, rows = 8, NP // 8
    g1 = pl.pallas_call(
        _prep1_body,
        grid=(nblk,),
        in_specs=[
            pl.BlockSpec((rows, D_IN), lambda i: (i, 0)),
            pl.BlockSpec((D_IN, D_HID), lambda i: (0, 0)),
            pl.BlockSpec((NC, rows, 16), lambda i: (0, i, 0)),
        ],
        out_specs=pl.BlockSpec((rows, D_HID), lambda i: (i, 0)),
        out_shape=jax.ShapeDtypeStruct((NP, D_HID), f32),
    )(xp, W1, degp)

    acc1 = _spmm_kernel(src2d, dst2d, g1, D_HID)

    g2 = pl.pallas_call(
        _prep2_body,
        grid=(nblk,),
        in_specs=[
            pl.BlockSpec((NC, rows, D_HID), lambda i: (0, i, 0)),
            pl.BlockSpec((rows, D_HID), lambda i: (i, 0)),
            pl.BlockSpec((NC, rows, 16), lambda i: (0, i, 0)),
            pl.BlockSpec((D_HID, D_OUT_PAD), lambda i: (0, 0)),
            pl.BlockSpec((1, D_HID), lambda i: (0, 0)),
        ],
        out_specs=pl.BlockSpec((rows, D_OUT_PAD), lambda i: (i, 0)),
        out_shape=jax.ShapeDtypeStruct((NP, D_OUT_PAD), f32),
    )(acc1, g1, degp, W2p, b1r)

    acc2 = _spmm16_kernel(src2db, dst2db, g2)

    res = pl.pallas_call(
        _final_body,
        out_shape=jax.ShapeDtypeStruct((N_GRAPHS, D_OUT_PAD), f32),
    )(acc2, g2, degp, b2r, batch2d)
    return res[:, :D_OUT]

# --- scband reference (transcript-rebuilt; emitter-appended) ---
"""Pipeline reference for scband-gcnclassifier-58909771432362 (READ-ONLY COPY).

The authoritative reference and input builder live on the scoring server;
editing this copy changes nothing except your own understanding.
"""

import jax, jax.numpy as jnp
import numpy as np

N_NODES = 10000
N_EDGES = 320000
D_IN = 128
D_HID = 128
D_OUT = 2
N_GRAPHS = 64


def setup_inputs(seed: int = 0) -> dict:
    key = jax.random.key(seed)
    ks = jax.random.split(key, 8)
    x = jax.random.normal(ks[0], (N_NODES, D_IN), dtype=jnp.float32)
    edge_index = jax.random.randint(ks[1], (2, N_EDGES), 0, N_NODES, dtype=jnp.int32)
    batch = jnp.sort(jax.random.randint(ks[2], (N_NODES,), 0, N_GRAPHS, dtype=jnp.int32))
    W1 = jax.random.normal(ks[3], (D_IN, D_HID), dtype=jnp.float32) * 0.05
    b1 = jnp.zeros((D_HID,), dtype=jnp.float32)
    W2 = jax.random.normal(ks[4], (D_HID, D_OUT), dtype=jnp.float32) * 0.05
    b2 = jnp.zeros((D_OUT,), dtype=jnp.float32)
    return {"x": x, "edge_index": edge_index, "batch": batch, "W1": W1, "b1": b1, "W2": W2, "b2": b2}


def _gcn_conv(x, W, b, src, dst, norm, n_nodes):
    # PyG GCNConv: h = x @ W ; aggregate norm-weighted messages via scatter-add ; add bias
    h = x @ W
    msg = h[src] * norm[:, None]
    out = jax.ops.segment_sum(msg, dst, num_segments=n_nodes)
    return out + b


def reference(x, edge_index, batch, W1, b1, W2, b2):
    n_nodes = x.shape[0]
    loop = jnp.arange(n_nodes, dtype=edge_index.dtype)
    src = jnp.concatenate([edge_index[0], loop])
    dst = jnp.concatenate([edge_index[1], loop])
    # symmetric normalization with self-loops (GCN)
    ones = jnp.ones(src.shape[0], dtype=jnp.float32)
    deg = jax.ops.segment_sum(ones, dst, num_segments=n_nodes)
    deg_inv_sqrt = jnp.where(deg > 0, deg ** -0.5, 0.0)
    norm = deg_inv_sqrt[src] * deg_inv_sqrt[dst]
    # conv1 + relu (dropout is identity in eval mode)
    h = _gcn_conv(x, W1, b1, src, dst, norm, n_nodes)
    h = jax.nn.relu(h)
    # conv2
    h = _gcn_conv(h, W2, b2, src, dst, norm, n_nodes)
    # global mean pool over graph ids
    sums = jax.ops.segment_sum(h, batch, num_segments=N_GRAPHS)
    counts = jax.ops.segment_sum(jnp.ones((n_nodes,), dtype=jnp.float32), batch, num_segments=N_GRAPHS)
    pooled = sums / jnp.clip(counts, 1.0)[:, None]
    return jax.nn.log_softmax(pooled, axis=1)

if __name__ == "__main__":
    import jax
    _d = setup_inputs()
    print(jax.jit(kernel)(*tuple(_d.values())))

</pallas_src>

<mosaic_0001>
#map = affine_map<(d0, d1) -> (0, 0)>
#map1 = affine_map<(d0, d1) -> (0, 0, 0)>
module attributes {stable_mosaic.version = 14 : i64} {
  func.func @k(%arg0: i32, %arg1: i32, %arg2: memref<4096x80xi32, #tpu.memory_space<hbm>>, %arg3: memref<4096x80xi32, #tpu.memory_space<hbm>>, %arg4: memref<10240x16xf32, #tpu.memory_space<hbm>>, %arg5: memref<2x10240x16xf32, #tpu.memory_space<hbm>>, %arg6: memref<128x80xi32, #tpu.memory_space<vmem>>, %arg7: memref<128x80xi32, #tpu.memory_space<vmem>>, %arg8: memref<80x16xf32, #tpu.memory_space<vmem>>, %arg9: memref<80x16xf32, #tpu.memory_space<vmem>>, %arg10: memref<80x16xf32, #tpu.memory_space<vmem>>, %arg11: memref<80x16xf32, #tpu.memory_space<vmem>>, %arg12: memref<10240x16xf32, #tpu.memory_space<vmem_shared>>, %arg13: memref<!tpu.dma_semaphore, #tpu.memory_space<semaphore_mem>>, %arg14: memref<!tpu.dma_semaphore, #tpu.memory_space<semaphore_mem>>, %arg15: memref<!tpu.dma_semaphore, #tpu.memory_space<semaphore_mem>>, %arg16: memref<!tpu.dma_semaphore, #tpu.memory_space<semaphore_mem>>, %arg17: memref<!tpu.dma_semaphore, #tpu.memory_space<semaphore_mem>>, %arg18: memref<!tpu.dma_semaphore, #tpu.memory_space<semaphore_mem>>, %arg19: memref<!tpu.dma_semaphore, #tpu.memory_space<semaphore_mem>>, %arg20: memref<!tpu.dma_semaphore, #tpu.memory_space<semaphore_mem>>) attributes {dimension_semantics = [#tpu.dimension_semantics<core_parallel>, #tpu.dimension_semantics<subcore_parallel>], iteration_bounds = array<i64: 2, 16>, scalar_prefetch = 0 : i64, scratch_operands = 15 : i64, tpu.core_type = #tpu.core_type<sc_vector_subcore>, window_params = [{transform_indices = #map}, {transform_indices = #map}, {transform_indices = #map}, {transform_indices = #map1}]} {
    %mul3A = arith.constant 16 : i32
    %mul3A_0 = arith.muli %arg0, %mul3A : i32
    %add3A = arith.addi %mul3A_0, %arg1 : i32
    %scan3A = arith.constant 0 : i32
    %scan3A_1 = arith.constant 0 : i32
    %scan3A_2 = arith.constant 64 : i32
    %scan3A_3 = arith.addi %scan3A_1, %scan3A_2 : i32
    %scan3A_4 = arith.constant 1 : i32
    %scan3A_5 = scf.for %scan3A_193 = %scan3A_1 to %scan3A_3 step %scan3A_4 iter_args(%scan3A_194 = %scan3A) -> (i32)  : i32 {
      %broadcast_in_dim3A = arith.constant 0.000000e+00 : f32
      %broadcast_in_dim3A_195 = vector.broadcast %broadcast_in_dim3A : f32 to vector<16xf32>
      %swap3A = arith.index_cast %scan3A_193 : i32 to index
      %swap3A_196 = arith.constant 0 : index
      %swap3A_197 = tpu.vector_load %arg8[%swap3A, %swap3A_196] {strides = array<i32>} : memref<80x16xf32, #tpu.memory_space<vmem>>, vector<1x16xf32>,
      %swap3A_198 = vector.shape_cast %swap3A_197 : vector<1x16xf32> to vector<16xf32>
      %swap3A_199 = vector.shape_cast %broadcast_in_dim3A_195 : vector<16xf32> to vector<1x16xf32>
      tpu.vector_store %arg8[%swap3A, %swap3A_196], %swap3A_199 {strides = array<i32>} : memref<80x16xf32, #tpu.memory_space<vmem>>, vector<1x16xf32>,
      %scan3A_200 = arith.constant 0 : i32
      scf.yield %scan3A_200 : i32
    }
    %scan3A_6 = arith.constant 64 : i32
    %mul3A_7 = arith.constant 640 : i32
    %mul3A_8 = arith.muli %arg1, %mul3A_7 : i32
    %add3A_9 = arith.constant 0 : i32
    %add3A_10 = arith.addi %mul3A_8, %add3A_9 : i32
    "tpu.region"() ({
      %run_scoped3A = tpu.sem_alloc : memref<!tpu.dma_semaphore, #tpu.memory_space<semaphore_mem>>
      %dma_start3A_193 = arith.constant 0 : i32
      %dma_start3A_194 = tpu.memref_slice %arg12[%add3A_10, %dma_start3A_193] : memref<10240x16xf32, #tpu.memory_space<vmem_shared>> -> memref<80x16xf32, #tpu.memory_space<vmem_shared>>
      %dma_start3A_195 = arith.constant 0 : i32
      %dma_start3A_196 = tpu.memref_slice %arg12[%add3A_10, %dma_start3A_195] : memref<10240x16xf32, #tpu.memory_space<vmem_shared>> -> memref<80x16xf32, #tpu.memory_space<vmem_shared>>
      tpu.enqueue_dma source(%arg8 : memref<80x16xf32, #tpu.memory_space<vmem>>) target(%dma_start3A_196 : memref<80x16xf32, #tpu.memory_space<vmem_shared>>) target_semaphore(%run_scoped3A : memref<!tpu.dma_semaphore, #tpu.memory_space<semaphore_mem>>)
      %dma_wait3A_197 = arith.constant 0 : i32
      %dma_wait3A_198 = tpu.memref_slice %arg12[%add3A_10, %dma_wait3A_197] : memref<10240x16xf32, #tpu.memory_space<vmem_shared>> -> memref<80x16xf32, #tpu.memory_space<vmem_shared>>
      %dma_wait3A_199 = arith.constant 0 : i32
      %dma_wait3A_200 = tpu.memref_slice %arg12[%add3A_10, %dma_wait3A_199] : memref<10240x16xf32, #tpu.memory_space<vmem_shared>> -> memref<80x16xf32, #tpu.memory_space<vmem_shared>>
      tpu.wait_dma2 semaphore(%run_scoped3A : memref<!tpu.dma_semaphore, #tpu.memory_space<semaphore_mem>>) src(%arg8 : memref<80x16xf32, #tpu.memory_space<vmem>>) dst(%dma_wait3A_200 : memref<80x16xf32, #tpu.memory_space<vmem_shared>>)
      tpu.yield
    }) : () -> ()
    %mul3A_11 = arith.constant 640 : i32
    %mul3A_12 = arith.muli %arg1, %mul3A_11 : i32
    %add3A_13 = arith.constant 80 : i32
    %add3A_14 = arith.addi %mul3A_12, %add3A_13 : i32
    "tpu.region"() ({
      %run_scoped3A = tpu.sem_alloc : memref<!tpu.dma_semaphore, #tpu.memory_space<semaphore_mem>>
      %dma_start3A_193 = arith.constant 0 : i32
      %dma_start3A_194 = tpu.memref_slice %arg12[%add3A_14, %dma_start3A_193] : memref<10240x16xf32, #tpu.memory_space<vmem_shared>> -> memref<80x16xf32, #tpu.memory_space<vmem_shared>>
      %dma_start3A_195 = arith.constant 0 : i32
      %dma_start3A_196 = tpu.memref_slice %arg12[%add3A_14, %dma_start3A_195] : memref<10240x16xf32, #tpu.memory_space<vmem_shared>> -> memref<80x16xf32, #tpu.memory_space<vmem_shared>>
      tpu.enqueue_dma source(%arg8 : memref<80x16xf32, #tpu.memory_space<vmem>>) target(%dma_start3A_196 : memref<80x16xf32, #tpu.memory_space<vmem_shared>>) target_semaphore(%run_scoped3A : memref<!tpu.dma_semaphore, #tpu.memory_space<semaphore_mem>>)
      %dma_wait3A_197 = arith.constant 0 : i32
      %dma_wait3A_198 = tpu.memref_slice %arg12[%add3A_14, %dma_wait3A_197] : memref<10240x16xf32, #tpu.memory_space<vmem_shared>> -> memref<80x16xf32, #tpu.memory_space<vmem_shared>>
      %dma_wait3A_199 = arith.constant 0 : i32
      %dma_wait3A_200 = tpu.memref_slice %arg12[%add3A_14, %dma_wait3A_199] : memref<10240x16xf32, #tpu.memory_space<vmem_shared>> -> memref<80x16xf32, #tpu.memory_space<vmem_shared>>
      tpu.wait_dma2 semaphore(%run_scoped3A : memref<!tpu.dma_semaphore, #tpu.memory_space<semaphore_mem>>) src(%arg8 : memref<80x16xf32, #tpu.memory_space<vmem>>) dst(%dma_wait3A_200 : memref<80x16xf32, #tpu.memory_space<vmem_shared>>)
      tpu.yield
    }) : () -> ()
    %mul3A_15 = arith.constant 640 : i32
    %mul3A_16 = arith.muli %arg1, %mul3A_15 : i32
    %add3A_17 = arith.constant 160 : i32
    %add3A_18 = arith.addi %mul3A_16, %add3A_17 : i32
    "tpu.region"() ({
      %run_scoped3A = tpu.sem_alloc : memref<!tpu.dma_semaphore, #tpu.memory_space<semaphore_mem>>
      %dma_start3A_193 = arith.constant 0 : i32
      %dma_start3A_194 = tpu.memref_slice %arg12[%add3A_18, %dma_start3A_193] : memref<10240x16xf32, #tpu.memory_space<vmem_shared>> -> memref<80x16xf32, #tpu.memory_space<vmem_shared>>
      %dma_start3A_195 = arith.constant 0 : i32
      %dma_start3A_196 = tpu.memref_slice %arg12[%add3A_18, %dma_start3A_195] : memref<10240x16xf32, #tpu.memory_space<vmem_shared>> -> memref<80x16xf32, #tpu.memory_space<vmem_shared>>
      tpu.enqueue_dma source(%arg8 : memref<80x16xf32, #tpu.memory_space<vmem>>) target(%dma_start3A_196 : memref<80x16xf32, #tpu.memory_space<vmem_shared>>) target_semaphore(%run_scoped3A : memref<!tpu.dma_semaphore, #tpu.memory_space<semaphore_mem>>)
      %dma_wait3A_197 = arith.constant 0 : i32
      %dma_wait3A_198 = tpu.memref_slice %arg12[%add3A_18, %dma_wait3A_197] : memref<10240x16xf32, #tpu.memory_space<vmem_shared>> -> memref<80x16xf32, #tpu.memory_space<vmem_shared>>
      %dma_wait3A_199 = arith.constant 0 : i32
      %dma_wait3A_200 = tpu.memref_slice %arg12[%add3A_18, %dma_wait3A_199] : memref<10240x16xf32, #tpu.memory_space<vmem_shared>> -> memref<80x16xf32, #tpu.memory_space<vmem_shared>>
      tpu.wait_dma2 semaphore(%run_scoped3A : memref<!tpu.dma_semaphore, #tpu.memory_space<semaphore_mem>>) src(%arg8 : memref<80x16xf32, #tpu.memory_space<vmem>>) dst(%dma_wait3A_200 : memref<80x16xf32, #tpu.memory_space<vmem_shared>>)
      tpu.yield
    }) : () -> ()
    %mul3A_19 = arith.constant 640 : i32
    %mul3A_20 = arith.muli %arg1, %mul3A_19 : i32
    %add3A_21 = arith.constant 240 : i32
    %add3A_22 = arith.addi %mul3A_20, %add3A_21 : i32
    "tpu.region"() ({
      %run_scoped3A = tpu.sem_alloc : memref<!tpu.dma_semaphore, #tpu.memory_space<semaphore_mem>>
      %dma_start3A_193 = arith.constant 0 : i32
      %dma_start3A_194 = tpu.memref_slice %arg12[%add3A_22, %dma_start3A_193] : memref<10240x16xf32, #tpu.memory_space<vmem_shared>> -> memref<80x16xf32, #tpu.memory_space<vmem_shared>>
      %dma_start3A_195 = arith.constant 0 : i32
      %dma_start3A_196 = tpu.memref_slice %arg12[%add3A_22, %dma_start3A_195] : memref<10240x16xf32, #tpu.memory_space<vmem_shared>> -> memref<80x16xf32, #tpu.memory_space<vmem_shared>>
      tpu.enqueue_dma source(%arg8 : memref<80x16xf32, #tpu.memory_space<vmem>>) target(%dma_start3A_196 : memref<80x16xf32, #tpu.memory_space<vmem_shared>>) target_semaphore(%run_scoped3A : memref<!tpu.dma_semaphore, #tpu.memory_space<semaphore_mem>>)
      %dma_wait3A_197 = arith.constant 0 : i32
      %dma_wait3A_198 = tpu.memref_slice %arg12[%add3A_22, %dma_wait3A_197] : memref<10240x16xf32, #tpu.memory_space<vmem_shared>> -> memref<80x16xf32, #tpu.memory_space<vmem_shared>>
      %dma_wait3A_199 = arith.constant 0 : i32
      %dma_wait3A_200 = tpu.memref_slice %arg12[%add3A_22, %dma_wait3A_199] : memref<10240x16xf32, #tpu.memory_space<vmem_shared>> -> memref<80x16xf32, #tpu.memory_space<vmem_shared>>
      tpu.wait_dma2 semaphore(%run_scoped3A : memref<!tpu.dma_semaphore, #tpu.memory_space<semaphore_mem>>) src(%arg8 : memref<80x16xf32, #tpu.memory_space<vmem>>) dst(%dma_wait3A_200 : memref<80x16xf32, #tpu.memory_space<vmem_shared>>)
      tpu.yield
    }) : () -> ()
    %mul3A_23 = arith.constant 640 : i32
    %mul3A_24 = arith.muli %arg1, %mul3A_23 : i32
    %add3A_25 = arith.constant 320 : i32
    %add3A_26 = arith.addi %mul3A_24, %add3A_25 : i32
    "tpu.region"() ({
      %run_scoped3A = tpu.sem_alloc : memref<!tpu.dma_semaphore, #tpu.memory_space<semaphore_mem>>
      %dma_start3A_193 = arith.constant 0 : i32
      %dma_start3A_194 = tpu.memref_slice %arg12[%add3A_26, %dma_start3A_193] : memref<10240x16xf32, #tpu.memory_space<vmem_shared>> -> memref<80x16xf32, #tpu.memory_space<vmem_shared>>
      %dma_start3A_195 = arith.constant 0 : i32
      %dma_start3A_196 = tpu.memref_slice %arg12[%add3A_26, %dma_start3A_195] : memref<10240x16xf32, #tpu.memory_space<vmem_shared>> -> memref<80x16xf32, #tpu.memory_space<vmem_shared>>
      tpu.enqueue_dma source(%arg8 : memref<80x16xf32, #tpu.memory_space<vmem>>) target(%dma_start3A_196 : memref<80x16xf32, #tpu.memory_space<vmem_shared>>) target_semaphore(%run_scoped3A : memref<!tpu.dma_semaphore, #tpu.memory_space<semaphore_mem>>)
      %dma_wait3A_197 = arith.constant 0 : i32
      %dma_wait3A_198 = tpu.memref_slice %arg12[%add3A_26, %dma_wait3A_197] : memref<10240x16xf32, #tpu.memory_space<vmem_shared>> -> memref<80x16xf32, #tpu.memory_space<vmem_shared>>
      %dma_wait3A_199 = arith.constant 0 : i32
      %dma_wait3A_200 = tpu.memref_slice %arg12[%add3A_26, %dma_wait3A_199] : memref<10240x16xf32, #tpu.memory_space<vmem_shared>> -> memref<80x16xf32, #tpu.memory_space<vmem_shared>>
      tpu.wait_dma2 semaphore(%run_scoped3A : memref<!tpu.dma_semaphore, #tpu.memory_space<semaphore_mem>>) src(%arg8 : memref<80x16xf32, #tpu.memory_space<vmem>>) dst(%dma_wait3A_200 : memref<80x16xf32, #tpu.memory_space<vmem_shared>>)
      tpu.yield
    }) : () -> ()
    %mul3A_27 = arith.constant 640 : i32
    %mul3A_28 = arith.muli %arg1, %mul3A_27 : i32
    %add3A_29 = arith.constant 400 : i32
    %add3A_30 = arith.addi %mul3A_28, %add3A_29 : i32
    "tpu.region"() ({
      %run_scoped3A = tpu.sem_alloc : memref<!tpu.dma_semaphore, #tpu.memory_space<semaphore_mem>>
      %dma_start3A_193 = arith.constant 0 : i32
      %dma_start3A_194 = tpu.memref_slice %arg12[%add3A_30, %dma_start3A_193] : memref<10240x16xf32, #tpu.memory_space<vmem_shared>> -> memref<80x16xf32, #tpu.memory_space<vmem_shared>>
      %dma_start3A_195 = arith.constant 0 : i32
      %dma_start3A_196 = tpu.memref_slice %arg12[%add3A_30, %dma_start3A_195] : memref<10240x16xf32, #tpu.memory_space<vmem_shared>> -> memref<80x16xf32, #tpu.memory_space<vmem_shared>>
      tpu.enqueue_dma source(%arg8 : memref<80x16xf32, #tpu.memory_space<vmem>>) target(%dma_start3A_196 : memref<80x16xf32, #tpu.memory_space<vmem_shared>>) target_semaphore(%run_scoped3A : memref<!tpu.dma_semaphore, #tpu.memory_space<semaphore_mem>>)
      %dma_wait3A_197 = arith.constant 0 : i32
      %dma_wait3A_198 = tpu.memref_slice %arg12[%add3A_30, %dma_wait3A_197] : memref<10240x16xf32, #tpu.memory_space<vmem_shared>> -> memref<80x16xf32, #tpu.memory_space<vmem_shared>>
      %dma_wait3A_199 = arith.constant 0 : i32
      %dma_wait3A_200 = tpu.memref_slice %arg12[%add3A_30, %dma_wait3A_199] : memref<10240x16xf32, #tpu.memory_space<vmem_shared>> -> memref<80x16xf32, #tpu.memory_space<vmem_shared>>
      tpu.wait_dma2 semaphore(%run_scoped3A : memref<!tpu.dma_semaphore, #tpu.memory_space<semaphore_mem>>) src(%arg8 : memref<80x16xf32, #tpu.memory_space<vmem>>) dst(%dma_wait3A_200 : memref<80x16xf32, #tpu.memory_space<vmem_shared>>)
      tpu.yield
    }) : () -> ()
    %mul3A_31 = arith.constant 640 : i32
    %mul3A_32 = arith.muli %arg1, %mul3A_31 : i32
    %add3A_33 = arith.constant 480 : i32
    %add3A_34 = arith.addi %mul3A_32, %add3A_33 : i32
    "tpu.region"() ({
      %run_scoped3A = tpu.sem_alloc : memref<!tpu.dma_semaphore, #tpu.memory_space<semaphore_mem>>
      %dma_start3A_193 = arith.constant 0 : i32
      %dma_start3A_194 = tpu.memref_slice %arg12[%add3A_34, %dma_start3A_193] : memref<10240x16xf32, #tpu.memory_space<vmem_shared>> -> memref<80x16xf32, #tpu.memory_space<vmem_shared>>
      %dma_start3A_195 = arith.constant 0 : i32
      %dma_start3A_196 = tpu.memref_slice %arg12[%add3A_34, %dma_start3A_195] : memref<10240x16xf32, #tpu.memory_space<vmem_shared>> -> memref<80x16xf32, #tpu.memory_space<vmem_shared>>
      tpu.enqueue_dma source(%arg8 : memref<80x16xf32, #tpu.memory_space<vmem>>) target(%dma_start3A_196 : memref<80x16xf32, #tpu.memory_space<vmem_shared>>) target_semaphore(%run_scoped3A : memref<!tpu.dma_semaphore, #tpu.memory_space<semaphore_mem>>)
      %dma_wait3A_197 = arith.constant 0 : i32
      %dma_wait3A_198 = tpu.memref_slice %arg12[%add3A_34, %dma_wait3A_197] : memref<10240x16xf32, #tpu.memory_space<vmem_shared>> -> memref<80x16xf32, #tpu.memory_space<vmem_shared>>
      %dma_wait3A_199 = arith.constant 0 : i32
      %dma_wait3A_200 = tpu.memref_slice %arg12[%add3A_34, %dma_wait3A_199] : memref<10240x16xf32, #tpu.memory_space<vmem_shared>> -> memref<80x16xf32, #tpu.memory_space<vmem_shared>>
      tpu.wait_dma2 semaphore(%run_scoped3A : memref<!tpu.dma_semaphore, #tpu.memory_space<semaphore_mem>>) src(%arg8 : memref<80x16xf32, #tpu.memory_space<vmem>>) dst(%dma_wait3A_200 : memref<80x16xf32, #tpu.memory_space<vmem_shared>>)
      tpu.yield
    }) : () -> ()
    %mul3A_35 = arith.constant 640 : i32
    %mul3A_36 = arith.muli %arg1, %mul3A_35 : i32
    %add3A_37 = arith.constant 560 : i32
    %add3A_38 = arith.addi %mul3A_36, %add3A_37 : i32
    "tpu.region"() ({
      %run_scoped3A = tpu.sem_alloc : memref<!tpu.dma_semaphore, #tpu.memory_space<semaphore_mem>>
      %dma_start3A_193 = arith.constant 0 : i32
      %dma_start3A_194 = tpu.memref_slice %arg12[%add3A_38, %dma_start3A_193] : memref<10240x16xf32, #tpu.memory_space<vmem_shared>> -> memref<80x16xf32, #tpu.memory_space<vmem_shared>>
      %dma_start3A_195 = arith.constant 0 : i32
      %dma_start3A_196 = tpu.memref_slice %arg12[%add3A_38, %dma_start3A_195] : memref<10240x16xf32, #tpu.memory_space<vmem_shared>> -> memref<80x16xf32, #tpu.memory_space<vmem_shared>>
      tpu.enqueue_dma source(%arg8 : memref<80x16xf32, #tpu.memory_space<vmem>>) target(%dma_start3A_196 : memref<80x16xf32, #tpu.memory_space<vmem_shared>>) target_semaphore(%run_scoped3A : memref<!tpu.dma_semaphore, #tpu.memory_space<semaphore_mem>>)
      %dma_wait3A_197 = arith.constant 0 : i32
      %dma_wait3A_198 = tpu.memref_slice %arg12[%add3A_38, %dma_wait3A_197] : memref<10240x16xf32, #tpu.memory_space<vmem_shared>> -> memref<80x16xf32, #tpu.memory_space<vmem_shared>>
      %dma_wait3A_199 = arith.constant 0 : i32
      %dma_wait3A_200 = tpu.memref_slice %arg12[%add3A_38, %dma_wait3A_199] : memref<10240x16xf32, #tpu.memory_space<vmem_shared>> -> memref<80x16xf32, #tpu.memory_space<vmem_shared>>
      tpu.wait_dma2 semaphore(%run_scoped3A : memref<!tpu.dma_semaphore, #tpu.memory_space<semaphore_mem>>) src(%arg8 : memref<80x16xf32, #tpu.memory_space<vmem>>) dst(%dma_wait3A_200 : memref<80x16xf32, #tpu.memory_space<vmem_shared>>)
      tpu.yield
    }) : () -> ()
    %mul3A_39 = arith.constant 128 : i32
    %mul3A_40 = arith.muli %add3A, %mul3A_39 : i32
    "tpu.region"() ({
      %run_scoped3A = tpu.sem_alloc : memref<!tpu.dma_semaphore, #tpu.memory_space<semaphore_mem>>
      %dma_start3A_193 = arith.constant 0 : i32
      %dma_start3A_194 = tpu.memref_slice %arg2[%mul3A_40, %dma_start3A_193] : memref<4096x80xi32, #tpu.memory_space<hbm>> -> memref<128x80xi32, #tpu.memory_space<hbm>>
      %dma_start3A_195 = arith.constant 0 : i32
      %dma_start3A_196 = tpu.memref_slice %arg2[%mul3A_40, %dma_start3A_195] : memref<4096x80xi32, #tpu.memory_space<hbm>> -> memref<128x80xi32, #tpu.memory_space<hbm>>
      tpu.enqueue_dma source(%dma_start3A_196 : memref<128x80xi32, #tpu.memory_space<hbm>>) target(%arg6 : memref<128x80xi32, #tpu.memory_space<vmem>>) target_semaphore(%run_scoped3A : memref<!tpu.dma_semaphore, #tpu.memory_space<semaphore_mem>>)
      %dma_wait3A_197 = arith.constant 0 : i32
      %dma_wait3A_198 = tpu.memref_slice %arg2[%mul3A_40, %dma_wait3A_197] : memref<4096x80xi32, #tpu.memory_space<hbm>> -> memref<128x80xi32, #tpu.memory_space<hbm>>
      %dma_wait3A_199 = arith.constant 0 : i32
      %dma_wait3A_200 = tpu.memref_slice %arg2[%mul3A_40, %dma_wait3A_199] : memref<4096x80xi32, #tpu.memory_space<hbm>> -> memref<128x80xi32, #tpu.memory_space<hbm>>
      tpu.wait_dma2 semaphore(%run_scoped3A : memref<!tpu.dma_semaphore, #tpu.memory_space<semaphore_mem>>) src(%dma_wait3A_200 : memref<128x80xi32, #tpu.memory_space<hbm>>) dst(%arg6 : memref<128x80xi32, #tpu.memory_space<vmem>>)
      tpu.yield
    }) : () -> ()
    %mul3A_41 = arith.constant 128 : i32
    %mul3A_42 = arith.muli %add3A, %mul3A_41 : i32
    "tpu.region"() ({
      %run_scoped3A = tpu.sem_alloc : memref<!tpu.dma_semaphore, #tpu.memory_space<semaphore_mem>>
      %dma_start3A_193 = arith.constant 0 : i32
      %dma_start3A_194 = tpu.memref_slice %arg3[%mul3A_42, %dma_start3A_193] : memref<4096x80xi32, #tpu.memory_space<hbm>> -> memref<128x80xi32, #tpu.memory_space<hbm>>
      %dma_start3A_195 = arith.constant 0 : i32
      %dma_start3A_196 = tpu.memref_slice %arg3[%mul3A_42, %dma_start3A_195] : memref<4096x80xi32, #tpu.memory_space<hbm>> -> memref<128x80xi32, #tpu.memory_space<hbm>>
      tpu.enqueue_dma source(%dma_start3A_196 : memref<128x80xi32, #tpu.memory_space<hbm>>) target(%arg7 : memref<128x80xi32, #tpu.memory_space<vmem>>) target_semaphore(%run_scoped3A : memref<!tpu.dma_semaphore, #tpu.memory_space<semaphore_mem>>)
      %dma_wait3A_197 = arith.constant 0 : i32
      %dma_wait3A_198 = tpu.memref_slice %arg3[%mul3A_42, %dma_wait3A_197] : memref<4096x80xi32, #tpu.memory_space<hbm>> -> memref<128x80xi32, #tpu.memory_space<hbm>>
      %dma_wait3A_199 = arith.constant 0 : i32
      %dma_wait3A_200 = tpu.memref_slice %arg3[%mul3A_42, %dma_wait3A_199] : memref<4096x80xi32, #tpu.memory_space<hbm>> -> memref<128x80xi32, #tpu.memory_space<hbm>>
      tpu.wait_dma2 semaphore(%run_scoped3A : memref<!tpu.dma_semaphore, #tpu.memory_space<semaphore_mem>>) src(%dma_wait3A_200 : memref<128x80xi32, #tpu.memory_space<hbm>>) dst(%arg7 : memref<128x80xi32, #tpu.memory_space<vmem>>)
      tpu.yield
    }) : () -> ()
    %barrier3A = arith.constant 0 : index
    tpu.barrier barrier_id(%barrier3A)
    %dma_start3A = arith.constant 0 : i32
    %dma_start3A_43 = arith.constant 0 : i32
    %dma_start3A_44 = tpu.memref_slice %arg6[%dma_start3A, %dma_start3A_43] : memref<128x80xi32, #tpu.memory_space<vmem>> -> memref<1x80xi32, #tpu.memory_space<vmem>>
    %dma_start3A_45 = tpu.memref_squeeze %dma_start3A_44 : memref<1x80xi32, #tpu.memory_space<vmem>> -> memref<80xi32, #tpu.memory_space<vmem>>
    %dma_start3A_46 = arith.constant 0 : i32
    %dma_start3A_47 = arith.constant 0 : i32
    %dma_start3A_48 = tpu.memref_slice %arg4[%dma_start3A_46, %dma_start3A_47] : memref<10240x16xf32, #tpu.memory_space<hbm>> -> memref<10240x16xf32, #tpu.memory_space<hbm>>
    tpu.enqueue_indirect_dma source(%dma_start3A_48 : memref<10240x16xf32, #tpu.memory_space<hbm>>) target(%arg8 : memref<80x16xf32, #tpu.memory_space<vmem>>) offsets(%dma_start3A_45 : memref<80xi32, #tpu.memory_space<vmem>>) semaphore(%arg13 : memref<!tpu.dma_semaphore, #tpu.memory_space<semaphore_mem>>)
    %dma_start3A_49 = arith.constant 1 : i32
    %dma_start3A_50 = arith.constant 0 : i32
    %dma_start3A_51 = tpu.memref_slice %arg6[%dma_start3A_49, %dma_start3A_50] : memref<128x80xi32, #tpu.memory_space<vmem>> -> memref<1x80xi32, #tpu.memory_space<vmem>>
    %dma_start3A_52 = tpu.memref_squeeze %dma_start3A_51 : memref<1x80xi32, #tpu.memory_space<vmem>> -> memref<80xi32, #tpu.memory_space<vmem>>
    %dma_start3A_53 = arith.constant 0 : i32
    %dma_start3A_54 = arith.constant 0 : i32
    %dma_start3A_55 = tpu.memref_slice %arg4[%dma_start3A_53, %dma_start3A_54] : memref<10240x16xf32, #tpu.memory_space<hbm>> -> memref<10240x16xf32, #tpu.memory_space<hbm>>
    tpu.enqueue_indirect_dma source(%dma_start3A_55 : memref<10240x16xf32, #tpu.memory_space<hbm>>) target(%arg9 : memref<80x16xf32, #tpu.memory_space<vmem>>) offsets(%dma_start3A_52 : memref<80xi32, #tpu.memory_space<vmem>>) semaphore(%arg14 : memref<!tpu.dma_semaphore, #tpu.memory_space<semaphore_mem>>)
    %dma_wait3A = arith.constant 0 : i32
    %dma_wait3A_56 = arith.constant 0 : i32
    %dma_wait3A_57 = tpu.memref_slice %arg6[%dma_wait3A, %dma_wait3A_56] : memref<128x80xi32, #tpu.memory_space<vmem>> -> memref<1x80xi32, #tpu.memory_space<vmem>>
    %dma_wait3A_58 = tpu.memref_squeeze %dma_wait3A_57 : memref<1x80xi32, #tpu.memory_space<vmem>> -> memref<80xi32, #tpu.memory_space<vmem>>
    %dma_wait3A_59 = arith.constant 0 : i32
    %dma_wait3A_60 = arith.constant 0 : i32
    %dma_wait3A_61 = tpu.memref_slice %arg4[%dma_wait3A_59, %dma_wait3A_60] : memref<10240x16xf32, #tpu.memory_space<hbm>> -> memref<10240x16xf32, #tpu.memory_space<hbm>>
    tpu.wait_indirect_dma semaphore(%arg13 : memref<!tpu.dma_semaphore, #tpu.memory_space<semaphore_mem>>) src(%dma_wait3A_61 : memref<10240x16xf32, #tpu.memory_space<hbm>>) dst(%arg8 : memref<80x16xf32, #tpu.memory_space<vmem>>)
    %dma_start3A_62 = arith.constant 2 : i32
    %dma_start3A_63 = arith.constant 0 : i32
    %dma_start3A_64 = tpu.memref_slice %arg6[%dma_start3A_62, %dma_start3A_63] : memref<128x80xi32, #tpu.memory_space<vmem>> -> memref<1x80xi32, #tpu.memory_space<vmem>>
    %dma_start3A_65 = tpu.memref_squeeze %dma_start3A_64 : memref<1x80xi32, #tpu.memory_space<vmem>> -> memref<80xi32, #tpu.memory_space<vmem>>
    %dma_start3A_66 = arith.constant 0 : i32
    %dma_start3A_67 = arith.constant 0 : i32
    %dma_start3A_68 = tpu.memref_slice %arg4[%dma_start3A_66, %dma_start3A_67] : memref<10240x16xf32, #tpu.memory_space<hbm>> -> memref<10240x16xf32, #tpu.memory_space<hbm>>
    tpu.enqueue_indirect_dma source(%dma_start3A_68 : memref<10240x16xf32, #tpu.memory_space<hbm>>) target(%arg10 : memref<80x16xf32, #tpu.memory_space<vmem>>) offsets(%dma_start3A_65 : memref<80xi32, #tpu.memory_space<vmem>>) semaphore(%arg15 : memref<!tpu.dma_semaphore, #tpu.memory_space<semaphore_mem>>)
    %dma_start3A_69 = arith.constant 0 : i32
    %dma_start3A_70 = arith.constant 0 : i32
    %dma_start3A_71 = tpu.memref_slice %arg7[%dma_start3A_69, %dma_start3A_70] : memref<128x80xi32, #tpu.memory_space<vmem>> -> memref<1x80xi32, #tpu.memory_space<vmem>>
    %dma_start3A_72 = tpu.memref_squeeze %dma_start3A_71 : memref<1x80xi32, #tpu.memory_space<vmem>> -> memref<80xi32, #tpu.memory_space<vmem>>
    %dma_start3A_73 = arith.constant 0 : i32
    %dma_start3A_74 = arith.constant 0 : i32
    %dma_start3A_75 = tpu.memref_slice %arg12[%dma_start3A_73, %dma_start3A_74] : memref<10240x16xf32, #tpu.memory_space<vmem_shared>> -> memref<10240x16xf32, #tpu.memory_space<vmem_shared>>
    tpu.enqueue_indirect_dma source(%arg8 : memref<80x16xf32, #tpu.memory_space<vmem>>) target(%dma_start3A_75 : memref<10240x16xf32, #tpu.memory_space<vmem_shared>>) offsets(%dma_start3A_72 : memref<80xi32, #tpu.memory_space<vmem>>) semaphore(%arg17 : memref<!tpu.dma_semaphore, #tpu.memory_space<semaphore_mem>>) {add = true}
    %dma_wait3A_76 = arith.constant 0 : i32
    %dma_wait3A_77 = arith.constant 0 : i32
    %dma_wait3A_78 = tpu.memref_slice %arg6[%dma_wait3A_76, %dma_wait3A_77] : memref<128x80xi32, #tpu.memory_space<vmem>> -> memref<1x80xi32, #tpu.memory_space<vmem>>
    %dma_wait3A_79 = tpu.memref_squeeze %dma_wait3A_78 : memref<1x80xi32, #tpu.memory_space<vmem>> -> memref<80xi32, #tpu.memory_space<vmem>>
    %dma_wait3A_80 = arith.constant 0 : i32
    %dma_wait3A_81 = arith.constant 0 : i32
    %dma_wait3A_82 = tpu.memref_slice %arg4[%dma_wait3A_80, %dma_wait3A_81] : memref<10240x16xf32, #tpu.memory_space<hbm>> -> memref<10240x16xf32, #tpu.memory_space<hbm>>
    tpu.wait_indirect_dma semaphore(%arg14 : memref<!tpu.dma_semaphore, #tpu.memory_space<semaphore_mem>>) src(%dma_wait3A_82 : memref<10240x16xf32, #tpu.memory_space<hbm>>) dst(%arg9 : memref<80x16xf32, #tpu.memory_space<vmem>>)
    %dma_wait3A_83 = arith.constant 0 : i32
    %dma_wait3A_84 = arith.constant 0 : i32
    %dma_wait3A_85 = tpu.memref_slice %arg7[%dma_wait3A_83, %dma_wait3A_84] : memref<128x80xi32, #tpu.memory_space<vmem>> -> memref<1x80xi32, #tpu.memory_space<vmem>>
    %dma_wait3A_86 = tpu.memref_squeeze %dma_wait3A_85 : memref<1x80xi32, #tpu.memory_space<vmem>> -> memref<80xi32, #tpu.memory_space<vmem>>
    %dma_wait3A_87 = arith.constant 0 : i32
    %dma_wait3A_88 = arith.constant 0 : i32
    %dma_wait3A_89 = tpu.memref_slice %arg12[%dma_wait3A_87, %dma_wait3A_88] : memref<10240x16xf32, #tpu.memory_space<vmem_shared>> -> memref<10240x16xf32, #tpu.memory_space<vmem_shared>>
    tpu.wait_indirect_dma semaphore(%arg17 : memref<!tpu.dma_semaphore, #tpu.memory_space<semaphore_mem>>) src(%arg8 : memref<80x16xf32, #tpu.memory_space<vmem>>) dst(%dma_wait3A_89 : memref<10240x16xf32, #tpu.memory_space<vmem_shared>>)
    %dma_start3A_90 = arith.constant 3 : i32
    %dma_start3A_91 = arith.constant 0 : i32
    %dma_start3A_92 = tpu.memref_slice %arg6[%dma_start3A_90, %dma_start3A_91] : memref<128x80xi32, #tpu.memory_space<vmem>> -> memref<1x80xi32, #tpu.memory_space<vmem>>
    %dma_start3A_93 = tpu.memref_squeeze %dma_start3A_92 : memref<1x80xi32, #tpu.memory_space<vmem>> -> memref<80xi32, #tpu.memory_space<vmem>>
    %dma_start3A_94 = arith.constant 0 : i32
    %dma_start3A_95 = arith.constant 0 : i32
    %dma_start3A_96 = tpu.memref_slice %arg4[%dma_start3A_94, %dma_start3A_95] : memref<10240x16xf32, #tpu.memory_space<hbm>> -> memref<10240x16xf32, #tpu.memory_space<hbm>>
    tpu.enqueue_indirect_dma source(%dma_start3A_96 : memref<10240x16xf32, #tpu.memory_space<hbm>>) target(%arg11 : memref<80x16xf32, #tpu.memory_space<vmem>>) offsets(%dma_start3A_93 : memref<80xi32, #tpu.memory_space<vmem>>) semaphore(%arg16 : memref<!tpu.dma_semaphore, #tpu.memory_space<semaphore_mem>>)
    %dma_start3A_97 = arith.constant 1 : i32
    %dma_start3A_98 = arith.constant 0 : i32
    %dma_start3A_99 = tpu.memref_slice %arg7[%dma_start3A_97, %dma_start3A_98] : memref<128x80xi32, #tpu.memory_space<vmem>> -> memref<1x80xi32, #tpu.memory_space<vmem>>
    %dma_start3A_100 = tpu.memref_squeeze %dma_start3A_99 : memref<1x80xi32, #tpu.memory_space<vmem>> -> memref<80xi32, #tpu.memory_space<vmem>>
    %dma_start3A_101 = arith.constant 0 : i32
    %dma_start3A_102 = arith.constant 0 : i32
    %dma_start3A_103 = tpu.memref_slice %arg12[%dma_start3A_101, %dma_start3A_102] : memref<10240x16xf32, #tpu.memory_space<vmem_shared>> -> memref<10240x16xf32, #tpu.memory_space<vmem_shared>>
    tpu.enqueue_indirect_dma source(%arg9 : memref<80x16xf32, #tpu.memory_space<vmem>>) target(%dma_start3A_103 : memref<10240x16xf32, #tpu.memory_space<vmem_shared>>) offsets(%dma_start3A_100 : memref<80xi32, #tpu.memory_space<vmem>>) semaphore(%arg18 : memref<!tpu.dma_semaphore, #tpu.memory_space<semaphore_mem>>) {add = true}
    %scan3A_104 = arith.constant 0 : i32
    %scan3A_105 = arith.constant 0 : i32
    %scan3A_106 = arith.constant 31 : i32
    %scan3A_107 = arith.addi %scan3A_105, %scan3A_106 : i32
    %scan3A_108 = arith.constant 1 : i32
    %scan3A_109 = scf.for %scan3A_193 = %scan3A_105 to %scan3A_107 step %scan3A_108 iter_args(%scan3A_194 = %scan3A_104) -> (i32)  : i32 {
      %mul3A_195 = arith.constant 4 : i32
      %mul3A_196 = arith.muli %mul3A_195, %scan3A_193 : i32
      %add3A_197 = arith.constant 2 : i32
      %add3A_198 = arith.addi %mul3A_196, %add3A_197 : i32
      %add3A_199 = arith.constant 0 : i32
      %add3A_200 = arith.addi %add3A_198, %add3A_199 : i32
      %dma_wait3A_201 = arith.constant 0 : i32
      %dma_wait3A_202 = arith.constant 0 : i32
      %dma_wait3A_203 = tpu.memref_slice %arg6[%dma_wait3A_201, %dma_wait3A_202] : memref<128x80xi32, #tpu.memory_space<vmem>> -> memref<1x80xi32, #tpu.memory_space<vmem>>
      %dma_wait3A_204 = tpu.memref_squeeze %dma_wait3A_203 : memref<1x80xi32, #tpu.memory_space<vmem>> -> memref<80xi32, #tpu.memory_space<vmem>>
      %dma_wait3A_205 = arith.constant 0 : i32
      %dma_wait3A_206 = arith.constant 0 : i32
      %dma_wait3A_207 = tpu.memref_slice %arg4[%dma_wait3A_205, %dma_wait3A_206] : memref<10240x16xf32, #tpu.memory_space<hbm>> -> memref<10240x16xf32, #tpu.memory_space<hbm>>
      tpu.wait_indirect_dma semaphore(%arg15 : memref<!tpu.dma_semaphore, #tpu.memory_space<semaphore_mem>>) src(%dma_wait3A_207 : memref<10240x16xf32, #tpu.memory_space<hbm>>) dst(%arg10 : memref<80x16xf32, #tpu.memory_space<vmem>>)
      %dma_wait3A_208 = arith.constant 0 : i32
      %dma_wait3A_209 = arith.constant 0 : i32
      %dma_wait3A_210 = tpu.memref_slice %arg7[%dma_wait3A_208, %dma_wait3A_209] : memref<128x80xi32, #tpu.memory_space<vmem>> -> memref<1x80xi32, #tpu.memory_space<vmem>>
      %dma_wait3A_211 = tpu.memref_squeeze %dma_wait3A_210 : memref<1x80xi32, #tpu.memory_space<vmem>> -> memref<80xi32, #tpu.memory_space<vmem>>
      %dma_wait3A_212 = arith.constant 0 : i32
      %dma_wait3A_213 = arith.constant 0 : i32
      %dma_wait3A_214 = tpu.memref_slice %arg12[%dma_wait3A_212, %dma_wait3A_213] : memref<10240x16xf32, #tpu.memory_space<vmem_shared>> -> memref<10240x16xf32, #tpu.memory_space<vmem_shared>>
      tpu.wait_indirect_dma semaphore(%arg18 : memref<!tpu.dma_semaphore, #tpu.memory_space<semaphore_mem>>) src(%arg9 : memref<80x16xf32, #tpu.memory_space<vmem>>) dst(%dma_wait3A_214 : memref<10240x16xf32, #tpu.memory_space<vmem_shared>>)
      %add3A_215 = arith.constant 2 : i32
      %add3A_216 = arith.addi %add3A_200, %add3A_215 : i32
      %dma_start3A_217 = arith.constant 0 : i32
      %dma_start3A_218 = tpu.memref_slice %arg6[%add3A_216, %dma_start3A_217] : memref<128x80xi32, #tpu.memory_space<vmem>> -> memref<1x80xi32, #tpu.memory_space<vmem>>
      %dma_start3A_219 = tpu.memref_squeeze %dma_start3A_218 : memref<1x80xi32, #tpu.memory_space<vmem>> -> memref<80xi32, #tpu.memory_space<vmem>>
      %dma_start3A_220 = arith.constant 0 : i32
      %dma_start3A_221 = arith.constant 0 : i32
      %dma_start3A_222 = tpu.memref_slice %arg4[%dma_start3A_220, %dma_start3A_221] : memref<10240x16xf32, #tpu.memory_space<hbm>> -> memref<10240x16xf32, #tpu.memory_space<hbm>>
      tpu.enqueue_indirect_dma source(%dma_start3A_222 : memref<10240x16xf32, #tpu.memory_space<hbm>>) target(%arg8 : memref<80x16xf32, #tpu.memory_space<vmem>>) offsets(%dma_start3A_219 : memref<80xi32, #tpu.memory_space<vmem>>) semaphore(%arg13 : memref<!tpu.dma_semaphore, #tpu.memory_space<semaphore_mem>>)
      %dma_start3A_223 = arith.constant 0 : i32
      %dma_start3A_224 = tpu.memref_slice %arg7[%add3A_200, %dma_start3A_223] : memref<128x80xi32, #tpu.memory_space<vmem>> -> memref<1x80xi32, #tpu.memory_space<vmem>>
      %dma_start3A_225 = tpu.memref_squeeze %dma_start3A_224 : memref<1x80xi32, #tpu.memory_space<vmem>> -> memref<80xi32, #tpu.memory_space<vmem>>
      %dma_start3A_226 = arith.constant 0 : i32
      %dma_start3A_227 = arith.constant 0 : i32
      %dma_start3A_228 = tpu.memref_slice %arg12[%dma_start3A_226, %dma_start3A_227] : memref<10240x16xf32, #tpu.memory_space<vmem_shared>> -> memref<10240x16xf32, #tpu.memory_space<vmem_shared>>
      tpu.enqueue_indirect_dma source(%arg10 : memref<80x16xf32, #tpu.memory_space<vmem>>) target(%dma_start3A_228 : memref<10240x16xf32, #tpu.memory_space<vmem_shared>>) offsets(%dma_start3A_225 : memref<80xi32, #tpu.memory_space<vmem>>) semaphore(%arg19 : memref<!tpu.dma_semaphore, #tpu.memory_space<semaphore_mem>>) {add = true}
      %add3A_229 = arith.constant 1 : i32
      %add3A_230 = arith.addi %add3A_198, %add3A_229 : i32
      %dma_wait3A_231 = arith.constant 0 : i32
      %dma_wait3A_232 = arith.constant 0 : i32
      %dma_wait3A_233 = tpu.memref_slice %arg6[%dma_wait3A_231, %dma_wait3A_232] : memref<128x80xi32, #tpu.memory_space<vmem>> -> memref<1x80xi32, #tpu.memory_space<vmem>>
      %dma_wait3A_234 = tpu.memref_squeeze %dma_wait3A_233 : memref<1x80xi32, #tpu.memory_space<vmem>> -> memref<80xi32, #tpu.memory_space<vmem>>
      %dma_wait3A_235 = arith.constant 0 : i32
      %dma_wait3A_236 = arith.constant 0 : i32
      %dma_wait3A_237 = tpu.memref_slice %arg4[%dma_wait3A_235, %dma_wait3A_236] : memref<10240x16xf32, #tpu.memory_space<hbm>> -> memref<10240x16xf32, #tpu.memory_space<hbm>>
      tpu.wait_indirect_dma semaphore(%arg16 : memref<!tpu.dma_semaphore, #tpu.memory_space<semaphore_mem>>) src(%dma_wait3A_237 : memref<10240x16xf32, #tpu.memory_space<hbm>>) dst(%arg11 : memref<80x16xf32, #tpu.memory_space<vmem>>)
      %dma_wait3A_238 = arith.constant 0 : i32
      %dma_wait3A_239 = arith.constant 0 : i32
      %dma_wait3A_240 = tpu.memref_slice %arg7[%dma_wait3A_238, %dma_wait3A_239] : memref<128x80xi32, #tpu.memory_space<vmem>> -> memref<1x80xi32, #tpu.memory_space<vmem>>
      %dma_wait3A_241 = tpu.memref_squeeze %dma_wait3A_240 : memref<1x80xi32, #tpu.memory_space<vmem>> -> memref<80xi32, #tpu.memory_space<vmem>>
      %dma_wait3A_242 = arith.constant 0 : i32
      %dma_wait3A_243 = arith.constant 0 : i32
      %dma_wait3A_244 = tpu.memref_slice %arg12[%dma_wait3A_242, %dma_wait3A_243] : memref<10240x16xf32, #tpu.memory_space<vmem_shared>> -> memref<10240x16xf32, #tpu.memory_space<vmem_shared>>
      tpu.wait_indirect_dma semaphore(%arg19 : memref<!tpu.dma_semaphore, #tpu.memory_space<semaphore_mem>>) src(%arg10 : memref<80x16xf32, #tpu.memory_space<vmem>>) dst(%dma_wait3A_244 : memref<10240x16xf32, #tpu.memory_space<vmem_shared>>)
      %add3A_245 = arith.constant 2 : i32
      %add3A_246 = arith.addi %add3A_230, %add3A_245 : i32
      %dma_start3A_247 = arith.constant 0 : i32
      %dma_start3A_248 = tpu.memref_slice %arg6[%add3A_246, %dma_start3A_247] : memref<128x80xi32, #tpu.memory_space<vmem>> -> memref<1x80xi32, #tpu.memory_space<vmem>>
      %dma_start3A_249 = tpu.memref_squeeze %dma_start3A_248 : memref<1x80xi32, #tpu.memory_space<vmem>> -> memref<80xi32, #tpu.memory_space<vmem>>
      %dma_start3A_250 = arith.constant 0 : i32
      %dma_start3A_251 = arith.constant 0 : i32
      %dma_start3A_252 = tpu.memref_slice %arg4[%dma_start3A_250, %dma_start3A_251] : memref<10240x16xf32, #tpu.memory_space<hbm>> -> memref<10240x16xf32, #tpu.memory_space<hbm>>
      tpu.enqueue_indirect_dma source(%dma_start3A_252 : memref<10240x16xf32, #tpu.memory_space<hbm>>) target(%arg9 : memref<80x16xf32, #tpu.memory_space<vmem>>) offsets(%dma_start3A_249 : memref<80xi32, #tpu.memory_space<vmem>>) semaphore(%arg14 : memref<!tpu.dma_semaphore, #tpu.memory_space<semaphore_mem>>)
      %dma_start3A_253 = arith.constant 0 : i32
      %dma_start3A_254 = tpu.memref_slice %arg7[%add3A_230, %dma_start3A_253] : memref<128x80xi32, #tpu.memory_space<vmem>> -> memref<1x80xi32, #tpu.memory_space<vmem>>
      %dma_start3A_255 = tpu.memref_squeeze %dma_start3A_254 : memref<1x80xi32, #tpu.memory_space<vmem>> -> memref<80xi32, #tpu.memory_space<vmem>>
      %dma_start3A_256 = arith.constant 0 : i32
      %dma_start3A_257 = arith.constant 0 : i32
      %dma_start3A_258 = tpu.memref_slice %arg12[%dma_start3A_256, %dma_start3A_257] : memref<10240x16xf32, #tpu.memory_space<vmem_shared>> -> memref<10240x16xf32, #tpu.memory_space<vmem_shared>>
      tpu.enqueue_indirect_dma source(%arg11 : memref<80x16xf32, #tpu.memory_space<vmem>>) target(%dma_start3A_258 : memref<10240x16xf32, #tpu.memory_space<vmem_shared>>) offsets(%dma_start3A_255 : memref<80xi32, #tpu.memory_space<vmem>>) semaphore(%arg20 : memref<!tpu.dma_semaphore, #tpu.memory_space<semaphore_mem>>) {add = true}
      %add3A_259 = arith.constant 2 : i32
      %add3A_260 = arith.addi %add3A_198, %add3A_259 : i32
      %dma_wait3A_261 = arith.constant 0 : i32
      %dma_wait3A_262 = arith.constant 0 : i32
      %dma_wait3A_263 = tpu.memref_slice %arg6[%dma_wait3A_261, %dma_wait3A_262] : memref<128x80xi32, #tpu.memory_space<vmem>> -> memref<1x80xi32, #tpu.memory_space<vmem>>
      %dma_wait3A_264 = tpu.memref_squeeze %dma_wait3A_263 : memref<1x80xi32, #tpu.memory_space<vmem>> -> memref<80xi32, #tpu.memory_space<vmem>>
      %dma_wait3A_265 = arith.constant 0 : i32
      %dma_wait3A_266 = arith.constant 0 : i32
      %dma_wait3A_267 = tpu.memref_slice %arg4[%dma_wait3A_265, %dma_wait3A_266] : memref<10240x16xf32, #tpu.memory_space<hbm>> -> memref<10240x16xf32, #tpu.memory_space<hbm>>
      tpu.wait_indirect_dma semaphore(%arg13 : memref<!tpu.dma_semaphore, #tpu.memory_space<semaphore_mem>>) src(%dma_wait3A_267 : memref<10240x16xf32, #tpu.memory_space<hbm>>) dst(%arg8 : memref<80x16xf32, #tpu.memory_space<vmem>>)
      %dma_wait3A_268 = arith.constant 0 : i32
      %dma_wait3A_269 = arith.constant 0 : i32
      %dma_wait3A_270 = tpu.memref_slice %arg7[%dma_wait3A_268, %dma_wait3A_269] : memref<128x80xi32, #tpu.memory_space<vmem>> -> memref<1x80xi32, #tpu.memory_space<vmem>>
      %dma_wait3A_271 = tpu.memref_squeeze %dma_wait3A_270 : memref<1x80xi32, #tpu.memory_space<vmem>> -> memref<80xi32, #tpu.memory_space<vmem>>
      %dma_wait3A_272 = arith.constant 0 : i32
      %dma_wait3A_273 = arith.constant 0 : i32
      %dma_wait3A_274 = tpu.memref_slice %arg12[%dma_wait3A_272, %dma_wait3A_273] : memref<10240x16xf32, #tpu.memory_space<vmem_shared>> -> memref<10240x16xf32, #tpu.memory_space<vmem_shared>>
      tpu.wait_indirect_dma semaphore(%arg20 : memref<!tpu.dma_semaphore, #tpu.memory_space<semaphore_mem>>) src(%arg11 : memref<80x16xf32, #tpu.memory_space<vmem>>) dst(%dma_wait3A_274 : memref<10240x16xf32, #tpu.memory_space<vmem_shared>>)
      %add3A_275 = arith.constant 2 : i32
      %add3A_276 = arith.addi %add3A_260, %add3A_275 : i32
      %dma_start3A_277 = arith.constant 0 : i32
      %dma_start3A_278 = tpu.memref_slice %arg6[%add3A_276, %dma_start3A_277] : memref<128x80xi32, #tpu.memory_space<vmem>> -> memref<1x80xi32, #tpu.memory_space<vmem>>
      %dma_start3A_279 = tpu.memref_squeeze %dma_start3A_278 : memref<1x80xi32, #tpu.memory_space<vmem>> -> memref<80xi32, #tpu.memory_space<vmem>>
      %dma_start3A_280 = arith.constant 0 : i32
      %dma_start3A_281 = arith.constant 0 : i32
      %dma_start3A_282 = tpu.memref_slice %arg4[%dma_start3A_280, %dma_start3A_281] : memref<10240x16xf32, #tpu.memory_space<hbm>> -> memref<10240x16xf32, #tpu.memory_space<hbm>>
      tpu.enqueue_indirect_dma source(%dma_start3A_282 : memref<10240x16xf32, #tpu.memory_space<hbm>>) target(%arg10 : memref<80x16xf32, #tpu.memory_space<vmem>>) offsets(%dma_start3A_279 : memref<80xi32, #tpu.memory_space<vmem>>) semaphore(%arg15 : memref<!tpu.dma_semaphore, #tpu.memory_space<semaphore_mem>>)
      %dma_start3A_283 = arith.constant 0 : i32
      %dma_start3A_284 = tpu.memref_slice %arg7[%add3A_260, %dma_start3A_283] : memref<128x80xi32, #tpu.memory_space<vmem>> -> memref<1x80xi32, #tpu.memory_space<vmem>>
      %dma_start3A_285 = tpu.memref_squeeze %dma_start3A_284 : memref<1x80xi32, #tpu.memory_space<vmem>> -> memref<80xi32, #tpu.memory_space<vmem>>
      %dma_start3A_286 = arith.constant 0 : i32
      %dma_start3A_287 = arith.constant 0 : i32
      %dma_start3A_288 = tpu.memref_slice %arg12[%dma_start3A_286, %dma_start3A_287] : memref<10240x16xf32, #tpu.memory_space<vmem_shared>> -> memref<10240x16xf32, #tpu.memory_space<vmem_shared>>
      tpu.enqueue_indirect_dma source(%arg8 : memref<80x16xf32, #tpu.memory_space<vmem>>) target(%dma_start3A_288 : memref<10240x16xf32, #tpu.memory_space<vmem_shared>>) offsets(%dma_start3A_285 : memref<80xi32, #tpu.memory_space<vmem>>) semaphore(%arg17 : memref<!tpu.dma_semaphore, #tpu.memory_space<semaphore_mem>>) {add = true}
      %add3A_289 = arith.constant 3 : i32
      %add3A_290 = arith.addi %add3A_198, %add3A_289 : i32
      %dma_wait3A_291 = arith.constant 0 : i32
      %dma_wait3A_292 = arith.constant 0 : i32
      %dma_wait3A_293 = tpu.memref_slice %arg6[%dma_wait3A_291, %dma_wait3A_292] : memref<128x80xi32, #tpu.memory_space<vmem>> -> memref<1x80xi32, #tpu.memory_space<vmem>>
      %dma_wait3A_294 = tpu.memref_squeeze %dma_wait3A_293 : memref<1x80xi32, #tpu.memory_space<vmem>> -> memref<80xi32, #tpu.memory_space<vmem>>
      %dma_wait3A_295 = arith.constant 0 : i32
      %dma_wait3A_296 = arith.constant 0 : i32
      %dma_wait3A_297 = tpu.memref_slice %arg4[%dma_wait3A_295, %dma_wait3A_296] : memref<10240x16xf32, #tpu.memory_space<hbm>> -> memref<10240x16xf32, #tpu.memory_space<hbm>>
      tpu.wait_indirect_dma semaphore(%arg14 : memref<!tpu.dma_semaphore, #tpu.memory_space<semaphore_mem>>) src(%dma_wait3A_297 : memref<10240x16xf32, #tpu.memory_space<hbm>>) dst(%arg9 : memref<80x16xf32, #tpu.memory_space<vmem>>)
      %dma_wait3A_298 = arith.constant 0 : i32
      %dma_wait3A_299 = arith.constant 0 : i32
      %dma_wait3A_300 = tpu.memref_slice %arg7[%dma_wait3A_298, %dma_wait3A_299] : memref<128x80xi32, #tpu.memory_space<vmem>> -> memref<1x80xi32, #tpu.memory_space<vmem>>
      %dma_wait3A_301 = tpu.memref_squeeze %dma_wait3A_300 : memref<1x80xi32, #tpu.memory_space<vmem>> -> memref<80xi32, #tpu.memory_space<vmem>>
      %dma_wait3A_302 = arith.constant 0 : i32
      %dma_wait3A_303 = arith.constant 0 : i32
      %dma_wait3A_304 = tpu.memref_slice %arg12[%dma_wait3A_302, %dma_wait3A_303] : memref<10240x16xf32, #tpu.memory_space<vmem_shared>> -> memref<10240x16xf32, #tpu.memory_space<vmem_shared>>
      tpu.wait_indirect_dma semaphore(%arg17 : memref<!tpu.dma_semaphore, #tpu.memory_space<semaphore_mem>>) src(%arg8 : memref<80x16xf32, #tpu.memory_space<vmem>>) dst(%dma_wait3A_304 : memref<10240x16xf32, #tpu.memory_space<vmem_shared>>)
      %add3A_305 = arith.constant 2 : i32
      %add3A_306 = arith.addi %add3A_290, %add3A_305 : i32
      %dma_start3A_307 = arith.constant 0 : i32
      %dma_start3A_308 = tpu.memref_slice %arg6[%add3A_306, %dma_start3A_307] : memref<128x80xi32, #tpu.memory_space<vmem>> -> memref<1x80xi32, #tpu.memory_space<vmem>>
      %dma_start3A_309 = tpu.memref_squeeze %dma_start3A_308 : memref<1x80xi32, #tpu.memory_space<vmem>> -> memref<80xi32, #tpu.memory_space<vmem>>
      %dma_start3A_310 = arith.constant 0 : i32
      %dma_start3A_311 = arith.constant 0 : i32
      %dma_start3A_312 = tpu.memref_slice %arg4[%dma_start3A_310, %dma_start3A_311] : memref<10240x16xf32, #tpu.memory_space<hbm>> -> memref<10240x16xf32, #tpu.memory_space<hbm>>
      tpu.enqueue_indirect_dma source(%dma_start3A_312 : memref<10240x16xf32, #tpu.memory_space<hbm>>) target(%arg11 : memref<80x16xf32, #tpu.memory_space<vmem>>) offsets(%dma_start3A_309 : memref<80xi32, #tpu.memory_space<vmem>>) semaphore(%arg16 : memref<!tpu.dma_semaphore, #tpu.memory_space<semaphore_mem>>)
      %dma_start3A_313 = arith.constant 0 : i32
      %dma_start3A_314 = tpu.memref_slice %arg7[%add3A_290, %dma_start3A_313] : memref<128x80xi32, #tpu.memory_space<vmem>> -> memref<1x80xi32, #tpu.memory_space<vmem>>
      %dma_start3A_315 = tpu.memref_squeeze %dma_start3A_314 : memref<1x80xi32, #tpu.memory_space<vmem>> -> memref<80xi32, #tpu.memory_space<vmem>>
      %dma_start3A_316 = arith.constant 0 : i32
      %dma_start3A_317 = arith.constant 0 : i32
      %dma_start3A_318 = tpu.memref_slice %arg12[%dma_start3A_316, %dma_start3A_317] : memref<10240x16xf32, #tpu.memory_space<vmem_shared>> -> memref<10240x16xf32, #tpu.memory_space<vmem_shared>>
      tpu.enqueue_indirect_dma source(%arg9 : memref<80x16xf32, #tpu.memory_space<vmem>>) target(%dma_start3A_318 : memref<10240x16xf32, #tpu.memory_space<vmem_shared>>) offsets(%dma_start3A_315 : memref<80xi32, #tpu.memory_space<vmem>>) semaphore(%arg18 : memref<!tpu.dma_semaphore, #tpu.memory_space<semaphore_mem>>) {add = true}
      %scan3A_319 = arith.constant 0 : i32
      scf.yield %scan3A_319 : i32
    }
    %scan3A_110 = arith.constant 31 : i32
    %dma_wait3A_111 = arith.constant 0 : i32
    %dma_wait3A_112 = arith.constant 0 : i32
    %dma_wait3A_113 = tpu.memref_slice %arg6[%dma_wait3A_111, %dma_wait3A_112] : memref<128x80xi32, #tpu.memory_space<vmem>> -> memref<1x80xi32, #tpu.memory_space<vmem>>
    %dma_wait3A_114 = tpu.memref_squeeze %dma_wait3A_113 : memref<1x80xi32, #tpu.memory_space<vmem>> -> memref<80xi32, #tpu.memory_space<vmem>>
    %dma_wait3A_115 = arith.constant 0 : i32
    %dma_wait3A_116 = arith.constant 0 : i32
    %dma_wait3A_117 = tpu.memref_slice %arg4[%dma_wait3A_115, %dma_wait3A_116] : memref<10240x16xf32, #tpu.memory_space<hbm>> -> memref<10240x16xf32, #tpu.memory_space<hbm>>
    tpu.wait_indirect_dma semaphore(%arg15 : memref<!tpu.dma_semaphore, #tpu.memory_space<semaphore_mem>>) src(%dma_wait3A_117 : memref<10240x16xf32, #tpu.memory_space<hbm>>) dst(%arg10 : memref<80x16xf32, #tpu.memory_space<vmem>>)
    %dma_wait3A_118 = arith.constant 0 : i32
    %dma_wait3A_119 = arith.constant 0 : i32
    %dma_wait3A_120 = tpu.memref_slice %arg7[%dma_wait3A_118, %dma_wait3A_119] : memref<128x80xi32, #tpu.memory_space<vmem>> -> memref<1x80xi32, #tpu.memory_space<vmem>>
    %dma_wait3A_121 = tpu.memref_squeeze %dma_wait3A_120 : memref<1x80xi32, #tpu.memory_space<vmem>> -> memref<80xi32, #tpu.memory_space<vmem>>
    %dma_wait3A_122 = arith.constant 0 : i32
    %dma_wait3A_123 = arith.constant 0 : i32
    %dma_wait3A_124 = tpu.memref_slice %arg12[%dma_wait3A_122, %dma_wait3A_123] : memref<10240x16xf32, #tpu.memory_space<vmem_shared>> -> memref<10240x16xf32, #tpu.memory_space<vmem_shared>>
    tpu.wait_indirect_dma semaphore(%arg18 : memref<!tpu.dma_semaphore, #tpu.memory_space<semaphore_mem>>) src(%arg9 : memref<80x16xf32, #tpu.memory_space<vmem>>) dst(%dma_wait3A_124 : memref<10240x16xf32, #tpu.memory_space<vmem_shared>>)
    %dma_start3A_125 = arith.constant 126 : i32
    %dma_start3A_126 = arith.constant 0 : i32
    %dma_start3A_127 = tpu.memref_slice %arg7[%dma_start3A_125, %dma_start3A_126] : memref<128x80xi32, #tpu.memory_space<vmem>> -> memref<1x80xi32, #tpu.memory_space<vmem>>
    %dma_start3A_128 = tpu.memref_squeeze %dma_start3A_127 : memref<1x80xi32, #tpu.memory_space<vmem>> -> memref<80xi32, #tpu.memory_space<vmem>>
    %dma_start3A_129 = arith.constant 0 : i32
    %dma_start3A_130 = arith.constant 0 : i32
    %dma_start3A_131 = tpu.memref_slice %arg12[%dma_start3A_129, %dma_start3A_130] : memref<10240x16xf32, #tpu.memory_space<vmem_shared>> -> memref<10240x16xf32, #tpu.memory_space<vmem_shared>>
    tpu.enqueue_indirect_dma source(%arg10 : memref<80x16xf32, #tpu.memory_space<vmem>>) target(%dma_start3A_131 : memref<10240x16xf32, #tpu.memory_space<vmem_shared>>) offsets(%dma_start3A_128 : memref<80xi32, #tpu.memory_space<vmem>>) semaphore(%arg19 : memref<!tpu.dma_semaphore, #tpu.memory_space<semaphore_mem>>) {add = true}
    %dma_wait3A_132 = arith.constant 0 : i32
    %dma_wait3A_133 = arith.constant 0 : i32
    %dma_wait3A_134 = tpu.memref_slice %arg6[%dma_wait3A_132, %dma_wait3A_133] : memref<128x80xi32, #tpu.memory_space<vmem>> -> memref<1x80xi32, #tpu.memory_space<vmem>>
    %dma_wait3A_135 = tpu.memref_squeeze %dma_wait3A_134 : memref<1x80xi32, #tpu.memory_space<vmem>> -> memref<80xi32, #tpu.memory_space<vmem>>
    %dma_wait3A_136 = arith.constant 0 : i32
    %dma_wait3A_137 = arith.constant 0 : i32
    %dma_wait3A_138 = tpu.memref_slice %arg4[%dma_wait3A_136, %dma_wait3A_137] : memref<10240x16xf32, #tpu.memory_space<hbm>> -> memref<10240x16xf32, #tpu.memory_space<hbm>>
    tpu.wait_indirect_dma semaphore(%arg16 : memref<!tpu.dma_semaphore, #tpu.memory_space<semaphore_mem>>) src(%dma_wait3A_138 : memref<10240x16xf32, #tpu.memory_space<hbm>>) dst(%arg11 : memref<80x16xf32, #tpu.memory_space<vmem>>)
    %dma_wait3A_139 = arith.constant 0 : i32
    %dma_wait3A_140 = arith.constant 0 : i32
    %dma_wait3A_141 = tpu.memref_slice %arg7[%dma_wait3A_139, %dma_wait3A_140] : memref<128x80xi32, #tpu.memory_space<vmem>> -> memref<1x80xi32, #tpu.memory_space<vmem>>
    %dma_wait3A_142 = tpu.memref_squeeze %dma_wait3A_141 : memref<1x80xi32, #tpu.memory_space<vmem>> -> memref<80xi32, #tpu.memory_space<vmem>>
    %dma_wait3A_143 = arith.constant 0 : i32
    %dma_wait3A_144 = arith.constant 0 : i32
    %dma_wait3A_145 = tpu.memref_slice %arg12[%dma_wait3A_143, %dma_wait3A_144] : memref<10240x16xf32, #tpu.memory_space<vmem_shared>> -> memref<10240x16xf32, #tpu.memory_space<vmem_shared>>
    tpu.wait_indirect_dma semaphore(%arg19 : memref<!tpu.dma_semaphore, #tpu.memory_space<semaphore_mem>>) src(%arg10 : memref<80x16xf32, #tpu.memory_space<vmem>>) dst(%dma_wait3A_145 : memref<10240x16xf32, #tpu.memory_space<vmem_shared>>)
    %dma_start3A_146 = arith.constant 127 : i32
    %dma_start3A_147 = arith.constant 0 : i32
    %dma_start3A_148 = tpu.memref_slice %arg7[%dma_start3A_146, %dma_start3A_147] : memref<128x80xi32, #tpu.memory_space<vmem>> -> memref<1x80xi32, #tpu.memory_space<vmem>>
    %dma_start3A_149 = tpu.memref_squeeze %dma_start3A_148 : memref<1x80xi32, #tpu.memory_space<vmem>> -> memref<80xi32, #tpu.memory_space<vmem>>
    %dma_start3A_150 = arith.constant 0 : i32
    %dma_start3A_151 = arith.constant 0 : i32
    %dma_start3A_152 = tpu.memref_slice %arg12[%dma_start3A_150, %dma_start3A_151] : memref<10240x16xf32, #tpu.memory_space<vmem_shared>> -> memref<10240x16xf32, #tpu.memory_space<vmem_shared>>
    tpu.enqueue_indirect_dma source(%arg11 : memref<80x16xf32, #tpu.memory_space<vmem>>) target(%dma_start3A_152 : memref<10240x16xf32, #tpu.memory_space<vmem_shared>>) offsets(%dma_start3A_149 : memref<80xi32, #tpu.memory_space<vmem>>) semaphore(%arg20 : memref<!tpu.dma_semaphore, #tpu.memory_space<semaphore_mem>>) {add = true}
    %dma_wait3A_153 = arith.constant 0 : i32
    %dma_wait3A_154 = arith.constant 0 : i32
    %dma_wait3A_155 = tpu.memref_slice %arg7[%dma_wait3A_153, %dma_wait3A_154] : memref<128x80xi32, #tpu.memory_space<vmem>> -> memref<1x80xi32, #tpu.memory_space<vmem>>
    %dma_wait3A_156 = tpu.memref_squeeze %dma_wait3A_155 : memref<1x80xi32, #tpu.memory_space<vmem>> -> memref<80xi32, #tpu.memory_space<vmem>>
    %dma_wait3A_157 = arith.constant 0 : i32
    %dma_wait3A_158 = arith.constant 0 : i32
    %dma_wait3A_159 = tpu.memref_slice %arg12[%dma_wait3A_157, %dma_wait3A_158] : memref<10240x16xf32, #tpu.memory_space<vmem_shared>> -> memref<10240x16xf32, #tpu.memory_space<vmem_shared>>
    tpu.wait_indirect_dma semaphore(%arg20 : memref<!tpu.dma_semaphore, #tpu.memory_space<semaphore_mem>>) src(%arg11 : memref<80x16xf32, #tpu.memory_space<vmem>>) dst(%dma_wait3A_159 : memref<10240x16xf32, #tpu.memory_space<vmem_shared>>)
    %barrier3A_160 = arith.constant 0 : index
    tpu.barrier barrier_id(%barrier3A_160)
    %mul3A_161 = arith.constant 640 : i32
    %mul3A_162 = arith.muli %arg1, %mul3A_161 : i32
    %add3A_163 = arith.constant 0 : i32
    %add3A_164 = arith.addi %mul3A_162, %add3A_163 : i32
    "tpu.region"() ({
      %run_scoped3A = tpu.sem_alloc : memref<!tpu.dma_semaphore, #tpu.memory_space<semaphore_mem>>
      %dma_start3A_193 = arith.constant 0 : i32
      %dma_start3A_194 = tpu.memref_slice %arg5[%arg0, %add3A_164, %dma_start3A_193] : memref<2x10240x16xf32, #tpu.memory_space<hbm>> -> memref<1x80x16xf32, #tpu.memory_space<hbm>>
      %dma_start3A_195 = tpu.memref_squeeze %dma_start3A_194 : memref<1x80x16xf32, #tpu.memory_space<hbm>> -> memref<80x16xf32, #tpu.memory_space<hbm>>
      %dma_start3A_196 = arith.constant 0 : i32
      %dma_start3A_197 = tpu.memref_slice %arg12[%add3A_164, %dma_start3A_196] : memref<10240x16xf32, #tpu.memory_space<vmem_shared>> -> memref<80x16xf32, #tpu.memory_space<vmem_shared>>
      tpu.enqueue_dma source(%dma_start3A_197 : memref<80x16xf32, #tpu.memory_space<vmem_shared>>) target(%dma_start3A_195 : memref<80x16xf32, #tpu.memory_space<hbm>>) target_semaphore(%run_scoped3A : memref<!tpu.dma_semaphore, #tpu.memory_space<semaphore_mem>>)
      %dma_wait3A_198 = arith.constant 0 : i32
      %dma_wait3A_199 = tpu.memref_slice %arg5[%arg0, %add3A_164, %dma_wait3A_198] : memref<2x10240x16xf32, #tpu.memory_space<hbm>> -> memref<1x80x16xf32, #tpu.memory_space<hbm>>
      %dma_wait3A_200 = tpu.memref_squeeze %dma_wait3A_199 : memref<1x80x16xf32, #tpu.memory_space<hbm>> -> memref<80x16xf32, #tpu.memory_space<hbm>>
      %dma_wait3A_201 = arith.constant 0 : i32
      %dma_wait3A_202 = tpu.memref_slice %arg12[%add3A_164, %dma_wait3A_201] : memref<10240x16xf32, #tpu.memory_space<vmem_shared>> -> memref<80x16xf32, #tpu.memory_space<vmem_shared>>
      tpu.wait_dma2 semaphore(%run_scoped3A : memref<!tpu.dma_semaphore, #tpu.memory_space<semaphore_mem>>) src(%dma_wait3A_202 : memref<80x16xf32, #tpu.memory_space<vmem_shared>>) dst(%dma_wait3A_200 : memref<80x16xf32, #tpu.memory_space<hbm>>)
      tpu.yield
    }) : () -> ()
    %mul3A_165 = arith.constant 640 : i32
    %mul3A_166 = arith.muli %arg1, %mul3A_165 : i32
    %add3A_167 = arith.constant 80 : i32
    %add3A_168 = arith.addi %mul3A_166, %add3A_167 : i32
    "tpu.region"() ({
      %run_scoped3A = tpu.sem_alloc : memref<!tpu.dma_semaphore, #tpu.memory_space<semaphore_mem>>
      %dma_start3A_193 = arith.constant 0 : i32
      %dma_start3A_194 = tpu.memref_slice %arg5[%arg0, %add3A_168, %dma_start3A_193] : memref<2x10240x16xf32, #tpu.memory_space<hbm>> -> memref<1x80x16xf32, #tpu.memory_space<hbm>>
      %dma_start3A_195 = tpu.memref_squeeze %dma_start3A_194 : memref<1x80x16xf32, #tpu.memory_space<hbm>> -> memref<80x16xf32, #tpu.memory_space<hbm>>
      %dma_start3A_196 = arith.constant 0 : i32
      %dma_start3A_197 = tpu.memref_slice %arg12[%add3A_168, %dma_start3A_196] : memref<10240x16xf32, #tpu.memory_space<vmem_shared>> -> memref<80x16xf32, #tpu.memory_space<vmem_shared>>
      tpu.enqueue_dma source(%dma_start3A_197 : memref<80x16xf32, #tpu.memory_space<vmem_shared>>) target(%dma_start3A_195 : memref<80x16xf32, #tpu.memory_space<hbm>>) target_semaphore(%run_scoped3A : memref<!tpu.dma_semaphore, #tpu.memory_space<semaphore_mem>>)
      %dma_wait3A_198 = arith.constant 0 : i32
      %dma_wait3A_199 = tpu.memref_slice %arg5[%arg0, %add3A_168, %dma_wait3A_198] : memref<2x10240x16xf32, #tpu.memory_space<hbm>> -> memref<1x80x16xf32, #tpu.memory_space<hbm>>
      %dma_wait3A_200 = tpu.memref_squeeze %dma_wait3A_199 : memref<1x80x16xf32, #tpu.memory_space<hbm>> -> memref<80x16xf32, #tpu.memory_space<hbm>>
      %dma_wait3A_201 = arith.constant 0 : i32
      %dma_wait3A_202 = tpu.memref_slice %arg12[%add3A_168, %dma_wait3A_201] : memref<10240x16xf32, #tpu.memory_space<vmem_shared>> -> memref<80x16xf32, #tpu.memory_space<vmem_shared>>
      tpu.wait_dma2 semaphore(%run_scoped3A : memref<!tpu.dma_semaphore, #tpu.memory_space<semaphore_mem>>) src(%dma_wait3A_202 : memref<80x16xf32, #tpu.memory_space<vmem_shared>>) dst(%dma_wait3A_200 : memref<80x16xf32, #tpu.memory_space<hbm>>)
      tpu.yield
    }) : () -> ()
    %mul3A_169 = arith.constant 640 : i32
    %mul3A_170 = arith.muli %arg1, %mul3A_169 : i32
    %add3A_171 = arith.constant 160 : i32
    %add3A_172 = arith.addi %mul3A_170, %add3A_171 : i32
    "tpu.region"() ({
      %run_scoped3A = tpu.sem_alloc : memref<!tpu.dma_semaphore, #tpu.memory_space<semaphore_mem>>
      %dma_start3A_193 = arith.constant 0 : i32
      %dma_start3A_194 = tpu.memref_slice %arg5[%arg0, %add3A_172, %dma_start3A_193] : memref<2x10240x16xf32, #tpu.memory_space<hbm>> -> memref<1x80x16xf32, #tpu.memory_space<hbm>>
      %dma_start3A_195 = tpu.memref_squeeze %dma_start3A_194 : memref<1x80x16xf32, #tpu.memory_space<hbm>> -> memref<80x16xf32, #tpu.memory_space<hbm>>
      %dma_start3A_196 = arith.constant 0 : i32
      %dma_start3A_197 = tpu.memref_slice %arg12[%add3A_172, %dma_start3A_196] : memref<10240x16xf32, #tpu.memory_space<vmem_shared>> -> memref<80x16xf32, #tpu.memory_space<vmem_shared>>
      tpu.enqueue_dma source(%dma_start3A_197 : memref<80x16xf32, #tpu.memory_space<vmem_shared>>) target(%dma_start3A_195 : memref<80x16xf32, #tpu.memory_space<hbm>>) target_semaphore(%run_scoped3A : memref<!tpu.dma_semaphore, #tpu.memory_space<semaphore_mem>>)
      %dma_wait3A_198 = arith.constant 0 : i32
      %dma_wait3A_199 = tpu.memref_slice %arg5[%arg0, %add3A_172, %dma_wait3A_198] : memref<2x10240x16xf32, #tpu.memory_space<hbm>> -> memref<1x80x16xf32, #tpu.memory_space<hbm>>
      %dma_wait3A_200 = tpu.memref_squeeze %dma_wait3A_199 : memref<1x80x16xf32, #tpu.memory_space<hbm>> -> memref<80x16xf32, #tpu.memory_space<hbm>>
      %dma_wait3A_201 = arith.constant 0 : i32
      %dma_wait3A_202 = tpu.memref_slice %arg12[%add3A_172, %dma_wait3A_201] : memref<10240x16xf32, #tpu.memory_space<vmem_shared>> -> memref<80x16xf32, #tpu.memory_space<vmem_shared>>
      tpu.wait_dma2 semaphore(%run_scoped3A : memref<!tpu.dma_semaphore, #tpu.memory_space<semaphore_mem>>) src(%dma_wait3A_202 : memref<80x16xf32, #tpu.memory_space<vmem_shared>>) dst(%dma_wait3A_200 : memref<80x16xf32, #tpu.memory_space<hbm>>)
      tpu.yield
    }) : () -> ()
    %mul3A_173 = arith.constant 640 : i32
    %mul3A_174 = arith.muli %arg1, %mul3A_173 : i32
    %add3A_175 = arith.constant 240 : i32
    %add3A_176 = arith.addi %mul3A_174, %add3A_175 : i32
    "tpu.region"() ({
      %run_scoped3A = tpu.sem_alloc : memref<!tpu.dma_semaphore, #tpu.memory_space<semaphore_mem>>
      %dma_start3A_193 = arith.constant 0 : i32
      %dma_start3A_194 = tpu.memref_slice %arg5[%arg0, %add3A_176, %dma_start3A_193] : memref<2x10240x16xf32, #tpu.memory_space<hbm>> -> memref<1x80x16xf32, #tpu.memory_space<hbm>>
      %dma_start3A_195 = tpu.memref_squeeze %dma_start3A_194 : memref<1x80x16xf32, #tpu.memory_space<hbm>> -> memref<80x16xf32, #tpu.memory_space<hbm>>
      %dma_start3A_196 = arith.constant 0 : i32
      %dma_start3A_197 = tpu.memref_slice %arg12[%add3A_176, %dma_start3A_196] : memref<10240x16xf32, #tpu.memory_space<vmem_shared>> -> memref<80x16xf32, #tpu.memory_space<vmem_shared>>
      tpu.enqueue_dma source(%dma_start3A_197 : memref<80x16xf32, #tpu.memory_space<vmem_shared>>) target(%dma_start3A_195 : memref<80x16xf32, #tpu.memory_space<hbm>>) target_semaphore(%run_scoped3A : memref<!tpu.dma_semaphore, #tpu.memory_space<semaphore_mem>>)
      %dma_wait3A_198 = arith.constant 0 : i32
      %dma_wait3A_199 = tpu.memref_slice %arg5[%arg0, %add3A_176, %dma_wait3A_198] : memref<2x10240x16xf32, #tpu.memory_space<hbm>> -> memref<1x80x16xf32, #tpu.memory_space<hbm>>
      %dma_wait3A_200 = tpu.memref_squeeze %dma_wait3A_199 : memref<1x80x16xf32, #tpu.memory_space<hbm>> -> memref<80x16xf32, #tpu.memory_space<hbm>>
      %dma_wait3A_201 = arith.constant 0 : i32
      %dma_wait3A_202 = tpu.memref_slice %arg12[%add3A_176, %dma_wait3A_201] : memref<10240x16xf32, #tpu.memory_space<vmem_shared>> -> memref<80x16xf32, #tpu.memory_space<vmem_shared>>
      tpu.wait_dma2 semaphore(%run_scoped3A : memref<!tpu.dma_semaphore, #tpu.memory_space<semaphore_mem>>) src(%dma_wait3A_202 : memref<80x16xf32, #tpu.memory_space<vmem_shared>>) dst(%dma_wait3A_200 : memref<80x16xf32, #tpu.memory_space<hbm>>)
      tpu.yield
    }) : () -> ()
    %mul3A_177 = arith.constant 640 : i32
    %mul3A_178 = arith.muli %arg1, %mul3A_177 : i32
    %add3A_179 = arith.constant 320 : i32
    %add3A_180 = arith.addi %mul3A_178, %add3A_179 : i32
    "tpu.region"() ({
      %run_scoped3A = tpu.sem_alloc : memref<!tpu.dma_semaphore, #tpu.memory_space<semaphore_mem>>
      %dma_start3A_193 = arith.constant 0 : i32
      %dma_start3A_194 = tpu.memref_slice %arg5[%arg0, %add3A_180, %dma_start3A_193] : memref<2x10240x16xf32, #tpu.memory_space<hbm>> -> memref<1x80x16xf32, #tpu.memory_space<hbm>>
      %dma_start3A_195 = tpu.memref_squeeze %dma_start3A_194 : memref<1x80x16xf32, #tpu.memory_space<hbm>> -> memref<80x16xf32, #tpu.memory_space<hbm>>
      %dma_start3A_196 = arith.constant 0 : i32
      %dma_start3A_197 = tpu.memref_slice %arg12[%add3A_180, %dma_start3A_196] : memref<10240x16xf32, #tpu.memory_space<vmem_shared>> -> memref<80x16xf32, #tpu.memory_space<vmem_shared>>
      tpu.enqueue_dma source(%dma_start3A_197 : memref<80x16xf32, #tpu.memory_space<vmem_shared>>) target(%dma_start3A_195 : memref<80x16xf32, #tpu.memory_space<hbm>>) target_semaphore(%run_scoped3A : memref<!tpu.dma_semaphore, #tpu.memory_space<semaphore_mem>>)
      %dma_wait3A_198 = arith.constant 0 : i32
      %dma_wait3A_199 = tpu.memref_slice %arg5[%arg0, %add3A_180, %dma_wait3A_198] : memref<2x10240x16xf32, #tpu.memory_space<hbm>> -> memref<1x80x16xf32, #tpu.memory_space<hbm>>
      %dma_wait3A_200 = tpu.memref_squeeze %dma_wait3A_199 : memref<1x80x16xf32, #tpu.memory_space<hbm>> -> memref<80x16xf32, #tpu.memory_space<hbm>>
      %dma_wait3A_201 = arith.constant 0 : i32
      %dma_wait3A_202 = tpu.memref_slice %arg12[%add3A_180, %dma_wait3A_201] : memref<10240x16xf32, #tpu.memory_space<vmem_shared>> -> memref<80x16xf32, #tpu.memory_space<vmem_shared>>
      tpu.wait_dma2 semaphore(%run_scoped3A : memref<!tpu.dma_semaphore, #tpu.memory_space<semaphore_mem>>) src(%dma_wait3A_202 : memref<80x16xf32, #tpu.memory_space<vmem_shared>>) dst(%dma_wait3A_200 : memref<80x16xf32, #tpu.memory_space<hbm>>)
      tpu.yield
    }) : () -> ()
    %mul3A_181 = arith.constant 640 : i32
    %mul3A_182 = arith.muli %arg1, %mul3A_181 : i32
    %add3A_183 = arith.constant 400 : i32
    %add3A_184 = arith.addi %mul3A_182, %add3A_183 : i32
    "tpu.region"() ({
      %run_scoped3A = tpu.sem_alloc : memref<!tpu.dma_semaphore, #tpu.memory_space<semaphore_mem>>
      %dma_start3A_193 = arith.constant 0 : i32
      %dma_start3A_194 = tpu.memref_slice %arg5[%arg0, %add3A_184, %dma_start3A_193] : memref<2x10240x16xf32, #tpu.memory_space<hbm>> -> memref<1x80x16xf32, #tpu.memory_space<hbm>>
      %dma_start3A_195 = tpu.memref_squeeze %dma_start3A_194 : memref<1x80x16xf32, #tpu.memory_space<hbm>> -> memref<80x16xf32, #tpu.memory_space<hbm>>
      %dma_start3A_196 = arith.constant 0 : i32
      %dma_start3A_197 = tpu.memref_slice %arg12[%add3A_184, %dma_start3A_196] : memref<10240x16xf32, #tpu.memory_space<vmem_shared>> -> memref<80x16xf32, #tpu.memory_space<vmem_shared>>
      tpu.enqueue_dma source(%dma_start3A_197 : memref<80x16xf32, #tpu.memory_space<vmem_shared>>) target(%dma_start3A_195 : memref<80x16xf32, #tpu.memory_space<hbm>>) target_semaphore(%run_scoped3A : memref<!tpu.dma_semaphore, #tpu.memory_space<semaphore_mem>>)
      %dma_wait3A_198 = arith.constant 0 : i32
      %dma_wait3A_199 = tpu.memref_slice %arg5[%arg0, %add3A_184, %dma_wait3A_198] : memref<2x10240x16xf32, #tpu.memory_space<hbm>> -> memref<1x80x16xf32, #tpu.memory_space<hbm>>
      %dma_wait3A_200 = tpu.memref_squeeze %dma_wait3A_199 : memref<1x80x16xf32, #tpu.memory_space<hbm>> -> memref<80x16xf32, #tpu.memory_space<hbm>>
      %dma_wait3A_201 = arith.constant 0 : i32
      %dma_wait3A_202 = tpu.memref_slice %arg12[%add3A_184, %dma_wait3A_201] : memref<10240x16xf32, #tpu.memory_space<vmem_shared>> -> memref<80x16xf32, #tpu.memory_space<vmem_shared>>
      tpu.wait_dma2 semaphore(%run_scoped3A : memref<!tpu.dma_semaphore, #tpu.memory_space<semaphore_mem>>) src(%dma_wait3A_202 : memref<80x16xf32, #tpu.memory_space<vmem_shared>>) dst(%dma_wait3A_200 : memref<80x16xf32, #tpu.memory_space<hbm>>)
      tpu.yield
    }) : () -> ()
    %mul3A_185 = arith.constant 640 : i32
    %mul3A_186 = arith.muli %arg1, %mul3A_185 : i32
    %add3A_187 = arith.constant 480 : i32
    %add3A_188 = arith.addi %mul3A_186, %add3A_187 : i32
    "tpu.region"() ({
      %run_scoped3A = tpu.sem_alloc : memref<!tpu.dma_semaphore, #tpu.memory_space<semaphore_mem>>
      %dma_start3A_193 = arith.constant 0 : i32
      %dma_start3A_194 = tpu.memref_slice %arg5[%arg0, %add3A_188, %dma_start3A_193] : memref<2x10240x16xf32, #tpu.memory_space<hbm>> -> memref<1x80x16xf32, #tpu.memory_space<hbm>>
      %dma_start3A_195 = tpu.memref_squeeze %dma_start3A_194 : memref<1x80x16xf32, #tpu.memory_space<hbm>> -> memref<80x16xf32, #tpu.memory_space<hbm>>
      %dma_start3A_196 = arith.constant 0 : i32
      %dma_start3A_197 = tpu.memref_slice %arg12[%add3A_188, %dma_start3A_196] : memref<10240x16xf32, #tpu.memory_space<vmem_shared>> -> memref<80x16xf32, #tpu.memory_space<vmem_shared>>
      tpu.enqueue_dma source(%dma_start3A_197 : memref<80x16xf32, #tpu.memory_space<vmem_shared>>) target(%dma_start3A_195 : memref<80x16xf32, #tpu.memory_space<hbm>>) target_semaphore(%run_scoped3A : memref<!tpu.dma_semaphore, #tpu.memory_space<semaphore_mem>>)
      %dma_wait3A_198 = arith.constant 0 : i32
      %dma_wait3A_199 = tpu.memref_slice %arg5[%arg0, %add3A_188, %dma_wait3A_198] : memref<2x10240x16xf32, #tpu.memory_space<hbm>> -> memref<1x80x16xf32, #tpu.memory_space<hbm>>
      %dma_wait3A_200 = tpu.memref_squeeze %dma_wait3A_199 : memref<1x80x16xf32, #tpu.memory_space<hbm>> -> memref<80x16xf32, #tpu.memory_space<hbm>>
      %dma_wait3A_201 = arith.constant 0 : i32
      %dma_wait3A_202 = tpu.memref_slice %arg12[%add3A_188, %dma_wait3A_201] : memref<10240x16xf32, #tpu.memory_space<vmem_shared>> -> memref<80x16xf32, #tpu.memory_space<vmem_shared>>
      tpu.wait_dma2 semaphore(%run_scoped3A : memref<!tpu.dma_semaphore, #tpu.memory_space<semaphore_mem>>) src(%dma_wait3A_202 : memref<80x16xf32, #tpu.memory_space<vmem_shared>>) dst(%dma_wait3A_200 : memref<80x16xf32, #tpu.memory_space<hbm>>)
      tpu.yield
    }) : () -> ()
    %mul3A_189 = arith.constant 640 : i32
    %mul3A_190 = arith.muli %arg1, %mul3A_189 : i32
    %add3A_191 = arith.constant 560 : i32
    %add3A_192 = arith.addi %mul3A_190, %add3A_191 : i32
    "tpu.region"() ({
      %run_scoped3A = tpu.sem_alloc : memref<!tpu.dma_semaphore, #tpu.memory_space<semaphore_mem>>
      %dma_start3A_193 = arith.constant 0 : i32
      %dma_start3A_194 = tpu.memref_slice %arg5[%arg0, %add3A_192, %dma_start3A_193] : memref<2x10240x16xf32, #tpu.memory_space<hbm>> -> memref<1x80x16xf32, #tpu.memory_space<hbm>>
      %dma_start3A_195 = tpu.memref_squeeze %dma_start3A_194 : memref<1x80x16xf32, #tpu.memory_space<hbm>> -> memref<80x16xf32, #tpu.memory_space<hbm>>
      %dma_start3A_196 = arith.constant 0 : i32
      %dma_start3A_197 = tpu.memref_slice %arg12[%add3A_192, %dma_start3A_196] : memref<10240x16xf32, #tpu.memory_space<vmem_shared>> -> memref<80x16xf32, #tpu.memory_space<vmem_shared>>
      tpu.enqueue_dma source(%dma_start3A_197 : memref<80x16xf32, #tpu.memory_space<vmem_shared>>) target(%dma_start3A_195 : memref<80x16xf32, #tpu.memory_space<hbm>>) target_semaphore(%run_scoped3A : memref<!tpu.dma_semaphore, #tpu.memory_space<semaphore_mem>>)
      %dma_wait3A_198 = arith.constant 0 : i32
      %dma_wait3A_199 = tpu.memref_slice %arg5[%arg0, %add3A_192, %dma_wait3A_198] : memref<2x10240x16xf32, #tpu.memory_space<hbm>> -> memref<1x80x16xf32, #tpu.memory_space<hbm>>
      %dma_wait3A_200 = tpu.memref_squeeze %dma_wait3A_199 : memref<1x80x16xf32, #tpu.memory_space<hbm>> -> memref<80x16xf32, #tpu.memory_space<hbm>>
      %dma_wait3A_201 = arith.constant 0 : i32
      %dma_wait3A_202 = tpu.memref_slice %arg12[%add3A_192, %dma_wait3A_201] : memref<10240x16xf32, #tpu.memory_space<vmem_shared>> -> memref<80x16xf32, #tpu.memory_space<vmem_shared>>
      tpu.wait_dma2 semaphore(%run_scoped3A : memref<!tpu.dma_semaphore, #tpu.memory_space<semaphore_mem>>) src(%dma_wait3A_202 : memref<80x16xf32, #tpu.memory_space<vmem_shared>>) dst(%dma_wait3A_200 : memref<80x16xf32, #tpu.memory_space<hbm>>)
      tpu.yield
    }) : () -> ()
    return
  }
}

#map = affine_map<(d0, d1) -> (0, 0)>
#map1 = affine_map<(d0, d1) -> (0, 0, 0)>
module attributes {stable_mosaic.version = 14 : i64} {
  func.func @k(%arg0: i32, %arg1: i32, %arg2: memref<5120x64xi32, #tpu.memory_space<hbm>>, %arg3: memref<2x10240x16xf32, #tpu.memory_space<hbm>>, %arg4: memref<160x64xi32, #tpu.memory_space<vmem>>, %arg5: memref<64x16xf32, #tpu.memory_space<vmem>>, %arg6: memref<10240x16xf32, #tpu.memory_space<vmem_shared>>) attributes {dimension_semantics = [#tpu.dimension_semantics<core_parallel>, #tpu.dimension_semantics<subcore_parallel>], iteration_bounds = array<i64: 2, 16>, scalar_prefetch = 0 : i64, scratch_operands = 3 : i64, tpu.core_type = #tpu.core_type<sc_vector_subcore>, window_params = [{transform_indices = #map}, {transform_indices = #map1}]} {
    %mul3A = arith.constant 16 : i32
    %mul3A_0 = arith.muli %arg0, %mul3A : i32
    %add3A = arith.addi %mul3A_0, %arg1 : i32
    %scan3A = arith.constant 0 : i32
    %scan3A_1 = arith.constant 0 : i32
    %scan3A_2 = arith.constant 64 : i32
    %scan3A_3 = arith.addi %scan3A_1, %scan3A_2 : i32
    %scan3A_4 = arith.constant 1 : i32
    %scan3A_5 = scf.for %scan3A_104 = %scan3A_1 to %scan3A_3 step %scan3A_4 iter_args(%scan3A_105 = %scan3A) -> (i32)  : i32 {
      %broadcast_in_dim3A = arith.constant 0.000000e+00 : f32
      %broadcast_in_dim3A_106 = vector.broadcast %broadcast_in_dim3A : f32 to vector<16xf32>
      %swap3A = arith.index_cast %scan3A_104 : i32 to index
      %swap3A_107 = arith.constant 0 : index
      %swap3A_108 = tpu.vector_load %arg5[%swap3A, %swap3A_107] {strides = array<i32>} : memref<64x16xf32, #tpu.memory_space<vmem>>, vector<1x16xf32>,
      %swap3A_109 = vector.shape_cast %swap3A_108 : vector<1x16xf32> to vector<16xf32>
      %swap3A_110 = vector.shape_cast %broadcast_in_dim3A_106 : vector<16xf32> to vector<1x16xf32>
      tpu.vector_store %arg5[%swap3A, %swap3A_107], %swap3A_110 {strides = array<i32>} : memref<64x16xf32, #tpu.memory_space<vmem>>, vector<1x16xf32>,
      %scan3A_111 = arith.constant 0 : i32
      scf.yield %scan3A_111 : i32
    }
    %scan3A_6 = arith.constant 64 : i32
    %mul3A_7 = arith.constant 640 : i32
    %mul3A_8 = arith.muli %arg1, %mul3A_7 : i32
    %add3A_9 = arith.constant 0 : i32
    %add3A_10 = arith.addi %mul3A_8, %add3A_9 : i32
    "tpu.region"() ({
      %run_scoped3A = tpu.sem_alloc : memref<!tpu.dma_semaphore, #tpu.memory_space<semaphore_mem>>
      %dma_start3A = arith.constant 0 : i32
      %dma_start3A_104 = tpu.memref_slice %arg6[%add3A_10, %dma_start3A] : memref<10240x16xf32, #tpu.memory_space<vmem_shared>> -> memref<64x16xf32, #tpu.memory_space<vmem_shared>>
      %dma_start3A_105 = arith.constant 0 : i32
      %dma_start3A_106 = tpu.memref_slice %arg6[%add3A_10, %dma_start3A_105] : memref<10240x16xf32, #tpu.memory_space<vmem_shared>> -> memref<64x16xf32, #tpu.memory_space<vmem_shared>>
      tpu.enqueue_dma source(%arg5 : memref<64x16xf32, #tpu.memory_space<vmem>>) target(%dma_start3A_106 : memref<64x16xf32, #tpu.memory_space<vmem_shared>>) target_semaphore(%run_scoped3A : memref<!tpu.dma_semaphore, #tpu.memory_space<semaphore_mem>>)
      %dma_wait3A = arith.constant 0 : i32
      %dma_wait3A_107 = tpu.memref_slice %arg6[%add3A_10, %dma_wait3A] : memref<10240x16xf32, #tpu.memory_space<vmem_shared>> -> memref<64x16xf32, #tpu.memory_space<vmem_shared>>
      %dma_wait3A_108 = arith.constant 0 : i32
      %dma_wait3A_109 = tpu.memref_slice %arg6[%add3A_10, %dma_wait3A_108] : memref<10240x16xf32, #tpu.memory_space<vmem_shared>> -> memref<64x16xf32, #tpu.memory_space<vmem_shared>>
      tpu.wait_dma2 semaphore(%run_scoped3A : memref<!tpu.dma_semaphore, #tpu.memory_space<semaphore_mem>>) src(%arg5 : memref<64x16xf32, #tpu.memory_space<vmem>>) dst(%dma_wait3A_109 : memref<64x16xf32, #tpu.memory_space<vmem_shared>>)
      tpu.yield
    }) : () -> ()
    %mul3A_11 = arith.constant 640 : i32
    %mul3A_12 = arith.muli %arg1, %mul3A_11 : i32
    %add3A_13 = arith.constant 64 : i32
    %add3A_14 = arith.addi %mul3A_12, %add3A_13 : i32
    "tpu.region"() ({
      %run_scoped3A = tpu.sem_alloc : memref<!tpu.dma_semaphore, #tpu.memory_space<semaphore_mem>>
      %dma_start3A = arith.constant 0 : i32
      %dma_start3A_104 = tpu.memref_slice %arg6[%add3A_14, %dma_start3A] : memref<10240x16xf32, #tpu.memory_space<vmem_shared>> -> memref<64x16xf32, #tpu.memory_space<vmem_shared>>
      %dma_start3A_105 = arith.constant 0 : i32
      %dma_start3A_106 = tpu.memref_slice %arg6[%add3A_14, %dma_start3A_105] : memref<10240x16xf32, #tpu.memory_space<vmem_shared>> -> memref<64x16xf32, #tpu.memory_space<vmem_shared>>
      tpu.enqueue_dma source(%arg5 : memref<64x16xf32, #tpu.memory_space<vmem>>) target(%dma_start3A_106 : memref<64x16xf32, #tpu.memory_space<vmem_shared>>) target_semaphore(%run_scoped3A : memref<!tpu.dma_semaphore, #tpu.memory_space<semaphore_mem>>)
      %dma_wait3A = arith.constant 0 : i32
      %dma_wait3A_107 = tpu.memref_slice %arg6[%add3A_14, %dma_wait3A] : memref<10240x16xf32, #tpu.memory_space<vmem_shared>> -> memref<64x16xf32, #tpu.memory_space<vmem_shared>>
      %dma_wait3A_108 = arith.constant 0 : i32
      %dma_wait3A_109 = tpu.memref_slice %arg6[%add3A_14, %dma_wait3A_108] : memref<10240x16xf32, #tpu.memory_space<vmem_shared>> -> memref<64x16xf32, #tpu.memory_space<vmem_shared>>
      tpu.wait_dma2 semaphore(%run_scoped3A : memref<!tpu.dma_semaphore, #tpu.memory_space<semaphore_mem>>) src(%arg5 : memref<64x16xf32, #tpu.memory_space<vmem>>) dst(%dma_wait3A_109 : memref<64x16xf32, #tpu.memory_space<vmem_shared>>)
      tpu.yield
    }) : () -> ()
    %mul3A_15 = arith.constant 640 : i32
    %mul3A_16 = arith.muli %arg1, %mul3A_15 : i32
    %add3A_17 = arith.constant 128 : i32
    %add3A_18 = arith.addi %mul3A_16, %add3A_17 : i32
    "tpu.region"() ({
      %run_scoped3A = tpu.sem_alloc : memref<!tpu.dma_semaphore, #tpu.memory_space<semaphore_mem>>
      %dma_start3A = arith.constant 0 : i32
      %dma_start3A_104 = tpu.memref_slice %arg6[%add3A_18, %dma_start3A] : memref<10240x16xf32, #tpu.memory_space<vmem_shared>> -> memref<64x16xf32, #tpu.memory_space<vmem_shared>>
      %dma_start3A_105 = arith.constant 0 : i32
      %dma_start3A_106 = tpu.memref_slice %arg6[%add3A_18, %dma_start3A_105] : memref<10240x16xf32, #tpu.memory_space<vmem_shared>> -> memref<64x16xf32, #tpu.memory_space<vmem_shared>>
      tpu.enqueue_dma source(%arg5 : memref<64x16xf32, #tpu.memory_space<vmem>>) target(%dma_start3A_106 : memref<64x16xf32, #tpu.memory_space<vmem_shared>>) target_semaphore(%run_scoped3A : memref<!tpu.dma_semaphore, #tpu.memory_space<semaphore_mem>>)
      %dma_wait3A = arith.constant 0 : i32
      %dma_wait3A_107 = tpu.memref_slice %arg6[%add3A_18, %dma_wait3A] : memref<10240x16xf32, #tpu.memory_space<vmem_shared>> -> memref<64x16xf32, #tpu.memory_space<vmem_shared>>
      %dma_wait3A_108 = arith.constant 0 : i32
      %dma_wait3A_109 = tpu.memref_slice %arg6[%add3A_18, %dma_wait3A_108] : memref<10240x16xf32, #tpu.memory_space<vmem_shared>> -> memref<64x16xf32, #tpu.memory_space<vmem_shared>>
      tpu.wait_dma2 semaphore(%run_scoped3A : memref<!tpu.dma_semaphore, #tpu.memory_space<semaphore_mem>>) src(%arg5 : memref<64x16xf32, #tpu.memory_space<vmem>>) dst(%dma_wait3A_109 : memref<64x16xf32, #tpu.memory_space<vmem_shared>>)
      tpu.yield
    }) : () -> ()
    %mul3A_19 = arith.constant 640 : i32
    %mul3A_20 = arith.muli %arg1, %mul3A_19 : i32
    %add3A_21 = arith.constant 192 : i32
    %add3A_22 = arith.addi %mul3A_20, %add3A_21 : i32
    "tpu.region"() ({
      %run_scoped3A = tpu.sem_alloc : memref<!tpu.dma_semaphore, #tpu.memory_space<semaphore_mem>>
      %dma_start3A = arith.constant 0 : i32
      %dma_start3A_104 = tpu.memref_slice %arg6[%add3A_22, %dma_start3A] : memref<10240x16xf32, #tpu.memory_space<vmem_shared>> -> memref<64x16xf32, #tpu.memory_space<vmem_shared>>
      %dma_start3A_105 = arith.constant 0 : i32
      %dma_start3A_106 = tpu.memref_slice %arg6[%add3A_22, %dma_start3A_105] : memref<10240x16xf32, #tpu.memory_space<vmem_shared>> -> memref<64x16xf32, #tpu.memory_space<vmem_shared>>
      tpu.enqueue_dma source(%arg5 : memref<64x16xf32, #tpu.memory_space<vmem>>) target(%dma_start3A_106 : memref<64x16xf32, #tpu.memory_space<vmem_shared>>) target_semaphore(%run_scoped3A : memref<!tpu.dma_semaphore, #tpu.memory_space<semaphore_mem>>)
      %dma_wait3A = arith.constant 0 : i32
      %dma_wait3A_107 = tpu.memref_slice %arg6[%add3A_22, %dma_wait3A] : memref<10240x16xf32, #tpu.memory_space<vmem_shared>> -> memref<64x16xf32, #tpu.memory_space<vmem_shared>>
      %dma_wait3A_108 = arith.constant 0 : i32
      %dma_wait3A_109 = tpu.memref_slice %arg6[%add3A_22, %dma_wait3A_108] : memref<10240x16xf32, #tpu.memory_space<vmem_shared>> -> memref<64x16xf32, #tpu.memory_space<vmem_shared>>
      tpu.wait_dma2 semaphore(%run_scoped3A : memref<!tpu.dma_semaphore, #tpu.memory_space<semaphore_mem>>) src(%arg5 : memref<64x16xf32, #tpu.memory_space<vmem>>) dst(%dma_wait3A_109 : memref<64x16xf32, #tpu.memory_space<vmem_shared>>)
      tpu.yield
    }) : () -> ()
    %mul3A_23 = arith.constant 640 : i32
    %mul3A_24 = arith.muli %arg1, %mul3A_23 : i32
    %add3A_25 = arith.constant 256 : i32
    %add3A_26 = arith.addi %mul3A_24, %add3A_25 : i32
    "tpu.region"() ({
      %run_scoped3A = tpu.sem_alloc : memref<!tpu.dma_semaphore, #tpu.memory_space<semaphore_mem>>
      %dma_start3A = arith.constant 0 : i32
      %dma_start3A_104 = tpu.memref_slice %arg6[%add3A_26, %dma_start3A] : memref<10240x16xf32, #tpu.memory_space<vmem_shared>> -> memref<64x16xf32, #tpu.memory_space<vmem_shared>>
      %dma_start3A_105 = arith.constant 0 : i32
      %dma_start3A_106 = tpu.memref_slice %arg6[%add3A_26, %dma_start3A_105] : memref<10240x16xf32, #tpu.memory_space<vmem_shared>> -> memref<64x16xf32, #tpu.memory_space<vmem_shared>>
      tpu.enqueue_dma source(%arg5 : memref<64x16xf32, #tpu.memory_space<vmem>>) target(%dma_start3A_106 : memref<64x16xf32, #tpu.memory_space<vmem_shared>>) target_semaphore(%run_scoped3A : memref<!tpu.dma_semaphore, #tpu.memory_space<semaphore_mem>>)
      %dma_wait3A = arith.constant 0 : i32
      %dma_wait3A_107 = tpu.memref_slice %arg6[%add3A_26, %dma_wait3A] : memref<10240x16xf32, #tpu.memory_space<vmem_shared>> -> memref<64x16xf32, #tpu.memory_space<vmem_shared>>
      %dma_wait3A_108 = arith.constant 0 : i32
      %dma_wait3A_109 = tpu.memref_slice %arg6[%add3A_26, %dma_wait3A_108] : memref<10240x16xf32, #tpu.memory_space<vmem_shared>> -> memref<64x16xf32, #tpu.memory_space<vmem_shared>>
      tpu.wait_dma2 semaphore(%run_scoped3A : memref<!tpu.dma_semaphore, #tpu.memory_space<semaphore_mem>>) src(%arg5 : memref<64x16xf32, #tpu.memory_space<vmem>>) dst(%dma_wait3A_109 : memref<64x16xf32, #tpu.memory_space<vmem_shared>>)
      tpu.yield
    }) : () -> ()
    %mul3A_27 = arith.constant 640 : i32
    %mul3A_28 = arith.muli %arg1, %mul3A_27 : i32
    %add3A_29 = arith.constant 320 : i32
    %add3A_30 = arith.addi %mul3A_28, %add3A_29 : i32
    "tpu.region"() ({
      %run_scoped3A = tpu.sem_alloc : memref<!tpu.dma_semaphore, #tpu.memory_space<semaphore_mem>>
      %dma_start3A = arith.constant 0 : i32
      %dma_start3A_104 = tpu.memref_slice %arg6[%add3A_30, %dma_start3A] : memref<10240x16xf32, #tpu.memory_space<vmem_shared>> -> memref<64x16xf32, #tpu.memory_space<vmem_shared>>
      %dma_start3A_105 = arith.constant 0 : i32
      %dma_start3A_106 = tpu.memref_slice %arg6[%add3A_30, %dma_start3A_105] : memref<10240x16xf32, #tpu.memory_space<vmem_shared>> -> memref<64x16xf32, #tpu.memory_space<vmem_shared>>
      tpu.enqueue_dma source(%arg5 : memref<64x16xf32, #tpu.memory_space<vmem>>) target(%dma_start3A_106 : memref<64x16xf32, #tpu.memory_space<vmem_shared>>) target_semaphore(%run_scoped3A : memref<!tpu.dma_semaphore, #tpu.memory_space<semaphore_mem>>)
      %dma_wait3A = arith.constant 0 : i32
      %dma_wait3A_107 = tpu.memref_slice %arg6[%add3A_30, %dma_wait3A] : memref<10240x16xf32, #tpu.memory_space<vmem_shared>> -> memref<64x16xf32, #tpu.memory_space<vmem_shared>>
      %dma_wait3A_108 = arith.constant 0 : i32
      %dma_wait3A_109 = tpu.memref_slice %arg6[%add3A_30, %dma_wait3A_108] : memref<10240x16xf32, #tpu.memory_space<vmem_shared>> -> memref<64x16xf32, #tpu.memory_space<vmem_shared>>
      tpu.wait_dma2 semaphore(%run_scoped3A : memref<!tpu.dma_semaphore, #tpu.memory_space<semaphore_mem>>) src(%arg5 : memref<64x16xf32, #tpu.memory_space<vmem>>) dst(%dma_wait3A_109 : memref<64x16xf32, #tpu.memory_space<vmem_shared>>)
      tpu.yield
    }) : () -> ()
    %mul3A_31 = arith.constant 640 : i32
    %mul3A_32 = arith.muli %arg1, %mul3A_31 : i32
    %add3A_33 = arith.constant 384 : i32
    %add3A_34 = arith.addi %mul3A_32, %add3A_33 : i32
    "tpu.region"() ({
      %run_scoped3A = tpu.sem_alloc : memref<!tpu.dma_semaphore, #tpu.memory_space<semaphore_mem>>
      %dma_start3A = arith.constant 0 : i32
      %dma_start3A_104 = tpu.memref_slice %arg6[%add3A_34, %dma_start3A] : memref<10240x16xf32, #tpu.memory_space<vmem_shared>> -> memref<64x16xf32, #tpu.memory_space<vmem_shared>>
      %dma_start3A_105 = arith.constant 0 : i32
      %dma_start3A_106 = tpu.memref_slice %arg6[%add3A_34, %dma_start3A_105] : memref<10240x16xf32, #tpu.memory_space<vmem_shared>> -> memref<64x16xf32, #tpu.memory_space<vmem_shared>>
      tpu.enqueue_dma source(%arg5 : memref<64x16xf32, #tpu.memory_space<vmem>>) target(%dma_start3A_106 : memref<64x16xf32, #tpu.memory_space<vmem_shared>>) target_semaphore(%run_scoped3A : memref<!tpu.dma_semaphore, #tpu.memory_space<semaphore_mem>>)
      %dma_wait3A = arith.constant 0 : i32
      %dma_wait3A_107 = tpu.memref_slice %arg6[%add3A_34, %dma_wait3A] : memref<10240x16xf32, #tpu.memory_space<vmem_shared>> -> memref<64x16xf32, #tpu.memory_space<vmem_shared>>
      %dma_wait3A_108 = arith.constant 0 : i32
      %dma_wait3A_109 = tpu.memref_slice %arg6[%add3A_34, %dma_wait3A_108] : memref<10240x16xf32, #tpu.memory_space<vmem_shared>> -> memref<64x16xf32, #tpu.memory_space<vmem_shared>>
      tpu.wait_dma2 semaphore(%run_scoped3A : memref<!tpu.dma_semaphore, #tpu.memory_space<semaphore_mem>>) src(%arg5 : memref<64x16xf32, #tpu.memory_space<vmem>>) dst(%dma_wait3A_109 : memref<64x16xf32, #tpu.memory_space<vmem_shared>>)
      tpu.yield
    }) : () -> ()
    %mul3A_35 = arith.constant 640 : i32
    %mul3A_36 = arith.muli %arg1, %mul3A_35 : i32
    %add3A_37 = arith.constant 448 : i32
    %add3A_38 = arith.addi %mul3A_36, %add3A_37 : i32
    "tpu.region"() ({
      %run_scoped3A = tpu.sem_alloc : memref<!tpu.dma_semaphore, #tpu.memory_space<semaphore_mem>>
      %dma_start3A = arith.constant 0 : i32
      %dma_start3A_104 = tpu.memref_slice %arg6[%add3A_38, %dma_start3A] : memref<10240x16xf32, #tpu.memory_space<vmem_shared>> -> memref<64x16xf32, #tpu.memory_space<vmem_shared>>
      %dma_start3A_105 = arith.constant 0 : i32
      %dma_start3A_106 = tpu.memref_slice %arg6[%add3A_38, %dma_start3A_105] : memref<10240x16xf32, #tpu.memory_space<vmem_shared>> -> memref<64x16xf32, #tpu.memory_space<vmem_shared>>
      tpu.enqueue_dma source(%arg5 : memref<64x16xf32, #tpu.memory_space<vmem>>) target(%dma_start3A_106 : memref<64x16xf32, #tpu.memory_space<vmem_shared>>) target_semaphore(%run_scoped3A : memref<!tpu.dma_semaphore, #tpu.memory_space<semaphore_mem>>)
      %dma_wait3A = arith.constant 0 : i32
      %dma_wait3A_107 = tpu.memref_slice %arg6[%add3A_38, %dma_wait3A] : memref<10240x16xf32, #tpu.memory_space<vmem_shared>> -> memref<64x16xf32, #tpu.memory_space<vmem_shared>>
      %dma_wait3A_108 = arith.constant 0 : i32
      %dma_wait3A_109 = tpu.memref_slice %arg6[%add3A_38, %dma_wait3A_108] : memref<10240x16xf32, #tpu.memory_space<vmem_shared>> -> memref<64x16xf32, #tpu.memory_space<vmem_shared>>
      tpu.wait_dma2 semaphore(%run_scoped3A : memref<!tpu.dma_semaphore, #tpu.memory_space<semaphore_mem>>) src(%arg5 : memref<64x16xf32, #tpu.memory_space<vmem>>) dst(%dma_wait3A_109 : memref<64x16xf32, #tpu.memory_space<vmem_shared>>)
      tpu.yield
    }) : () -> ()
    %mul3A_39 = arith.constant 640 : i32
    %mul3A_40 = arith.muli %arg1, %mul3A_39 : i32
    %add3A_41 = arith.constant 512 : i32
    %add3A_42 = arith.addi %mul3A_40, %add3A_41 : i32
    "tpu.region"() ({
      %run_scoped3A = tpu.sem_alloc : memref<!tpu.dma_semaphore, #tpu.memory_space<semaphore_mem>>
      %dma_start3A = arith.constant 0 : i32
      %dma_start3A_104 = tpu.memref_slice %arg6[%add3A_42, %dma_start3A] : memref<10240x16xf32, #tpu.memory_space<vmem_shared>> -> memref<64x16xf32, #tpu.memory_space<vmem_shared>>
      %dma_start3A_105 = arith.constant 0 : i32
      %dma_start3A_106 = tpu.memref_slice %arg6[%add3A_42, %dma_start3A_105] : memref<10240x16xf32, #tpu.memory_space<vmem_shared>> -> memref<64x16xf32, #tpu.memory_space<vmem_shared>>
      tpu.enqueue_dma source(%arg5 : memref<64x16xf32, #tpu.memory_space<vmem>>) target(%dma_start3A_106 : memref<64x16xf32, #tpu.memory_space<vmem_shared>>) target_semaphore(%run_scoped3A : memref<!tpu.dma_semaphore, #tpu.memory_space<semaphore_mem>>)
      %dma_wait3A = arith.constant 0 : i32
      %dma_wait3A_107 = tpu.memref_slice %arg6[%add3A_42, %dma_wait3A] : memref<10240x16xf32, #tpu.memory_space<vmem_shared>> -> memref<64x16xf32, #tpu.memory_space<vmem_shared>>
      %dma_wait3A_108 = arith.constant 0 : i32
      %dma_wait3A_109 = tpu.memref_slice %arg6[%add3A_42, %dma_wait3A_108] : memref<10240x16xf32, #tpu.memory_space<vmem_shared>> -> memref<64x16xf32, #tpu.memory_space<vmem_shared>>
      tpu.wait_dma2 semaphore(%run_scoped3A : memref<!tpu.dma_semaphore, #tpu.memory_space<semaphore_mem>>) src(%arg5 : memref<64x16xf32, #tpu.memory_space<vmem>>) dst(%dma_wait3A_109 : memref<64x16xf32, #tpu.memory_space<vmem_shared>>)
      tpu.yield
    }) : () -> ()
    %mul3A_43 = arith.constant 640 : i32
    %mul3A_44 = arith.muli %arg1, %mul3A_43 : i32
    %add3A_45 = arith.constant 576 : i32
    %add3A_46 = arith.addi %mul3A_44, %add3A_45 : i32
    "tpu.region"() ({
      %run_scoped3A = tpu.sem_alloc : memref<!tpu.dma_semaphore, #tpu.memory_space<semaphore_mem>>
      %dma_start3A = arith.constant 0 : i32
      %dma_start3A_104 = tpu.memref_slice %arg6[%add3A_46, %dma_start3A] : memref<10240x16xf32, #tpu.memory_space<vmem_shared>> -> memref<64x16xf32, #tpu.memory_space<vmem_shared>>
      %dma_start3A_105 = arith.constant 0 : i32
      %dma_start3A_106 = tpu.memref_slice %arg6[%add3A_46, %dma_start3A_105] : memref<10240x16xf32, #tpu.memory_space<vmem_shared>> -> memref<64x16xf32, #tpu.memory_space<vmem_shared>>
      tpu.enqueue_dma source(%arg5 : memref<64x16xf32, #tpu.memory_space<vmem>>) target(%dma_start3A_106 : memref<64x16xf32, #tpu.memory_space<vmem_shared>>) target_semaphore(%run_scoped3A : memref<!tpu.dma_semaphore, #tpu.memory_space<semaphore_mem>>)
      %dma_wait3A = arith.constant 0 : i32
      %dma_wait3A_107 = tpu.memref_slice %arg6[%add3A_46, %dma_wait3A] : memref<10240x16xf32, #tpu.memory_space<vmem_shared>> -> memref<64x16xf32, #tpu.memory_space<vmem_shared>>
      %dma_wait3A_108 = arith.constant 0 : i32
      %dma_wait3A_109 = tpu.memref_slice %arg6[%add3A_46, %dma_wait3A_108] : memref<10240x16xf32, #tpu.memory_space<vmem_shared>> -> memref<64x16xf32, #tpu.memory_space<vmem_shared>>
      tpu.wait_dma2 semaphore(%run_scoped3A : memref<!tpu.dma_semaphore, #tpu.memory_space<semaphore_mem>>) src(%arg5 : memref<64x16xf32, #tpu.memory_space<vmem>>) dst(%dma_wait3A_109 : memref<64x16xf32, #tpu.memory_space<vmem_shared>>)
      tpu.yield
    }) : () -> ()
    %scan3A_47 = arith.constant 0 : i32
    %scan3A_48 = arith.constant 0 : i32
    %scan3A_49 = arith.constant 64 : i32
    %scan3A_50 = arith.addi %scan3A_48, %scan3A_49 : i32
    %scan3A_51 = arith.constant 1 : i32
    %scan3A_52 = scf.for %scan3A_104 = %scan3A_48 to %scan3A_50 step %scan3A_51 iter_args(%scan3A_105 = %scan3A_47) -> (i32)  : i32 {
      %broadcast_in_dim3A = arith.constant 1.000000e+00 : f32
      %broadcast_in_dim3A_106 = vector.broadcast %broadcast_in_dim3A : f32 to vector<16xf32>
      %swap3A = arith.index_cast %scan3A_104 : i32 to index
      %swap3A_107 = arith.constant 0 : index
      %swap3A_108 = tpu.vector_load %arg5[%swap3A, %swap3A_107] {strides = array<i32>} : memref<64x16xf32, #tpu.memory_space<vmem>>, vector<1x16xf32>,
      %swap3A_109 = vector.shape_cast %swap3A_108 : vector<1x16xf32> to vector<16xf32>
      %swap3A_110 = vector.shape_cast %broadcast_in_dim3A_106 : vector<16xf32> to vector<1x16xf32>
      tpu.vector_store %arg5[%swap3A, %swap3A_107], %swap3A_110 {strides = array<i32>} : memref<64x16xf32, #tpu.memory_space<vmem>>, vector<1x16xf32>,
      %scan3A_111 = arith.constant 0 : i32
      scf.yield %scan3A_111 : i32
    }
    %scan3A_53 = arith.constant 64 : i32
    %mul3A_54 = arith.constant 160 : i32
    %mul3A_55 = arith.muli %add3A, %mul3A_54 : i32
    "tpu.region"() ({
      %run_scoped3A = tpu.sem_alloc : memref<!tpu.dma_semaphore, #tpu.memory_space<semaphore_mem>>
      %dma_start3A = arith.constant 0 : i32
      %dma_start3A_104 = tpu.memref_slice %arg2[%mul3A_55, %dma_start3A] : memref<5120x64xi32, #tpu.memory_space<hbm>> -> memref<160x64xi32, #tpu.memory_space<hbm>>
      %dma_start3A_105 = arith.constant 0 : i32
      %dma_start3A_106 = tpu.memref_slice %arg2[%mul3A_55, %dma_start3A_105] : memref<5120x64xi32, #tpu.memory_space<hbm>> -> memref<160x64xi32, #tpu.memory_space<hbm>>
      tpu.enqueue_dma source(%dma_start3A_106 : memref<160x64xi32, #tpu.memory_space<hbm>>) target(%arg4 : memref<160x64xi32, #tpu.memory_space<vmem>>) target_semaphore(%run_scoped3A : memref<!tpu.dma_semaphore, #tpu.memory_space<semaphore_mem>>)
      %dma_wait3A = arith.constant 0 : i32
      %dma_wait3A_107 = tpu.memref_slice %arg2[%mul3A_55, %dma_wait3A] : memref<5120x64xi32, #tpu.memory_space<hbm>> -> memref<160x64xi32, #tpu.memory_space<hbm>>
      %dma_wait3A_108 = arith.constant 0 : i32
      %dma_wait3A_109 = tpu.memref_slice %arg2[%mul3A_55, %dma_wait3A_108] : memref<5120x64xi32, #tpu.memory_space<hbm>> -> memref<160x64xi32, #tpu.memory_space<hbm>>
      tpu.wait_dma2 semaphore(%run_scoped3A : memref<!tpu.dma_semaphore, #tpu.memory_space<semaphore_mem>>) src(%dma_wait3A_109 : memref<160x64xi32, #tpu.memory_space<hbm>>) dst(%arg4 : memref<160x64xi32, #tpu.memory_space<vmem>>)
      tpu.yield
    }) : () -> ()
    %barrier3A = arith.constant 0 : index
    tpu.barrier barrier_id(%barrier3A)
    %scan3A_56 = arith.constant 0 : i32
    %scan3A_57 = arith.constant 0 : i32
    %scan3A_58 = arith.constant 160 : i32
    %scan3A_59 = arith.addi %scan3A_57, %scan3A_58 : i32
    %scan3A_60 = arith.constant 1 : i32
    %scan3A_61 = scf.for %scan3A_104 = %scan3A_57 to %scan3A_59 step %scan3A_60 iter_args(%scan3A_105 = %scan3A_56) -> (i32)  : i32 {
      "tpu.region"() ({
        %run_scoped3A = tpu.sem_alloc : memref<!tpu.dma_semaphore, #tpu.memory_space<semaphore_mem>>
        %dma_start3A = arith.constant 0 : i32
        %dma_start3A_107 = tpu.memref_slice %arg4[%scan3A_104, %dma_start3A] : memref<160x64xi32, #tpu.memory_space<vmem>> -> memref<1x64xi32, #tpu.memory_space<vmem>>
        %dma_start3A_108 = tpu.memref_squeeze %dma_start3A_107 : memref<1x64xi32, #tpu.memory_space<vmem>> -> memref<64xi32, #tpu.memory_space<vmem>>
        %dma_start3A_109 = arith.constant 0 : i32
        %dma_start3A_110 = arith.constant 0 : i32
        %dma_start3A_111 = tpu.memref_slice %arg6[%dma_start3A_109, %dma_start3A_110] : memref<10240x16xf32, #tpu.memory_space<vmem_shared>> -> memref<10240x16xf32, #tpu.memory_space<vmem_shared>>
        tpu.enqueue_indirect_dma source(%arg5 : memref<64x16xf32, #tpu.memory_space<vmem>>) target(%dma_start3A_111 : memref<10240x16xf32, #tpu.memory_space<vmem_shared>>) offsets(%dma_start3A_108 : memref<64xi32, #tpu.memory_space<vmem>>) semaphore(%run_scoped3A : memref<!tpu.dma_semaphore, #tpu.memory_space<semaphore_mem>>) {add = true}
        %dma_wait3A = arith.constant 0 : i32
        %dma_wait3A_112 = tpu.memref_slice %arg4[%scan3A_104, %dma_wait3A] : memref<160x64xi32, #tpu.memory_space<vmem>> -> memref<1x64xi32, #tpu.memory_space<vmem>>
        %dma_wait3A_113 = tpu.memref_squeeze %dma_wait3A_112 : memref<1x64xi32, #tpu.memory_space<vmem>> -> memref<64xi32, #tpu.memory_space<vmem>>
        %dma_wait3A_114 = arith.constant 0 : i32
        %dma_wait3A_115 = arith.constant 0 : i32
        %dma_wait3A_116 = tpu.memref_slice %arg6[%dma_wait3A_114, %dma_wait3A_115] : memref<10240x16xf32, #tpu.memory_space<vmem_shared>> -> memref<10240x16xf32, #tpu.memory_space<vmem_shared>>
        tpu.wait_indirect_dma semaphore(%run_scoped3A : memref<!tpu.dma_semaphore, #tpu.memory_space<semaphore_mem>>) src(%arg5 : memref<64x16xf32, #tpu.memory_space<vmem>>) dst(%dma_wait3A_116 : memref<10240x16xf32, #tpu.memory_space<vmem_shared>>)
        tpu.yield
      }) : () -> ()
      %scan3A_106 = arith.constant 0 : i32
      scf.yield %scan3A_106 : i32
    }
    %scan3A_62 = arith.constant 160 : i32
    %barrier3A_63 = arith.constant 0 : index
    tpu.barrier barrier_id(%barrier3A_63)
    %mul3A_64 = arith.constant 640 : i32
    %mul3A_65 = arith.muli %arg1, %mul3A_64 : i32
    %add3A_66 = arith.constant 0 : i32
    %add3A_67 = arith.addi %mul3A_65, %add3A_66 : i32
    "tpu.region"() ({
      %run_scoped3A = tpu.sem_alloc : memref<!tpu.dma_semaphore, #tpu.memory_space<semaphore_mem>>
      %dma_start3A = arith.constant 0 : i32
      %dma_start3A_104 = tpu.memref_slice %arg3[%arg0, %add3A_67, %dma_start3A] : memref<2x10240x16xf32, #tpu.memory_space<hbm>> -> memref<1x64x16xf32, #tpu.memory_space<hbm>>
      %dma_start3A_105 = tpu.memref_squeeze %dma_start3A_104 : memref<1x64x16xf32, #tpu.memory_space<hbm>> -> memref<64x16xf32, #tpu.memory_space<hbm>>
      %dma_start3A_106 = arith.constant 0 : i32
      %dma_start3A_107 = tpu.memref_slice %arg6[%add3A_67, %dma_start3A_106] : memref<10240x16xf32, #tpu.memory_space<vmem_shared>> -> memref<64x16xf32, #tpu.memory_space<vmem_shared>>
      tpu.enqueue_dma source(%dma_start3A_107 : memref<64x16xf32, #tpu.memory_space<vmem_shared>>) target(%dma_start3A_105 : memref<64x16xf32, #tpu.memory_space<hbm>>) target_semaphore(%run_scoped3A : memref<!tpu.dma_semaphore, #tpu.memory_space<semaphore_mem>>)
      %dma_wait3A = arith.constant 0 : i32
      %dma_wait3A_108 = tpu.memref_slice %arg3[%arg0, %add3A_67, %dma_wait3A] : memref<2x10240x16xf32, #tpu.memory_space<hbm>> -> memref<1x64x16xf32, #tpu.memory_space<hbm>>
      %dma_wait3A_109 = tpu.memref_squeeze %dma_wait3A_108 : memref<1x64x16xf32, #tpu.memory_space<hbm>> -> memref<64x16xf32, #tpu.memory_space<hbm>>
      %dma_wait3A_110 = arith.constant 0 : i32
      %dma_wait3A_111 = tpu.memref_slice %arg6[%add3A_67, %dma_wait3A_110] : memref<10240x16xf32, #tpu.memory_space<vmem_shared>> -> memref<64x16xf32, #tpu.memory_space<vmem_shared>>
      tpu.wait_dma2 semaphore(%run_scoped3A : memref<!tpu.dma_semaphore, #tpu.memory_space<semaphore_mem>>) src(%dma_wait3A_111 : memref<64x16xf32, #tpu.memory_space<vmem_shared>>) dst(%dma_wait3A_109 : memref<64x16xf32, #tpu.memory_space<hbm>>)
      tpu.yield
    }) : () -> ()
    %mul3A_68 = arith.constant 640 : i32
    %mul3A_69 = arith.muli %arg1, %mul3A_68 : i32
    %add3A_70 = arith.constant 64 : i32
    %add3A_71 = arith.addi %mul3A_69, %add3A_70 : i32
    "tpu.region"() ({
      %run_scoped3A = tpu.sem_alloc : memref<!tpu.dma_semaphore, #tpu.memory_space<semaphore_mem>>
      %dma_start3A = arith.constant 0 : i32
      %dma_start3A_104 = tpu.memref_slice %arg3[%arg0, %add3A_71, %dma_start3A] : memref<2x10240x16xf32, #tpu.memory_space<hbm>> -> memref<1x64x16xf32, #tpu.memory_space<hbm>>
      %dma_start3A_105 = tpu.memref_squeeze %dma_start3A_104 : memref<1x64x16xf32, #tpu.memory_space<hbm>> -> memref<64x16xf32, #tpu.memory_space<hbm>>
      %dma_start3A_106 = arith.constant 0 : i32
      %dma_start3A_107 = tpu.memref_slice %arg6[%add3A_71, %dma_start3A_106] : memref<10240x16xf32, #tpu.memory_space<vmem_shared>> -> memref<64x16xf32, #tpu.memory_space<vmem_shared>>
      tpu.enqueue_dma source(%dma_start3A_107 : memref<64x16xf32, #tpu.memory_space<vmem_shared>>) target(%dma_start3A_105 : memref<64x16xf32, #tpu.memory_space<hbm>>) target_semaphore(%run_scoped3A : memref<!tpu.dma_semaphore, #tpu.memory_space<semaphore_mem>>)
      %dma_wait3A = arith.constant 0 : i32
      %dma_wait3A_108 = tpu.memref_slice %arg3[%arg0, %add3A_71, %dma_wait3A] : memref<2x10240x16xf32, #tpu.memory_space<hbm>> -> memref<1x64x16xf32, #tpu.memory_space<hbm>>
      %dma_wait3A_109 = tpu.memref_squeeze %dma_wait3A_108 : memref<1x64x16xf32, #tpu.memory_space<hbm>> -> memref<64x16xf32, #tpu.memory_space<hbm>>
      %dma_wait3A_110 = arith.constant 0 : i32
      %dma_wait3A_111 = tpu.memref_slice %arg6[%add3A_71, %dma_wait3A_110] : memref<10240x16xf32, #tpu.memory_space<vmem_shared>> -> memref<64x16xf32, #tpu.memory_space<vmem_shared>>
      tpu.wait_dma2 semaphore(%run_scoped3A : memref<!tpu.dma_semaphore, #tpu.memory_space<semaphore_mem>>) src(%dma_wait3A_111 : memref<64x16xf32, #tpu.memory_space<vmem_shared>>) dst(%dma_wait3A_109 : memref<64x16xf32, #tpu.memory_space<hbm>>)
      tpu.yield
    }) : () -> ()
    %mul3A_72 = arith.constant 640 : i32
    %mul3A_73 = arith.muli %arg1, %mul3A_72 : i32
    %add3A_74 = arith.constant 128 : i32
    %add3A_75 = arith.addi %mul3A_73, %add3A_74 : i32
    "tpu.region"() ({
      %run_scoped3A = tpu.sem_alloc : memref<!tpu.dma_semaphore, #tpu.memory_space<semaphore_mem>>
      %dma_start3A = arith.constant 0 : i32
      %dma_start3A_104 = tpu.memref_slice %arg3[%arg0, %add3A_75, %dma_start3A] : memref<2x10240x16xf32, #tpu.memory_space<hbm>> -> memref<1x64x16xf32, #tpu.memory_space<hbm>>
      %dma_start3A_105 = tpu.memref_squeeze %dma_start3A_104 : memref<1x64x16xf32, #tpu.memory_space<hbm>> -> memref<64x16xf32, #tpu.memory_space<hbm>>
      %dma_start3A_106 = arith.constant 0 : i32
      %dma_start3A_107 = tpu.memref_slice %arg6[%add3A_75, %dma_start3A_106] : memref<10240x16xf32, #tpu.memory_space<vmem_shared>> -> memref<64x16xf32, #tpu.memory_space<vmem_shared>>
      tpu.enqueue_dma source(%dma_start3A_107 : memref<64x16xf32, #tpu.memory_space<vmem_shared>>) target(%dma_start3A_105 : memref<64x16xf32, #tpu.memory_space<hbm>>) target_semaphore(%run_scoped3A : memref<!tpu.dma_semaphore, #tpu.memory_space<semaphore_mem>>)
      %dma_wait3A = arith.constant 0 : i32
      %dma_wait3A_108 = tpu.memref_slice %arg3[%arg0, %add3A_75, %dma_wait3A] : memref<2x10240x16xf32, #tpu.memory_space<hbm>> -> memref<1x64x16xf32, #tpu.memory_space<hbm>>
      %dma_wait3A_109 = tpu.memref_squeeze %dma_wait3A_108 : memref<1x64x16xf32, #tpu.memory_space<hbm>> -> memref<64x16xf32, #tpu.memory_space<hbm>>
      %dma_wait3A_110 = arith.constant 0 : i32
      %dma_wait3A_111 = tpu.memref_slice %arg6[%add3A_75, %dma_wait3A_110] : memref<10240x16xf32, #tpu.memory_space<vmem_shared>> -> memref<64x16xf32, #tpu.memory_space<vmem_shared>>
      tpu.wait_dma2 semaphore(%run_scoped3A : memref<!tpu.dma_semaphore, #tpu.memory_space<semaphore_mem>>) src(%dma_wait3A_111 : memref<64x16xf32, #tpu.memory_space<vmem_shared>>) dst(%dma_wait3A_109 : memref<64x16xf32, #tpu.memory_space<hbm>>)
      tpu.yield
    }) : () -> ()
    %mul3A_76 = arith.constant 640 : i32
    %mul3A_77 = arith.muli %arg1, %mul3A_76 : i32
    %add3A_78 = arith.constant 192 : i32
    %add3A_79 = arith.addi %mul3A_77, %add3A_78 : i32
    "tpu.region"() ({
      %run_scoped3A = tpu.sem_alloc : memref<!tpu.dma_semaphore, #tpu.memory_space<semaphore_mem>>
      %dma_start3A = arith.constant 0 : i32
      %dma_start3A_104 = tpu.memref_slice %arg3[%arg0, %add3A_79, %dma_start3A] : memref<2x10240x16xf32, #tpu.memory_space<hbm>> -> memref<1x64x16xf32, #tpu.memory_space<hbm>>
      %dma_start3A_105 = tpu.memref_squeeze %dma_start3A_104 : memref<1x64x16xf32, #tpu.memory_space<hbm>> -> memref<64x16xf32, #tpu.memory_space<hbm>>
      %dma_start3A_106 = arith.constant 0 : i32
      %dma_start3A_107 = tpu.memref_slice %arg6[%add3A_79, %dma_start3A_106] : memref<10240x16xf32, #tpu.memory_space<vmem_shared>> -> memref<64x16xf32, #tpu.memory_space<vmem_shared>>
      tpu.enqueue_dma source(%dma_start3A_107 : memref<64x16xf32, #tpu.memory_space<vmem_shared>>) target(%dma_start3A_105 : memref<64x16xf32, #tpu.memory_space<hbm>>) target_semaphore(%run_scoped3A : memref<!tpu.dma_semaphore, #tpu.memory_space<semaphore_mem>>)
      %dma_wait3A = arith.constant 0 : i32
      %dma_wait3A_108 = tpu.memref_slice %arg3[%arg0, %add3A_79, %dma_wait3A] : memref<2x10240x16xf32, #tpu.memory_space<hbm>> -> memref<1x64x16xf32, #tpu.memory_space<hbm>>
      %dma_wait3A_109 = tpu.memref_squeeze %dma_wait3A_108 : memref<1x64x16xf32, #tpu.memory_space<hbm>> -> memref<64x16xf32, #tpu.memory_space<hbm>>
      %dma_wait3A_110 = arith.constant 0 : i32
      %dma_wait3A_111 = tpu.memref_slice %arg6[%add3A_79, %dma_wait3A_110] : memref<10240x16xf32, #tpu.memory_space<vmem_shared>> -> memref<64x16xf32, #tpu.memory_space<vmem_shared>>
      tpu.wait_dma2 semaphore(%run_scoped3A : memref<!tpu.dma_semaphore, #tpu.memory_space<semaphore_mem>>) src(%dma_wait3A_111 : memref<64x16xf32, #tpu.memory_space<vmem_shared>>) dst(%dma_wait3A_109 : memref<64x16xf32, #tpu.memory_space<hbm>>)
      tpu.yield
    }) : () -> ()
    %mul3A_80 = arith.constant 640 : i32
    %mul3A_81 = arith.muli %arg1, %mul3A_80 : i32
    %add3A_82 = arith.constant 256 : i32
    %add3A_83 = arith.addi %mul3A_81, %add3A_82 : i32
    "tpu.region"() ({
      %run_scoped3A = tpu.sem_alloc : memref<!tpu.dma_semaphore, #tpu.memory_space<semaphore_mem>>
      %dma_start3A = arith.constant 0 : i32
      %dma_start3A_104 = tpu.memref_slice %arg3[%arg0, %add3A_83, %dma_start3A] : memref<2x10240x16xf32, #tpu.memory_space<hbm>> -> memref<1x64x16xf32, #tpu.memory_space<hbm>>
      %dma_start3A_105 = tpu.memref_squeeze %dma_start3A_104 : memref<1x64x16xf32, #tpu.memory_space<hbm>> -> memref<64x16xf32, #tpu.memory_space<hbm>>
      %dma_start3A_106 = arith.constant 0 : i32
      %dma_start3A_107 = tpu.memref_slice %arg6[%add3A_83, %dma_start3A_106] : memref<10240x16xf32, #tpu.memory_space<vmem_shared>> -> memref<64x16xf32, #tpu.memory_space<vmem_shared>>
      tpu.enqueue_dma source(%dma_start3A_107 : memref<64x16xf32, #tpu.memory_space<vmem_shared>>) target(%dma_start3A_105 : memref<64x16xf32, #tpu.memory_space<hbm>>) target_semaphore(%run_scoped3A : memref<!tpu.dma_semaphore, #tpu.memory_space<semaphore_mem>>)
      %dma_wait3A = arith.constant 0 : i32
      %dma_wait3A_108 = tpu.memref_slice %arg3[%arg0, %add3A_83, %dma_wait3A] : memref<2x10240x16xf32, #tpu.memory_space<hbm>> -> memref<1x64x16xf32, #tpu.memory_space<hbm>>
      %dma_wait3A_109 = tpu.memref_squeeze %dma_wait3A_108 : memref<1x64x16xf32, #tpu.memory_space<hbm>> -> memref<64x16xf32, #tpu.memory_space<hbm>>
      %dma_wait3A_110 = arith.constant 0 : i32
      %dma_wait3A_111 = tpu.memref_slice %arg6[%add3A_83, %dma_wait3A_110] : memref<10240x16xf32, #tpu.memory_space<vmem_shared>> -> memref<64x16xf32, #tpu.memory_space<vmem_shared>>
      tpu.wait_dma2 semaphore(%run_scoped3A : memref<!tpu.dma_semaphore, #tpu.memory_space<semaphore_mem>>) src(%dma_wait3A_111 : memref<64x16xf32, #tpu.memory_space<vmem_shared>>) dst(%dma_wait3A_109 : memref<64x16xf32, #tpu.memory_space<hbm>>)
      tpu.yield
    }) : () -> ()
    %mul3A_84 = arith.constant 640 : i32
    %mul3A_85 = arith.muli %arg1, %mul3A_84 : i32
    %add3A_86 = arith.constant 320 : i32
    %add3A_87 = arith.addi %mul3A_85, %add3A_86 : i32
    "tpu.region"() ({
      %run_scoped3A = tpu.sem_alloc : memref<!tpu.dma_semaphore, #tpu.memory_space<semaphore_mem>>
      %dma_start3A = arith.constant 0 : i32
      %dma_start3A_104 = tpu.memref_slice %arg3[%arg0, %add3A_87, %dma_start3A] : memref<2x10240x16xf32, #tpu.memory_space<hbm>> -> memref<1x64x16xf32, #tpu.memory_space<hbm>>
      %dma_start3A_105 = tpu.memref_squeeze %dma_start3A_104 : memref<1x64x16xf32, #tpu.memory_space<hbm>> -> memref<64x16xf32, #tpu.memory_space<hbm>>
      %dma_start3A_106 = arith.constant 0 : i32
      %dma_start3A_107 = tpu.memref_slice %arg6[%add3A_87, %dma_start3A_106] : memref<10240x16xf32, #tpu.memory_space<vmem_shared>> -> memref<64x16xf32, #tpu.memory_space<vmem_shared>>
      tpu.enqueue_dma source(%dma_start3A_107 : memref<64x16xf32, #tpu.memory_space<vmem_shared>>) target(%dma_start3A_105 : memref<64x16xf32, #tpu.memory_space<hbm>>) target_semaphore(%run_scoped3A : memref<!tpu.dma_semaphore, #tpu.memory_space<semaphore_mem>>)
      %dma_wait3A = arith.constant 0 : i32
      %dma_wait3A_108 = tpu.memref_slice %arg3[%arg0, %add3A_87, %dma_wait3A] : memref<2x10240x16xf32, #tpu.memory_space<hbm>> -> memref<1x64x16xf32, #tpu.memory_space<hbm>>
      %dma_wait3A_109 = tpu.memref_squeeze %dma_wait3A_108 : memref<1x64x16xf32, #tpu.memory_space<hbm>> -> memref<64x16xf32, #tpu.memory_space<hbm>>
      %dma_wait3A_110 = arith.constant 0 : i32
      %dma_wait3A_111 = tpu.memref_slice %arg6[%add3A_87, %dma_wait3A_110] : memref<10240x16xf32, #tpu.memory_space<vmem_shared>> -> memref<64x16xf32, #tpu.memory_space<vmem_shared>>
      tpu.wait_dma2 semaphore(%run_scoped3A : memref<!tpu.dma_semaphore, #tpu.memory_space<semaphore_mem>>) src(%dma_wait3A_111 : memref<64x16xf32, #tpu.memory_space<vmem_shared>>) dst(%dma_wait3A_109 : memref<64x16xf32, #tpu.memory_space<hbm>>)
      tpu.yield
    }) : () -> ()
    %mul3A_88 = arith.constant 640 : i32
    %mul3A_89 = arith.muli %arg1, %mul3A_88 : i32
    %add3A_90 = arith.constant 384 : i32
    %add3A_91 = arith.addi %mul3A_89, %add3A_90 : i32
    "tpu.region"() ({
      %run_scoped3A = tpu.sem_alloc : memref<!tpu.dma_semaphore, #tpu.memory_space<semaphore_mem>>
      %dma_start3A = arith.constant 0 : i32
      %dma_start3A_104 = tpu.memref_slice %arg3[%arg0, %add3A_91, %dma_start3A] : memref<2x10240x16xf32, #tpu.memory_space<hbm>> -> memref<1x64x16xf32, #tpu.memory_space<hbm>>
      %dma_start3A_105 = tpu.memref_squeeze %dma_start3A_104 : memref<1x64x16xf32, #tpu.memory_space<hbm>> -> memref<64x16xf32, #tpu.memory_space<hbm>>
      %dma_start3A_106 = arith.constant 0 : i32
      %dma_start3A_107 = tpu.memref_slice %arg6[%add3A_91, %dma_start3A_106] : memref<10240x16xf32, #tpu.memory_space<vmem_shared>> -> memref<64x16xf32, #tpu.memory_space<vmem_shared>>
      tpu.enqueue_dma source(%dma_start3A_107 : memref<64x16xf32, #tpu.memory_space<vmem_shared>>) target(%dma_start3A_105 : memref<64x16xf32, #tpu.memory_space<hbm>>) target_semaphore(%run_scoped3A : memref<!tpu.dma_semaphore, #tpu.memory_space<semaphore_mem>>)
      %dma_wait3A = arith.constant 0 : i32
      %dma_wait3A_108 = tpu.memref_slice %arg3[%arg0, %add3A_91, %dma_wait3A] : memref<2x10240x16xf32, #tpu.memory_space<hbm>> -> memref<1x64x16xf32, #tpu.memory_space<hbm>>
      %dma_wait3A_109 = tpu.memref_squeeze %dma_wait3A_108 : memref<1x64x16xf32, #tpu.memory_space<hbm>> -> memref<64x16xf32, #tpu.memory_space<hbm>>
      %dma_wait3A_110 = arith.constant 0 : i32
      %dma_wait3A_111 = tpu.memref_slice %arg6[%add3A_91, %dma_wait3A_110] : memref<10240x16xf32, #tpu.memory_space<vmem_shared>> -> memref<64x16xf32, #tpu.memory_space<vmem_shared>>
      tpu.wait_dma2 semaphore(%run_scoped3A : memref<!tpu.dma_semaphore, #tpu.memory_space<semaphore_mem>>) src(%dma_wait3A_111 : memref<64x16xf32, #tpu.memory_space<vmem_shared>>) dst(%dma_wait3A_109 : memref<64x16xf32, #tpu.memory_space<hbm>>)
      tpu.yield
    }) : () -> ()
    %mul3A_92 = arith.constant 640 : i32
    %mul3A_93 = arith.muli %arg1, %mul3A_92 : i32
    %add3A_94 = arith.constant 448 : i32
    %add3A_95 = arith.addi %mul3A_93, %add3A_94 : i32
    "tpu.region"() ({
      %run_scoped3A = tpu.sem_alloc : memref<!tpu.dma_semaphore, #tpu.memory_space<semaphore_mem>>
      %dma_start3A = arith.constant 0 : i32
      %dma_start3A_104 = tpu.memref_slice %arg3[%arg0, %add3A_95, %dma_start3A] : memref<2x10240x16xf32, #tpu.memory_space<hbm>> -> memref<1x64x16xf32, #tpu.memory_space<hbm>>
      %dma_start3A_105 = tpu.memref_squeeze %dma_start3A_104 : memref<1x64x16xf32, #tpu.memory_space<hbm>> -> memref<64x16xf32, #tpu.memory_space<hbm>>
      %dma_start3A_106 = arith.constant 0 : i32
      %dma_start3A_107 = tpu.memref_slice %arg6[%add3A_95, %dma_start3A_106] : memref<10240x16xf32, #tpu.memory_space<vmem_shared>> -> memref<64x16xf32, #tpu.memory_space<vmem_shared>>
      tpu.enqueue_dma source(%dma_start3A_107 : memref<64x16xf32, #tpu.memory_space<vmem_shared>>) target(%dma_start3A_105 : memref<64x16xf32, #tpu.memory_space<hbm>>) target_semaphore(%run_scoped3A : memref<!tpu.dma_semaphore, #tpu.memory_space<semaphore_mem>>)
      %dma_wait3A = arith.constant 0 : i32
      %dma_wait3A_108 = tpu.memref_slice %arg3[%arg0, %add3A_95, %dma_wait3A] : memref<2x10240x16xf32, #tpu.memory_space<hbm>> -> memref<1x64x16xf32, #tpu.memory_space<hbm>>
      %dma_wait3A_109 = tpu.memref_squeeze %dma_wait3A_108 : memref<1x64x16xf32, #tpu.memory_space<hbm>> -> memref<64x16xf32, #tpu.memory_space<hbm>>
      %dma_wait3A_110 = arith.constant 0 : i32
      %dma_wait3A_111 = tpu.memref_slice %arg6[%add3A_95, %dma_wait3A_110] : memref<10240x16xf32, #tpu.memory_space<vmem_shared>> -> memref<64x16xf32, #tpu.memory_space<vmem_shared>>
      tpu.wait_dma2 semaphore(%run_scoped3A : memref<!tpu.dma_semaphore, #tpu.memory_space<semaphore_mem>>) src(%dma_wait3A_111 : memref<64x16xf32, #tpu.memory_space<vmem_shared>>) dst(%dma_wait3A_109 : memref<64x16xf32, #tpu.memory_space<hbm>>)
      tpu.yield
    }) : () -> ()
    %mul3A_96 = arith.constant 640 : i32
    %mul3A_97 = arith.muli %arg1, %mul3A_96 : i32
    %add3A_98 = arith.constant 512 : i32
    %add3A_99 = arith.addi %mul3A_97, %add3A_98 : i32
    "tpu.region"() ({
      %run_scoped3A = tpu.sem_alloc : memref<!tpu.dma_semaphore, #tpu.memory_space<semaphore_mem>>
      %dma_start3A = arith.constant 0 : i32
      %dma_start3A_104 = tpu.memref_slice %arg3[%arg0, %add3A_99, %dma_start3A] : memref<2x10240x16xf32, #tpu.memory_space<hbm>> -> memref<1x64x16xf32, #tpu.memory_space<hbm>>
      %dma_start3A_105 = tpu.memref_squeeze %dma_start3A_104 : memref<1x64x16xf32, #tpu.memory_space<hbm>> -> memref<64x16xf32, #tpu.memory_space<hbm>>
      %dma_start3A_106 = arith.constant 0 : i32
      %dma_start3A_107 = tpu.memref_slice %arg6[%add3A_99, %dma_start3A_106] : memref<10240x16xf32, #tpu.memory_space<vmem_shared>> -> memref<64x16xf32, #tpu.memory_space<vmem_shared>>
      tpu.enqueue_dma source(%dma_start3A_107 : memref<64x16xf32, #tpu.memory_space<vmem_shared>>) target(%dma_start3A_105 : memref<64x16xf32, #tpu.memory_space<hbm>>) target_semaphore(%run_scoped3A : memref<!tpu.dma_semaphore, #tpu.memory_space<semaphore_mem>>)
      %dma_wait3A = arith.constant 0 : i32
      %dma_wait3A_108 = tpu.memref_slice %arg3[%arg0, %add3A_99, %dma_wait3A] : memref<2x10240x16xf32, #tpu.memory_space<hbm>> -> memref<1x64x16xf32, #tpu.memory_space<hbm>>
      %dma_wait3A_109 = tpu.memref_squeeze %dma_wait3A_108 : memref<1x64x16xf32, #tpu.memory_space<hbm>> -> memref<64x16xf32, #tpu.memory_space<hbm>>
      %dma_wait3A_110 = arith.constant 0 : i32
      %dma_wait3A_111 = tpu.memref_slice %arg6[%add3A_99, %dma_wait3A_110] : memref<10240x16xf32, #tpu.memory_space<vmem_shared>> -> memref<64x16xf32, #tpu.memory_space<vmem_shared>>
      tpu.wait_dma2 semaphore(%run_scoped3A : memref<!tpu.dma_semaphore, #tpu.memory_space<semaphore_mem>>) src(%dma_wait3A_111 : memref<64x16xf32, #tpu.memory_space<vmem_shared>>) dst(%dma_wait3A_109 : memref<64x16xf32, #tpu.memory_space<hbm>>)
      tpu.yield
    }) : () -> ()
    %mul3A_100 = arith.constant 640 : i32
    %mul3A_101 = arith.muli %arg1, %mul3A_100 : i32
    %add3A_102 = arith.constant 576 : i32
    %add3A_103 = arith.addi %mul3A_101, %add3A_102 : i32
    "tpu.region"() ({
      %run_scoped3A = tpu.sem_alloc : memref<!tpu.dma_semaphore, #tpu.memory_space<semaphore_mem>>
      %dma_start3A = arith.constant 0 : i32
      %dma_start3A_104 = tpu.memref_slice %arg3[%arg0, %add3A_103, %dma_start3A] : memref<2x10240x16xf32, #tpu.memory_space<hbm>> -> memref<1x64x16xf32, #tpu.memory_space<hbm>>
      %dma_start3A_105 = tpu.memref_squeeze %dma_start3A_104 : memref<1x64x16xf32, #tpu.memory_space<hbm>> -> memref<64x16xf32, #tpu.memory_space<hbm>>
      %dma_start3A_106 = arith.constant 0 : i32
      %dma_start3A_107 = tpu.memref_slice %arg6[%add3A_103, %dma_start3A_106] : memref<10240x16xf32, #tpu.memory_space<vmem_shared>> -> memref<64x16xf32, #tpu.memory_space<vmem_shared>>
      tpu.enqueue_dma source(%dma_start3A_107 : memref<64x16xf32, #tpu.memory_space<vmem_shared>>) target(%dma_start3A_105 : memref<64x16xf32, #tpu.memory_space<hbm>>) target_semaphore(%run_scoped3A : memref<!tpu.dma_semaphore, #tpu.memory_space<semaphore_mem>>)
      %dma_wait3A = arith.constant 0 : i32
      %dma_wait3A_108 = tpu.memref_slice %arg3[%arg0, %add3A_103, %dma_wait3A] : memref<2x10240x16xf32, #tpu.memory_space<hbm>> -> memref<1x64x16xf32, #tpu.memory_space<hbm>>
      %dma_wait3A_109 = tpu.memref_squeeze %dma_wait3A_108 : memref<1x64x16xf32, #tpu.memory_space<hbm>> -> memref<64x16xf32, #tpu.memory_space<hbm>>
      %dma_wait3A_110 = arith.constant 0 : i32
      %dma_wait3A_111 = tpu.memref_slice %arg6[%add3A_103, %dma_wait3A_110] : memref<10240x16xf32, #tpu.memory_space<vmem_shared>> -> memref<64x16xf32, #tpu.memory_space<vmem_shared>>
      tpu.wait_dma2 semaphore(%run_scoped3A : memref<!tpu.dma_semaphore, #tpu.memory_space<semaphore_mem>>) src(%dma_wait3A_111 : memref<64x16xf32, #tpu.memory_space<vmem_shared>>) dst(%dma_wait3A_109 : memref<64x16xf32, #tpu.memory_space<hbm>>)
      tpu.yield
    }) : () -> ()
    return
  }
}

#map = affine_map<(d0, d1) -> (0, 0)>
#map1 = affine_map<(d0, d1) -> (0, 0, 0)>
module attributes {stable_mosaic.version = 14 : i64} {
  func.func @k(%arg0: i32, %arg1: i32, %arg2: memref<5120x64xi32, #tpu.memory_space<hbm>>, %arg3: memref<5120x64xi32, #tpu.memory_space<hbm>>, %arg4: memref<10240x128xf32, #tpu.memory_space<hbm>>, %arg5: memref<2x10240x128xf32, #tpu.memory_space<hbm>>, %arg6: memref<160x64xi32, #tpu.memory_space<vmem>>, %arg7: memref<160x64xi32, #tpu.memory_space<vmem>>, %arg8: memref<64x128xf32, #tpu.memory_space<vmem>>, %arg9: memref<64x128xf32, #tpu.memory_space<vmem>>, %arg10: memref<10240x128xf32, #tpu.memory_space<vmem_shared>>, %arg11: memref<!tpu.dma_semaphore, #tpu.memory_space<semaphore_mem>>, %arg12: memref<!tpu.dma_semaphore, #tpu.memory_space<semaphore_mem>>, %arg13: memref<!tpu.dma_semaphore, #tpu.memory_space<semaphore_mem>>, %arg14: memref<!tpu.dma_semaphore, #tpu.memory_space<semaphore_mem>>) attributes {dimension_semantics = [#tpu.dimension_semantics<core_parallel>, #tpu.dimension_semantics<subcore_parallel>], iteration_bounds = array<i64: 2, 16>, scalar_prefetch = 0 : i64, scratch_operands = 9 : i64, tpu.core_type = #tpu.core_type<sc_vector_subcore>, window_params = [{transform_indices = #map}, {transform_indices = #map}, {transform_indices = #map}, {transform_indices = #map1}]} {
    %scan3A = arith.constant 0 : i32
    %scan3A_0 = arith.constant 0 : i32
    %scan3A_1 = arith.constant 64 : i32
    %scan3A_2 = arith.addi %scan3A_0, %scan3A_1 : i32
    %scan3A_3 = arith.constant 1 : i32
    %scan3A_4 = scf.for %scan3A_150 = %scan3A_0 to %scan3A_2 step %scan3A_3 iter_args(%scan3A_151 = %scan3A) -> (i32)  : i32 {
      %broadcast_in_dim3A = arith.constant 0.000000e+00 : f32
      %broadcast_in_dim3A_152 = vector.broadcast %broadcast_in_dim3A : f32 to vector<16xf32>
      %swap3A = arith.index_cast %scan3A_150 : i32 to index
      %swap3A_153 = arith.constant 0 : index
      %swap3A_154 = tpu.vector_load %arg8[%swap3A, %swap3A_153] {strides = array<i32>} : memref<64x128xf32, #tpu.memory_space<vmem>>, vector<1x16xf32>,
      %swap3A_155 = vector.shape_cast %swap3A_154 : vector<1x16xf32> to vector<16xf32>
      %swap3A_156 = vector.shape_cast %broadcast_in_dim3A_152 : vector<16xf32> to vector<1x16xf32>
      tpu.vector_store %arg8[%swap3A, %swap3A_153], %swap3A_156 {strides = array<i32>} : memref<64x128xf32, #tpu.memory_space<vmem>>, vector<1x16xf32>,
      %broadcast_in_dim3A_157 = arith.constant 0.000000e+00 : f32
      %broadcast_in_dim3A_158 = vector.broadcast %broadcast_in_dim3A_157 : f32 to vector<16xf32>
      %swap3A_159 = arith.index_cast %scan3A_150 : i32 to index
      %swap3A_160 = arith.constant 16 : index
      %swap3A_161 = tpu.vector_load %arg8[%swap3A_159, %swap3A_160] {strides = array<i32>} : memref<64x128xf32, #tpu.memory_space<vmem>>, vector<1x16xf32>,
      %swap3A_162 = vector.shape_cast %swap3A_161 : vector<1x16xf32> to vector<16xf32>
      %swap3A_163 = vector.shape_cast %broadcast_in_dim3A_158 : vector<16xf32> to vector<1x16xf32>
      tpu.vector_store %arg8[%swap3A_159, %swap3A_160], %swap3A_163 {strides = array<i32>} : memref<64x128xf32, #tpu.memory_space<vmem>>, vector<1x16xf32>,
      %broadcast_in_dim3A_164 = arith.constant 0.000000e+00 : f32
      %broadcast_in_dim3A_165 = vector.broadcast %broadcast_in_dim3A_164 : f32 to vector<16xf32>
      %swap3A_166 = arith.index_cast %scan3A_150 : i32 to index
      %swap3A_167 = arith.constant 32 : index
      %swap3A_168 = tpu.vector_load %arg8[%swap3A_166, %swap3A_167] {strides = array<i32>} : memref<64x128xf32, #tpu.memory_space<vmem>>, vector<1x16xf32>,
      %swap3A_169 = vector.shape_cast %swap3A_168 : vector<1x16xf32> to vector<16xf32>
      %swap3A_170 = vector.shape_cast %broadcast_in_dim3A_165 : vector<16xf32> to vector<1x16xf32>
      tpu.vector_store %arg8[%swap3A_166, %swap3A_167], %swap3A_170 {strides = array<i32>} : memref<64x128xf32, #tpu.memory_space<vmem>>, vector<1x16xf32>,
      %broadcast_in_dim3A_171 = arith.constant 0.000000e+00 : f32
      %broadcast_in_dim3A_172 = vector.broadcast %broadcast_in_dim3A_171 : f32 to vector<16xf32>
      %swap3A_173 = arith.index_cast %scan3A_150 : i32 to index
      %swap3A_174 = arith.constant 48 : index
      %swap3A_175 = tpu.vector_load %arg8[%swap3A_173, %swap3A_174] {strides = array<i32>} : memref<64x128xf32, #tpu.memory_space<vmem>>, vector<1x16xf32>,
      %swap3A_176 = vector.shape_cast %swap3A_175 : vector<1x16xf32> to vector<16xf32>
      %swap3A_177 = vector.shape_cast %broadcast_in_dim3A_172 : vector<16xf32> to vector<1x16xf32>
      tpu.vector_store %arg8[%swap3A_173, %swap3A_174], %swap3A_177 {strides = array<i32>} : memref<64x128xf32, #tpu.memory_space<vmem>>, vector<1x16xf32>,
      %broadcast_in_dim3A_178 = arith.constant 0.000000e+00 : f32
      %broadcast_in_dim3A_179 = vector.broadcast %broadcast_in_dim3A_178 : f32 to vector<16xf32>
      %swap3A_180 = arith.index_cast %scan3A_150 : i32 to index
      %swap3A_181 = arith.constant 64 : index
      %swap3A_182 = tpu.vector_load %arg8[%swap3A_180, %swap3A_181] {strides = array<i32>} : memref<64x128xf32, #tpu.memory_space<vmem>>, vector<1x16xf32>,
      %swap3A_183 = vector.shape_cast %swap3A_182 : vector<1x16xf32> to vector<16xf32>
      %swap3A_184 = vector.shape_cast %broadcast_in_dim3A_179 : vector<16xf32> to vector<1x16xf32>
      tpu.vector_store %arg8[%swap3A_180, %swap3A_181], %swap3A_184 {strides = array<i32>} : memref<64x128xf32, #tpu.memory_space<vmem>>, vector<1x16xf32>,
      %broadcast_in_dim3A_185 = arith.constant 0.000000e+00 : f32
      %broadcast_in_dim3A_186 = vector.broadcast %broadcast_in_dim3A_185 : f32 to vector<16xf32>
      %swap3A_187 = arith.index_cast %scan3A_150 : i32 to index
      %swap3A_188 = arith.constant 80 : index
      %swap3A_189 = tpu.vector_load %arg8[%swap3A_187, %swap3A_188] {strides = array<i32>} : memref<64x128xf32, #tpu.memory_space<vmem>>, vector<1x16xf32>,
      %swap3A_190 = vector.shape_cast %swap3A_189 : vector<1x16xf32> to vector<16xf32>
      %swap3A_191 = vector.shape_cast %broadcast_in_dim3A_186 : vector<16xf32> to vector<1x16xf32>
      tpu.vector_store %arg8[%swap3A_187, %swap3A_188], %swap3A_191 {strides = array<i32>} : memref<64x128xf32, #tpu.memory_space<vmem>>, vector<1x16xf32>,
      %broadcast_in_dim3A_192 = arith.constant 0.000000e+00 : f32
      %broadcast_in_dim3A_193 = vector.broadcast %broadcast_in_dim3A_192 : f32 to vector<16xf32>
      %swap3A_194 = arith.index_cast %scan3A_150 : i32 to index
      %swap3A_195 = arith.constant 96 : index
      %swap3A_196 = tpu.vector_load %arg8[%swap3A_194, %swap3A_195] {strides = array<i32>} : memref<64x128xf32, #tpu.memory_space<vmem>>, vector<1x16xf32>,
      %swap3A_197 = vector.shape_cast %swap3A_196 : vector<1x16xf32> to vector<16xf32>
      %swap3A_198 = vector.shape_cast %broadcast_in_dim3A_193 : vector<16xf32> to vector<1x16xf32>
      tpu.vector_store %arg8[%swap3A_194, %swap3A_195], %swap3A_198 {strides = array<i32>} : memref<64x128xf32, #tpu.memory_space<vmem>>, vector<1x16xf32>,
      %broadcast_in_dim3A_199 = arith.constant 0.000000e+00 : f32
      %broadcast_in_dim3A_200 = vector.broadcast %broadcast_in_dim3A_199 : f32 to vector<16xf32>
      %swap3A_201 = arith.index_cast %scan3A_150 : i32 to index
      %swap3A_202 = arith.constant 112 : index
      %swap3A_203 = tpu.vector_load %arg8[%swap3A_201, %swap3A_202] {strides = array<i32>} : memref<64x128xf32, #tpu.memory_space<vmem>>, vector<1x16xf32>,
      %swap3A_204 = vector.shape_cast %swap3A_203 : vector<1x16xf32> to vector<16xf32>
      %swap3A_205 = vector.shape_cast %broadcast_in_dim3A_200 : vector<16xf32> to vector<1x16xf32>
      tpu.vector_store %arg8[%swap3A_201, %swap3A_202], %swap3A_205 {strides = array<i32>} : memref<64x128xf32, #tpu.memory_space<vmem>>, vector<1x16xf32>,
      %scan3A_206 = arith.constant 0 : i32
      scf.yield %scan3A_206 : i32
    }
    %scan3A_5 = arith.constant 64 : i32
    %mul3A = arith.constant 640 : i32
    %mul3A_6 = arith.muli %arg1, %mul3A : i32
    %add3A = arith.constant 0 : i32
    %add3A_7 = arith.addi %mul3A_6, %add3A : i32
    "tpu.region"() ({
      %run_scoped3A = tpu.sem_alloc : memref<!tpu.dma_semaphore, #tpu.memory_space<semaphore_mem>>
      %dma_start3A_150 = arith.constant 0 : i32
      %dma_start3A_151 = tpu.memref_slice %arg10[%add3A_7, %dma_start3A_150] : memref<10240x128xf32, #tpu.memory_space<vmem_shared>> -> memref<64x128xf32, #tpu.memory_space<vmem_shared>>
      %dma_start3A_152 = arith.constant 0 : i32
      %dma_start3A_153 = tpu.memref_slice %arg10[%add3A_7, %dma_start3A_152] : memref<10240x128xf32, #tpu.memory_space<vmem_shared>> -> memref<64x128xf32, #tpu.memory_space<vmem_shared>>
      tpu.enqueue_dma source(%arg8 : memref<64x128xf32, #tpu.memory_space<vmem>>) target(%dma_start3A_153 : memref<64x128xf32, #tpu.memory_space<vmem_shared>>) target_semaphore(%run_scoped3A : memref<!tpu.dma_semaphore, #tpu.memory_space<semaphore_mem>>)
      %dma_wait3A_154 = arith.constant 0 : i32
      %dma_wait3A_155 = tpu.memref_slice %arg10[%add3A_7, %dma_wait3A_154] : memref<10240x128xf32, #tpu.memory_space<vmem_shared>> -> memref<64x128xf32, #tpu.memory_space<vmem_shared>>
      %dma_wait3A_156 = arith.constant 0 : i32
      %dma_wait3A_157 = tpu.memref_slice %arg10[%add3A_7, %dma_wait3A_156] : memref<10240x128xf32, #tpu.memory_space<vmem_shared>> -> memref<64x128xf32, #tpu.memory_space<vmem_shared>>
      tpu.wait_dma2 semaphore(%run_scoped3A : memref<!tpu.dma_semaphore, #tpu.memory_space<semaphore_mem>>) src(%arg8 : memref<64x128xf32, #tpu.memory_space<vmem>>) dst(%dma_wait3A_157 : memref<64x128xf32, #tpu.memory_space<vmem_shared>>)
      tpu.yield
    }) : () -> ()
    %mul3A_8 = arith.constant 640 : i32
    %mul3A_9 = arith.muli %arg1, %mul3A_8 : i32
    %add3A_10 = arith.constant 64 : i32
    %add3A_11 = arith.addi %mul3A_9, %add3A_10 : i32
    "tpu.region"() ({
      %run_scoped3A = tpu.sem_alloc : memref<!tpu.dma_semaphore, #tpu.memory_space<semaphore_mem>>
      %dma_start3A_150 = arith.constant 0 : i32
      %dma_start3A_151 = tpu.memref_slice %arg10[%add3A_11, %dma_start3A_150] : memref<10240x128xf32, #tpu.memory_space<vmem_shared>> -> memref<64x128xf32, #tpu.memory_space<vmem_shared>>
      %dma_start3A_152 = arith.constant 0 : i32
      %dma_start3A_153 = tpu.memref_slice %arg10[%add3A_11, %dma_start3A_152] : memref<10240x128xf32, #tpu.memory_space<vmem_shared>> -> memref<64x128xf32, #tpu.memory_space<vmem_shared>>
      tpu.enqueue_dma source(%arg8 : memref<64x128xf32, #tpu.memory_space<vmem>>) target(%dma_start3A_153 : memref<64x128xf32, #tpu.memory_space<vmem_shared>>) target_semaphore(%run_scoped3A : memref<!tpu.dma_semaphore, #tpu.memory_space<semaphore_mem>>)
      %dma_wait3A_154 = arith.constant 0 : i32
      %dma_wait3A_155 = tpu.memref_slice %arg10[%add3A_11, %dma_wait3A_154] : memref<10240x128xf32, #tpu.memory_space<vmem_shared>> -> memref<64x128xf32, #tpu.memory_space<vmem_shared>>
      %dma_wait3A_156 = arith.constant 0 : i32
      %dma_wait3A_157 = tpu.memref_slice %arg10[%add3A_11, %dma_wait3A_156] : memref<10240x128xf32, #tpu.memory_space<vmem_shared>> -> memref<64x128xf32, #tpu.memory_space<vmem_shared>>
      tpu.wait_dma2 semaphore(%run_scoped3A : memref<!tpu.dma_semaphore, #tpu.memory_space<semaphore_mem>>) src(%arg8 : memref<64x128xf32, #tpu.memory_space<vmem>>) dst(%dma_wait3A_157 : memref<64x128xf32, #tpu.memory_space<vmem_shared>>)
      tpu.yield
    }) : () -> ()
    %mul3A_12 = arith.constant 640 : i32
    %mul3A_13 = arith.muli %arg1, %mul3A_12 : i32
    %add3A_14 = arith.constant 128 : i32
    %add3A_15 = arith.addi %mul3A_13, %add3A_14 : i32
    "tpu.region"() ({
      %run_scoped3A = tpu.sem_alloc : memref<!tpu.dma_semaphore, #tpu.memory_space<semaphore_mem>>
      %dma_start3A_150 = arith.constant 0 : i32
      %dma_start3A_151 = tpu.memref_slice %arg10[%add3A_15, %dma_start3A_150] : memref<10240x128xf32, #tpu.memory_space<vmem_shared>> -> memref<64x128xf32, #tpu.memory_space<vmem_shared>>
      %dma_start3A_152 = arith.constant 0 : i32
      %dma_start3A_153 = tpu.memref_slice %arg10[%add3A_15, %dma_start3A_152] : memref<10240x128xf32, #tpu.memory_space<vmem_shared>> -> memref<64x128xf32, #tpu.memory_space<vmem_shared>>
      tpu.enqueue_dma source(%arg8 : memref<64x128xf32, #tpu.memory_space<vmem>>) target(%dma_start3A_153 : memref<64x128xf32, #tpu.memory_space<vmem_shared>>) target_semaphore(%run_scoped3A : memref<!tpu.dma_semaphore, #tpu.memory_space<semaphore_mem>>)
      %dma_wait3A_154 = arith.constant 0 : i32
      %dma_wait3A_155 = tpu.memref_slice %arg10[%add3A_15, %dma_wait3A_154] : memref<10240x128xf32, #tpu.memory_space<vmem_shared>> -> memref<64x128xf32, #tpu.memory_space<vmem_shared>>
      %dma_wait3A_156 = arith.constant 0 : i32
      %dma_wait3A_157 = tpu.memref_slice %arg10[%add3A_15, %dma_wait3A_156] : memref<10240x128xf32, #tpu.memory_space<vmem_shared>> -> memref<64x128xf32, #tpu.memory_space<vmem_shared>>
      tpu.wait_dma2 semaphore(%run_scoped3A : memref<!tpu.dma_semaphore, #tpu.memory_space<semaphore_mem>>) src(%arg8 : memref<64x128xf32, #tpu.memory_space<vmem>>) dst(%dma_wait3A_157 : memref<64x128xf32, #tpu.memory_space<vmem_shared>>)
      tpu.yield
    }) : () -> ()
    %mul3A_16 = arith.constant 640 : i32
    %mul3A_17 = arith.muli %arg1, %mul3A_16 : i32
    %add3A_18 = arith.constant 192 : i32
    %add3A_19 = arith.addi %mul3A_17, %add3A_18 : i32
    "tpu.region"() ({
      %run_scoped3A = tpu.sem_alloc : memref<!tpu.dma_semaphore, #tpu.memory_space<semaphore_mem>>
      %dma_start3A_150 = arith.constant 0 : i32
      %dma_start3A_151 = tpu.memref_slice %arg10[%add3A_19, %dma_start3A_150] : memref<10240x128xf32, #tpu.memory_space<vmem_shared>> -> memref<64x128xf32, #tpu.memory_space<vmem_shared>>
      %dma_start3A_152 = arith.constant 0 : i32
      %dma_start3A_153 = tpu.memref_slice %arg10[%add3A_19, %dma_start3A_152] : memref<10240x128xf32, #tpu.memory_space<vmem_shared>> -> memref<64x128xf32, #tpu.memory_space<vmem_shared>>
      tpu.enqueue_dma source(%arg8 : memref<64x128xf32, #tpu.memory_space<vmem>>) target(%dma_start3A_153 : memref<64x128xf32, #tpu.memory_space<vmem_shared>>) target_semaphore(%run_scoped3A : memref<!tpu.dma_semaphore, #tpu.memory_space<semaphore_mem>>)
      %dma_wait3A_154 = arith.constant 0 : i32
      %dma_wait3A_155 = tpu.memref_slice %arg10[%add3A_19, %dma_wait3A_154] : memref<10240x128xf32, #tpu.memory_space<vmem_shared>> -> memref<64x128xf32, #tpu.memory_space<vmem_shared>>
      %dma_wait3A_156 = arith.constant 0 : i32
      %dma_wait3A_157 = tpu.memref_slice %arg10[%add3A_19, %dma_wait3A_156] : memref<10240x128xf32, #tpu.memory_space<vmem_shared>> -> memref<64x128xf32, #tpu.memory_space<vmem_shared>>
      tpu.wait_dma2 semaphore(%run_scoped3A : memref<!tpu.dma_semaphore, #tpu.memory_space<semaphore_mem>>) src(%arg8 : memref<64x128xf32, #tpu.memory_space<vmem>>) dst(%dma_wait3A_157 : memref<64x128xf32, #tpu.memory_space<vmem_shared>>)
      tpu.yield
    }) : () -> ()
    %mul3A_20 = arith.constant 640 : i32
    %mul3A_21 = arith.muli %arg1, %mul3A_20 : i32
    %add3A_22 = arith.constant 256 : i32
    %add3A_23 = arith.addi %mul3A_21, %add3A_22 : i32
    "tpu.region"() ({
      %run_scoped3A = tpu.sem_alloc : memref<!tpu.dma_semaphore, #tpu.memory_space<semaphore_mem>>
      %dma_start3A_150 = arith.constant 0 : i32
      %dma_start3A_151 = tpu.memref_slice %arg10[%add3A_23, %dma_start3A_150] : memref<10240x128xf32, #tpu.memory_space<vmem_shared>> -> memref<64x128xf32, #tpu.memory_space<vmem_shared>>
      %dma_start3A_152 = arith.constant 0 : i32
      %dma_start3A_153 = tpu.memref_slice %arg10[%add3A_23, %dma_start3A_152] : memref<10240x128xf32, #tpu.memory_space<vmem_shared>> -> memref<64x128xf32, #tpu.memory_space<vmem_shared>>
      tpu.enqueue_dma source(%arg8 : memref<64x128xf32, #tpu.memory_space<vmem>>) target(%dma_start3A_153 : memref<64x128xf32, #tpu.memory_space<vmem_shared>>) target_semaphore(%run_scoped3A : memref<!tpu.dma_semaphore, #tpu.memory_space<semaphore_mem>>)
      %dma_wait3A_154 = arith.constant 0 : i32
      %dma_wait3A_155 = tpu.memref_slice %arg10[%add3A_23, %dma_wait3A_154] : memref<10240x128xf32, #tpu.memory_space<vmem_shared>> -> memref<64x128xf32, #tpu.memory_space<vmem_shared>>
      %dma_wait3A_156 = arith.constant 0 : i32
      %dma_wait3A_157 = tpu.memref_slice %arg10[%add3A_23, %dma_wait3A_156] : memref<10240x128xf32, #tpu.memory_space<vmem_shared>> -> memref<64x128xf32, #tpu.memory_space<vmem_shared>>
      tpu.wait_dma2 semaphore(%run_scoped3A : memref<!tpu.dma_semaphore, #tpu.memory_space<semaphore_mem>>) src(%arg8 : memref<64x128xf32, #tpu.memory_space<vmem>>) dst(%dma_wait3A_157 : memref<64x128xf32, #tpu.memory_space<vmem_shared>>)
      tpu.yield
    }) : () -> ()
    %mul3A_24 = arith.constant 640 : i32
    %mul3A_25 = arith.muli %arg1, %mul3A_24 : i32
    %add3A_26 = arith.constant 320 : i32
    %add3A_27 = arith.addi %mul3A_25, %add3A_26 : i32
    "tpu.region"() ({
      %run_scoped3A = tpu.sem_alloc : memref<!tpu.dma_semaphore, #tpu.memory_space<semaphore_mem>>
      %dma_start3A_150 = arith.constant 0 : i32
      %dma_start3A_151 = tpu.memref_slice %arg10[%add3A_27, %dma_start3A_150] : memref<10240x128xf32, #tpu.memory_space<vmem_shared>> -> memref<64x128xf32, #tpu.memory_space<vmem_shared>>
      %dma_start3A_152 = arith.constant 0 : i32
      %dma_start3A_153 = tpu.memref_slice %arg10[%add3A_27, %dma_start3A_152] : memref<10240x128xf32, #tpu.memory_space<vmem_shared>> -> memref<64x128xf32, #tpu.memory_space<vmem_shared>>
      tpu.enqueue_dma source(%arg8 : memref<64x128xf32, #tpu.memory_space<vmem>>) target(%dma_start3A_153 : memref<64x128xf32, #tpu.memory_space<vmem_shared>>) target_semaphore(%run_scoped3A : memref<!tpu.dma_semaphore, #tpu.memory_space<semaphore_mem>>)
      %dma_wait3A_154 = arith.constant 0 : i32
      %dma_wait3A_155 = tpu.memref_slice %arg10[%add3A_27, %dma_wait3A_154] : memref<10240x128xf32, #tpu.memory_space<vmem_shared>> -> memref<64x128xf32, #tpu.memory_space<vmem_shared>>
      %dma_wait3A_156 = arith.constant 0 : i32
      %dma_wait3A_157 = tpu.memref_slice %arg10[%add3A_27, %dma_wait3A_156] : memref<10240x128xf32, #tpu.memory_space<vmem_shared>> -> memref<64x128xf32, #tpu.memory_space<vmem_shared>>
      tpu.wait_dma2 semaphore(%run_scoped3A : memref<!tpu.dma_semaphore, #tpu.memory_space<semaphore_mem>>) src(%arg8 : memref<64x128xf32, #tpu.memory_space<vmem>>) dst(%dma_wait3A_157 : memref<64x128xf32, #tpu.memory_space<vmem_shared>>)
      tpu.yield
    }) : () -> ()
    %mul3A_28 = arith.constant 640 : i32
    %mul3A_29 = arith.muli %arg1, %mul3A_28 : i32
    %add3A_30 = arith.constant 384 : i32
    %add3A_31 = arith.addi %mul3A_29, %add3A_30 : i32
    "tpu.region"() ({
      %run_scoped3A = tpu.sem_alloc : memref<!tpu.dma_semaphore, #tpu.memory_space<semaphore_mem>>
      %dma_start3A_150 = arith.constant 0 : i32
      %dma_start3A_151 = tpu.memref_slice %arg10[%add3A_31, %dma_start3A_150] : memref<10240x128xf32, #tpu.memory_space<vmem_shared>> -> memref<64x128xf32, #tpu.memory_space<vmem_shared>>
      %dma_start3A_152 = arith.constant 0 : i32
      %dma_start3A_153 = tpu.memref_slice %arg10[%add3A_31, %dma_start3A_152] : memref<10240x128xf32, #tpu.memory_space<vmem_shared>> -> memref<64x128xf32, #tpu.memory_space<vmem_shared>>
      tpu.enqueue_dma source(%arg8 : memref<64x128xf32, #tpu.memory_space<vmem>>) target(%dma_start3A_153 : memref<64x128xf32, #tpu.memory_space<vmem_shared>>) target_semaphore(%run_scoped3A : memref<!tpu.dma_semaphore, #tpu.memory_space<semaphore_mem>>)
      %dma_wait3A_154 = arith.constant 0 : i32
      %dma_wait3A_155 = tpu.memref_slice %arg10[%add3A_31, %dma_wait3A_154] : memref<10240x128xf32, #tpu.memory_space<vmem_shared>> -> memref<64x128xf32, #tpu.memory_space<vmem_shared>>
      %dma_wait3A_156 = arith.constant 0 : i32
      %dma_wait3A_157 = tpu.memref_slice %arg10[%add3A_31, %dma_wait3A_156] : memref<10240x128xf32, #tpu.memory_space<vmem_shared>> -> memref<64x128xf32, #tpu.memory_space<vmem_shared>>
      tpu.wait_dma2 semaphore(%run_scoped3A : memref<!tpu.dma_semaphore, #tpu.memory_space<semaphore_mem>>) src(%arg8 : memref<64x128xf32, #tpu.memory_space<vmem>>) dst(%dma_wait3A_157 : memref<64x128xf32, #tpu.memory_space<vmem_shared>>)
      tpu.yield
    }) : () -> ()
    %mul3A_32 = arith.constant 640 : i32
    %mul3A_33 = arith.muli %arg1, %mul3A_32 : i32
    %add3A_34 = arith.constant 448 : i32
    %add3A_35 = arith.addi %mul3A_33, %add3A_34 : i32
    "tpu.region"() ({
      %run_scoped3A = tpu.sem_alloc : memref<!tpu.dma_semaphore, #tpu.memory_space<semaphore_mem>>
      %dma_start3A_150 = arith.constant 0 : i32
      %dma_start3A_151 = tpu.memref_slice %arg10[%add3A_35, %dma_start3A_150] : memref<10240x128xf32, #tpu.memory_space<vmem_shared>> -> memref<64x128xf32, #tpu.memory_space<vmem_shared>>
      %dma_start3A_152 = arith.constant 0 : i32
      %dma_start3A_153 = tpu.memref_slice %arg10[%add3A_35, %dma_start3A_152] : memref<10240x128xf32, #tpu.memory_space<vmem_shared>> -> memref<64x128xf32, #tpu.memory_space<vmem_shared>>
      tpu.enqueue_dma source(%arg8 : memref<64x128xf32, #tpu.memory_space<vmem>>) target(%dma_start3A_153 : memref<64x128xf32, #tpu.memory_space<vmem_shared>>) target_semaphore(%run_scoped3A : memref<!tpu.dma_semaphore, #tpu.memory_space<semaphore_mem>>)
      %dma_wait3A_154 = arith.constant 0 : i32
      %dma_wait3A_155 = tpu.memref_slice %arg10[%add3A_35, %dma_wait3A_154] : memref<10240x128xf32, #tpu.memory_space<vmem_shared>> -> memref<64x128xf32, #tpu.memory_space<vmem_shared>>
      %dma_wait3A_156 = arith.constant 0 : i32
      %dma_wait3A_157 = tpu.memref_slice %arg10[%add3A_35, %dma_wait3A_156] : memref<10240x128xf32, #tpu.memory_space<vmem_shared>> -> memref<64x128xf32, #tpu.memory_space<vmem_shared>>
      tpu.wait_dma2 semaphore(%run_scoped3A : memref<!tpu.dma_semaphore, #tpu.memory_space<semaphore_mem>>) src(%arg8 : memref<64x128xf32, #tpu.memory_space<vmem>>) dst(%dma_wait3A_157 : memref<64x128xf32, #tpu.memory_space<vmem_shared>>)
      tpu.yield
    }) : () -> ()
    %mul3A_36 = arith.constant 640 : i32
    %mul3A_37 = arith.muli %arg1, %mul3A_36 : i32
    %add3A_38 = arith.constant 512 : i32
    %add3A_39 = arith.addi %mul3A_37, %add3A_38 : i32
    "tpu.region"() ({
      %run_scoped3A = tpu.sem_alloc : memref<!tpu.dma_semaphore, #tpu.memory_space<semaphore_mem>>
      %dma_start3A_150 = arith.constant 0 : i32
      %dma_start3A_151 = tpu.memref_slice %arg10[%add3A_39, %dma_start3A_150] : memref<10240x128xf32, #tpu.memory_space<vmem_shared>> -> memref<64x128xf32, #tpu.memory_space<vmem_shared>>
      %dma_start3A_152 = arith.constant 0 : i32
      %dma_start3A_153 = tpu.memref_slice %arg10[%add3A_39, %dma_start3A_152] : memref<10240x128xf32, #tpu.memory_space<vmem_shared>> -> memref<64x128xf32, #tpu.memory_space<vmem_shared>>
      tpu.enqueue_dma source(%arg8 : memref<64x128xf32, #tpu.memory_space<vmem>>) target(%dma_start3A_153 : memref<64x128xf32, #tpu.memory_space<vmem_shared>>) target_semaphore(%run_scoped3A : memref<!tpu.dma_semaphore, #tpu.memory_space<semaphore_mem>>)
      %dma_wait3A_154 = arith.constant 0 : i32
      %dma_wait3A_155 = tpu.memref_slice %arg10[%add3A_39, %dma_wait3A_154] : memref<10240x128xf32, #tpu.memory_space<vmem_shared>> -> memref<64x128xf32, #tpu.memory_space<vmem_shared>>
      %dma_wait3A_156 = arith.constant 0 : i32
      %dma_wait3A_157 = tpu.memref_slice %arg10[%add3A_39, %dma_wait3A_156] : memref<10240x128xf32, #tpu.memory_space<vmem_shared>> -> memref<64x128xf32, #tpu.memory_space<vmem_shared>>
      tpu.wait_dma2 semaphore(%run_scoped3A : memref<!tpu.dma_semaphore, #tpu.memory_space<semaphore_mem>>) src(%arg8 : memref<64x128xf32, #tpu.memory_space<vmem>>) dst(%dma_wait3A_157 : memref<64x128xf32, #tpu.memory_space<vmem_shared>>)
      tpu.yield
    }) : () -> ()
    %mul3A_40 = arith.constant 640 : i32
    %mul3A_41 = arith.muli %arg1, %mul3A_40 : i32
    %add3A_42 = arith.constant 576 : i32
    %add3A_43 = arith.addi %mul3A_41, %add3A_42 : i32
    "tpu.region"() ({
      %run_scoped3A = tpu.sem_alloc : memref<!tpu.dma_semaphore, #tpu.memory_space<semaphore_mem>>
      %dma_start3A_150 = arith.constant 0 : i32
      %dma_start3A_151 = tpu.memref_slice %arg10[%add3A_43, %dma_start3A_150] : memref<10240x128xf32, #tpu.memory_space<vmem_shared>> -> memref<64x128xf32, #tpu.memory_space<vmem_shared>>
      %dma_start3A_152 = arith.constant 0 : i32
      %dma_start3A_153 = tpu.memref_slice %arg10[%add3A_43, %dma_start3A_152] : memref<10240x128xf32, #tpu.memory_space<vmem_shared>> -> memref<64x128xf32, #tpu.memory_space<vmem_shared>>
      tpu.enqueue_dma source(%arg8 : memref<64x128xf32, #tpu.memory_space<vmem>>) target(%dma_start3A_153 : memref<64x128xf32, #tpu.memory_space<vmem_shared>>) target_semaphore(%run_scoped3A : memref<!tpu.dma_semaphore, #tpu.memory_space<semaphore_mem>>)
      %dma_wait3A_154 = arith.constant 0 : i32
      %dma_wait3A_155 = tpu.memref_slice %arg10[%add3A_43, %dma_wait3A_154] : memref<10240x128xf32, #tpu.memory_space<vmem_shared>> -> memref<64x128xf32, #tpu.memory_space<vmem_shared>>
      %dma_wait3A_156 = arith.constant 0 : i32
      %dma_wait3A_157 = tpu.memref_slice %arg10[%add3A_43, %dma_wait3A_156] : memref<10240x128xf32, #tpu.memory_space<vmem_shared>> -> memref<64x128xf32, #tpu.memory_space<vmem_shared>>
      tpu.wait_dma2 semaphore(%run_scoped3A : memref<!tpu.dma_semaphore, #tpu.memory_space<semaphore_mem>>) src(%arg8 : memref<64x128xf32, #tpu.memory_space<vmem>>) dst(%dma_wait3A_157 : memref<64x128xf32, #tpu.memory_space<vmem_shared>>)
      tpu.yield
    }) : () -> ()
    %mul3A_44 = arith.constant 16 : i32
    %mul3A_45 = arith.muli %arg0, %mul3A_44 : i32
    %add3A_46 = arith.addi %mul3A_45, %arg1 : i32
    %mul3A_47 = arith.constant 160 : i32
    %mul3A_48 = arith.muli %add3A_46, %mul3A_47 : i32
    "tpu.region"() ({
      %run_scoped3A = tpu.sem_alloc : memref<!tpu.dma_semaphore, #tpu.memory_space<semaphore_mem>>
      %dma_start3A_150 = arith.constant 0 : i32
      %dma_start3A_151 = arith.constant 0 : i32
      %dma_start3A_152 = tpu.memref_slice %arg6[%dma_start3A_150, %dma_start3A_151] : memref<160x64xi32, #tpu.memory_space<vmem>> -> memref<160x64xi32, #tpu.memory_space<vmem>>
      %dma_start3A_153 = arith.constant 0 : i32
      %dma_start3A_154 = tpu.memref_slice %arg2[%mul3A_48, %dma_start3A_153] : memref<5120x64xi32, #tpu.memory_space<hbm>> -> memref<160x64xi32, #tpu.memory_space<hbm>>
      %dma_start3A_155 = arith.constant 0 : i32
      %dma_start3A_156 = arith.constant 0 : i32
      %dma_start3A_157 = tpu.memref_slice %arg6[%dma_start3A_155, %dma_start3A_156] : memref<160x64xi32, #tpu.memory_space<vmem>> -> memref<160x64xi32, #tpu.memory_space<vmem>>
      %dma_start3A_158 = arith.constant 0 : i32
      %dma_start3A_159 = tpu.memref_slice %arg2[%mul3A_48, %dma_start3A_158] : memref<5120x64xi32, #tpu.memory_space<hbm>> -> memref<160x64xi32, #tpu.memory_space<hbm>>
      tpu.enqueue_dma source(%dma_start3A_159 : memref<160x64xi32, #tpu.memory_space<hbm>>) target(%dma_start3A_157 : memref<160x64xi32, #tpu.memory_space<vmem>>) target_semaphore(%run_scoped3A : memref<!tpu.dma_semaphore, #tpu.memory_space<semaphore_mem>>)
      %dma_wait3A_160 = arith.constant 0 : i32
      %dma_wait3A_161 = arith.constant 0 : i32
      %dma_wait3A_162 = tpu.memref_slice %arg6[%dma_wait3A_160, %dma_wait3A_161] : memref<160x64xi32, #tpu.memory_space<vmem>> -> memref<160x64xi32, #tpu.memory_space<vmem>>
      %dma_wait3A_163 = arith.constant 0 : i32
      %dma_wait3A_164 = tpu.memref_slice %arg2[%mul3A_48, %dma_wait3A_163] : memref<5120x64xi32, #tpu.memory_space<hbm>> -> memref<160x64xi32, #tpu.memory_space<hbm>>
      %dma_wait3A_165 = arith.constant 0 : i32
      %dma_wait3A_166 = arith.constant 0 : i32
      %dma_wait3A_167 = tpu.memref_slice %arg6[%dma_wait3A_165, %dma_wait3A_166] : memref<160x64xi32, #tpu.memory_space<vmem>> -> memref<160x64xi32, #tpu.memory_space<vmem>>
      %dma_wait3A_168 = arith.constant 0 : i32
      %dma_wait3A_169 = tpu.memref_slice %arg2[%mul3A_48, %dma_wait3A_168] : memref<5120x64xi32, #tpu.memory_space<hbm>> -> memref<160x64xi32, #tpu.memory_space<hbm>>
      tpu.wait_dma2 semaphore(%run_scoped3A : memref<!tpu.dma_semaphore, #tpu.memory_space<semaphore_mem>>) src(%dma_wait3A_169 : memref<160x64xi32, #tpu.memory_space<hbm>>) dst(%dma_wait3A_167 : memref<160x64xi32, #tpu.memory_space<vmem>>)
      tpu.yield
    }) : () -> ()
    "tpu.region"() ({
      %run_scoped3A = tpu.sem_alloc : memref<!tpu.dma_semaphore, #tpu.memory_space<semaphore_mem>>
      %dma_start3A_150 = arith.constant 0 : i32
      %dma_start3A_151 = arith.constant 0 : i32
      %dma_start3A_152 = tpu.memref_slice %arg7[%dma_start3A_150, %dma_start3A_151] : memref<160x64xi32, #tpu.memory_space<vmem>> -> memref<160x64xi32, #tpu.memory_space<vmem>>
      %dma_start3A_153 = arith.constant 0 : i32
      %dma_start3A_154 = tpu.memref_slice %arg3[%mul3A_48, %dma_start3A_153] : memref<5120x64xi32, #tpu.memory_space<hbm>> -> memref<160x64xi32, #tpu.memory_space<hbm>>
      %dma_start3A_155 = arith.constant 0 : i32
      %dma_start3A_156 = arith.constant 0 : i32
      %dma_start3A_157 = tpu.memref_slice %arg7[%dma_start3A_155, %dma_start3A_156] : memref<160x64xi32, #tpu.memory_space<vmem>> -> memref<160x64xi32, #tpu.memory_space<vmem>>
      %dma_start3A_158 = arith.constant 0 : i32
      %dma_start3A_159 = tpu.memref_slice %arg3[%mul3A_48, %dma_start3A_158] : memref<5120x64xi32, #tpu.memory_space<hbm>> -> memref<160x64xi32, #tpu.memory_space<hbm>>
      tpu.enqueue_dma source(%dma_start3A_159 : memref<160x64xi32, #tpu.memory_space<hbm>>) target(%dma_start3A_157 : memref<160x64xi32, #tpu.memory_space<vmem>>) target_semaphore(%run_scoped3A : memref<!tpu.dma_semaphore, #tpu.memory_space<semaphore_mem>>)
      %dma_wait3A_160 = arith.constant 0 : i32
      %dma_wait3A_161 = arith.constant 0 : i32
      %dma_wait3A_162 = tpu.memref_slice %arg7[%dma_wait3A_160, %dma_wait3A_161] : memref<160x64xi32, #tpu.memory_space<vmem>> -> memref<160x64xi32, #tpu.memory_space<vmem>>
      %dma_wait3A_163 = arith.constant 0 : i32
      %dma_wait3A_164 = tpu.memref_slice %arg3[%mul3A_48, %dma_wait3A_163] : memref<5120x64xi32, #tpu.memory_space<hbm>> -> memref<160x64xi32, #tpu.memory_space<hbm>>
      %dma_wait3A_165 = arith.constant 0 : i32
      %dma_wait3A_166 = arith.constant 0 : i32
      %dma_wait3A_167 = tpu.memref_slice %arg7[%dma_wait3A_165, %dma_wait3A_166] : memref<160x64xi32, #tpu.memory_space<vmem>> -> memref<160x64xi32, #tpu.memory_space<vmem>>
      %dma_wait3A_168 = arith.constant 0 : i32
      %dma_wait3A_169 = tpu.memref_slice %arg3[%mul3A_48, %dma_wait3A_168] : memref<5120x64xi32, #tpu.memory_space<hbm>> -> memref<160x64xi32, #tpu.memory_space<hbm>>
      tpu.wait_dma2 semaphore(%run_scoped3A : memref<!tpu.dma_semaphore, #tpu.memory_space<semaphore_mem>>) src(%dma_wait3A_169 : memref<160x64xi32, #tpu.memory_space<hbm>>) dst(%dma_wait3A_167 : memref<160x64xi32, #tpu.memory_space<vmem>>)
      tpu.yield
    }) : () -> ()
    %dma_start3A = arith.constant 0 : i32
    %dma_start3A_49 = arith.constant 0 : i32
    %dma_start3A_50 = tpu.memref_slice %arg6[%dma_start3A, %dma_start3A_49] : memref<160x64xi32, #tpu.memory_space<vmem>> -> memref<1x64xi32, #tpu.memory_space<vmem>>
    %dma_start3A_51 = tpu.memref_squeeze %dma_start3A_50 : memref<1x64xi32, #tpu.memory_space<vmem>> -> memref<64xi32, #tpu.memory_space<vmem>>
    %dma_start3A_52 = arith.constant 0 : i32
    %dma_start3A_53 = arith.constant 0 : i32
    %dma_start3A_54 = tpu.memref_slice %arg4[%dma_start3A_52, %dma_start3A_53] : memref<10240x128xf32, #tpu.memory_space<hbm>> -> memref<10240x128xf32, #tpu.memory_space<hbm>>
    tpu.enqueue_indirect_dma source(%dma_start3A_54 : memref<10240x128xf32, #tpu.memory_space<hbm>>) target(%arg8 : memref<64x128xf32, #tpu.memory_space<vmem>>) offsets(%dma_start3A_51 : memref<64xi32, #tpu.memory_space<vmem>>) semaphore(%arg11 : memref<!tpu.dma_semaphore, #tpu.memory_space<semaphore_mem>>)
    %dma_wait3A = arith.constant 0 : i32
    %dma_wait3A_55 = arith.constant 0 : i32
    %dma_wait3A_56 = tpu.memref_slice %arg6[%dma_wait3A, %dma_wait3A_55] : memref<160x64xi32, #tpu.memory_space<vmem>> -> memref<1x64xi32, #tpu.memory_space<vmem>>
    %dma_wait3A_57 = tpu.memref_squeeze %dma_wait3A_56 : memref<1x64xi32, #tpu.memory_space<vmem>> -> memref<64xi32, #tpu.memory_space<vmem>>
    %dma_wait3A_58 = arith.constant 0 : i32
    %dma_wait3A_59 = arith.constant 0 : i32
    %dma_wait3A_60 = tpu.memref_slice %arg4[%dma_wait3A_58, %dma_wait3A_59] : memref<10240x128xf32, #tpu.memory_space<hbm>> -> memref<10240x128xf32, #tpu.memory_space<hbm>>
    tpu.wait_indirect_dma semaphore(%arg11 : memref<!tpu.dma_semaphore, #tpu.memory_space<semaphore_mem>>) src(%dma_wait3A_60 : memref<10240x128xf32, #tpu.memory_space<hbm>>) dst(%arg8 : memref<64x128xf32, #tpu.memory_space<vmem>>)
    %dma_start3A_61 = arith.constant 1 : i32
    %dma_start3A_62 = arith.constant 0 : i32
    %dma_start3A_63 = tpu.memref_slice %arg6[%dma_start3A_61, %dma_start3A_62] : memref<160x64xi32, #tpu.memory_space<vmem>> -> memref<1x64xi32, #tpu.memory_space<vmem>>
    %dma_start3A_64 = tpu.memref_squeeze %dma_start3A_63 : memref<1x64xi32, #tpu.memory_space<vmem>> -> memref<64xi32, #tpu.memory_space<vmem>>
    %dma_start3A_65 = arith.constant 0 : i32
    %dma_start3A_66 = arith.constant 0 : i32
    %dma_start3A_67 = tpu.memref_slice %arg4[%dma_start3A_65, %dma_start3A_66] : memref<10240x128xf32, #tpu.memory_space<hbm>> -> memref<10240x128xf32, #tpu.memory_space<hbm>>
    tpu.enqueue_indirect_dma source(%dma_start3A_67 : memref<10240x128xf32, #tpu.memory_space<hbm>>) target(%arg9 : memref<64x128xf32, #tpu.memory_space<vmem>>) offsets(%dma_start3A_64 : memref<64xi32, #tpu.memory_space<vmem>>) semaphore(%arg12 : memref<!tpu.dma_semaphore, #tpu.memory_space<semaphore_mem>>)
    %dma_start3A_68 = arith.constant 0 : i32
    %dma_start3A_69 = arith.constant 0 : i32
    %dma_start3A_70 = tpu.memref_slice %arg7[%dma_start3A_68, %dma_start3A_69] : memref<160x64xi32, #tpu.memory_space<vmem>> -> memref<1x64xi32, #tpu.memory_space<vmem>>
    %dma_start3A_71 = tpu.memref_squeeze %dma_start3A_70 : memref<1x64xi32, #tpu.memory_space<vmem>> -> memref<64xi32, #tpu.memory_space<vmem>>
    %dma_start3A_72 = arith.constant 0 : i32
    %dma_start3A_73 = arith.constant 0 : i32
    %dma_start3A_74 = tpu.memref_slice %arg10[%dma_start3A_72, %dma_start3A_73] : memref<10240x128xf32, #tpu.memory_space<vmem_shared>> -> memref<10240x128xf32, #tpu.memory_space<vmem_shared>>
    tpu.enqueue_indirect_dma source(%arg8 : memref<64x128xf32, #tpu.memory_space<vmem>>) target(%dma_start3A_74 : memref<10240x128xf32, #tpu.memory_space<vmem_shared>>) offsets(%dma_start3A_71 : memref<64xi32, #tpu.memory_space<vmem>>) semaphore(%arg13 : memref<!tpu.dma_semaphore, #tpu.memory_space<semaphore_mem>>) {add = true}
    %scan3A_75 = arith.constant 0 : i32
    %scan3A_76 = arith.constant 0 : i32
    %scan3A_77 = arith.constant 79 : i32
    %scan3A_78 = arith.addi %scan3A_76, %scan3A_77 : i32
    %scan3A_79 = arith.constant 1 : i32
    %scan3A_80 = scf.for %scan3A_150 = %scan3A_76 to %scan3A_78 step %scan3A_79 iter_args(%scan3A_151 = %scan3A_75) -> (i32)  : i32 {
      %mul3A_152 = arith.constant 2 : i32
      %mul3A_153 = arith.muli %mul3A_152, %scan3A_150 : i32
      %add3A_154 = arith.constant 1 : i32
      %add3A_155 = arith.addi %mul3A_153, %add3A_154 : i32
      %dma_wait3A_156 = arith.constant 0 : i32
      %dma_wait3A_157 = arith.constant 0 : i32
      %dma_wait3A_158 = tpu.memref_slice %arg6[%dma_wait3A_156, %dma_wait3A_157] : memref<160x64xi32, #tpu.memory_space<vmem>> -> memref<1x64xi32, #tpu.memory_space<vmem>>
      %dma_wait3A_159 = tpu.memref_squeeze %dma_wait3A_158 : memref<1x64xi32, #tpu.memory_space<vmem>> -> memref<64xi32, #tpu.memory_space<vmem>>
      %dma_wait3A_160 = arith.constant 0 : i32
      %dma_wait3A_161 = arith.constant 0 : i32
      %dma_wait3A_162 = tpu.memref_slice %arg4[%dma_wait3A_160, %dma_wait3A_161] : memref<10240x128xf32, #tpu.memory_space<hbm>> -> memref<10240x128xf32, #tpu.memory_space<hbm>>
      tpu.wait_indirect_dma semaphore(%arg12 : memref<!tpu.dma_semaphore, #tpu.memory_space<semaphore_mem>>) src(%dma_wait3A_162 : memref<10240x128xf32, #tpu.memory_space<hbm>>) dst(%arg9 : memref<64x128xf32, #tpu.memory_space<vmem>>)
      %dma_wait3A_163 = arith.constant 0 : i32
      %dma_wait3A_164 = arith.constant 0 : i32
      %dma_wait3A_165 = tpu.memref_slice %arg7[%dma_wait3A_163, %dma_wait3A_164] : memref<160x64xi32, #tpu.memory_space<vmem>> -> memref<1x64xi32, #tpu.memory_space<vmem>>
      %dma_wait3A_166 = tpu.memref_squeeze %dma_wait3A_165 : memref<1x64xi32, #tpu.memory_space<vmem>> -> memref<64xi32, #tpu.memory_space<vmem>>
      %dma_wait3A_167 = arith.constant 0 : i32
      %dma_wait3A_168 = arith.constant 0 : i32
      %dma_wait3A_169 = tpu.memref_slice %arg10[%dma_wait3A_167, %dma_wait3A_168] : memref<10240x128xf32, #tpu.memory_space<vmem_shared>> -> memref<10240x128xf32, #tpu.memory_space<vmem_shared>>
      tpu.wait_indirect_dma semaphore(%arg13 : memref<!tpu.dma_semaphore, #tpu.memory_space<semaphore_mem>>) src(%arg8 : memref<64x128xf32, #tpu.memory_space<vmem>>) dst(%dma_wait3A_169 : memref<10240x128xf32, #tpu.memory_space<vmem_shared>>)
      %add3A_170 = arith.constant 1 : i32
      %add3A_171 = arith.addi %add3A_155, %add3A_170 : i32
      %dma_start3A_172 = arith.constant 0 : i32
      %dma_start3A_173 = tpu.memref_slice %arg6[%add3A_171, %dma_start3A_172] : memref<160x64xi32, #tpu.memory_space<vmem>> -> memref<1x64xi32, #tpu.memory_space<vmem>>
      %dma_start3A_174 = tpu.memref_squeeze %dma_start3A_173 : memref<1x64xi32, #tpu.memory_space<vmem>> -> memref<64xi32, #tpu.memory_space<vmem>>
      %dma_start3A_175 = arith.constant 0 : i32
      %dma_start3A_176 = arith.constant 0 : i32
      %dma_start3A_177 = tpu.memref_slice %arg4[%dma_start3A_175, %dma_start3A_176] : memref<10240x128xf32, #tpu.memory_space<hbm>> -> memref<10240x128xf32, #tpu.memory_space<hbm>>
      tpu.enqueue_indirect_dma source(%dma_start3A_177 : memref<10240x128xf32, #tpu.memory_space<hbm>>) target(%arg8 : memref<64x128xf32, #tpu.memory_space<vmem>>) offsets(%dma_start3A_174 : memref<64xi32, #tpu.memory_space<vmem>>) semaphore(%arg11 : memref<!tpu.dma_semaphore, #tpu.memory_space<semaphore_mem>>)
      %dma_start3A_178 = arith.constant 0 : i32
      %dma_start3A_179 = tpu.memref_slice %arg7[%add3A_155, %dma_start3A_178] : memref<160x64xi32, #tpu.memory_space<vmem>> -> memref<1x64xi32, #tpu.memory_space<vmem>>
      %dma_start3A_180 = tpu.memref_squeeze %dma_start3A_179 : memref<1x64xi32, #tpu.memory_space<vmem>> -> memref<64xi32, #tpu.memory_space<vmem>>
      %dma_start3A_181 = arith.constant 0 : i32
      %dma_start3A_182 = arith.constant 0 : i32
      %dma_start3A_183 = tpu.memref_slice %arg10[%dma_start3A_181, %dma_start3A_182] : memref<10240x128xf32, #tpu.memory_space<vmem_shared>> -> memref<10240x128xf32, #tpu.memory_space<vmem_shared>>
      tpu.enqueue_indirect_dma source(%arg9 : memref<64x128xf32, #tpu.memory_space<vmem>>) target(%dma_start3A_183 : memref<10240x128xf32, #tpu.memory_space<vmem_shared>>) offsets(%dma_start3A_180 : memref<64xi32, #tpu.memory_space<vmem>>) semaphore(%arg14 : memref<!tpu.dma_semaphore, #tpu.memory_space<semaphore_mem>>) {add = true}
      %dma_wait3A_184 = arith.constant 0 : i32
      %dma_wait3A_185 = arith.constant 0 : i32
      %dma_wait3A_186 = tpu.memref_slice %arg6[%dma_wait3A_184, %dma_wait3A_185] : memref<160x64xi32, #tpu.memory_space<vmem>> -> memref<1x64xi32, #tpu.memory_space<vmem>>
      %dma_wait3A_187 = tpu.memref_squeeze %dma_wait3A_186 : memref<1x64xi32, #tpu.memory_space<vmem>> -> memref<64xi32, #tpu.memory_space<vmem>>
      %dma_wait3A_188 = arith.constant 0 : i32
      %dma_wait3A_189 = arith.constant 0 : i32
      %dma_wait3A_190 = tpu.memref_slice %arg4[%dma_wait3A_188, %dma_wait3A_189] : memref<10240x128xf32, #tpu.memory_space<hbm>> -> memref<10240x128xf32, #tpu.memory_space<hbm>>
      tpu.wait_indirect_dma semaphore(%arg11 : memref<!tpu.dma_semaphore, #tpu.memory_space<semaphore_mem>>) src(%dma_wait3A_190 : memref<10240x128xf32, #tpu.memory_space<hbm>>) dst(%arg8 : memref<64x128xf32, #tpu.memory_space<vmem>>)
      %dma_wait3A_191 = arith.constant 0 : i32
      %dma_wait3A_192 = arith.constant 0 : i32
      %dma_wait3A_193 = tpu.memref_slice %arg7[%dma_wait3A_191, %dma_wait3A_192] : memref<160x64xi32, #tpu.memory_space<vmem>> -> memref<1x64xi32, #tpu.memory_space<vmem>>
      %dma_wait3A_194 = tpu.memref_squeeze %dma_wait3A_193 : memref<1x64xi32, #tpu.memory_space<vmem>> -> memref<64xi32, #tpu.memory_space<vmem>>
      %dma_wait3A_195 = arith.constant 0 : i32
      %dma_wait3A_196 = arith.constant 0 : i32
      %dma_wait3A_197 = tpu.memref_slice %arg10[%dma_wait3A_195, %dma_wait3A_196] : memref<10240x128xf32, #tpu.memory_space<vmem_shared>> -> memref<10240x128xf32, #tpu.memory_space<vmem_shared>>
      tpu.wait_indirect_dma semaphore(%arg14 : memref<!tpu.dma_semaphore, #tpu.memory_space<semaphore_mem>>) src(%arg9 : memref<64x128xf32, #tpu.memory_space<vmem>>) dst(%dma_wait3A_197 : memref<10240x128xf32, #tpu.memory_space<vmem_shared>>)
      %add3A_198 = arith.constant 2 : i32
      %add3A_199 = arith.addi %add3A_155, %add3A_198 : i32
      %dma_start3A_200 = arith.constant 0 : i32
      %dma_start3A_201 = tpu.memref_slice %arg6[%add3A_199, %dma_start3A_200] : memref<160x64xi32, #tpu.memory_space<vmem>> -> memref<1x64xi32, #tpu.memory_space<vmem>>
      %dma_start3A_202 = tpu.memref_squeeze %dma_start3A_201 : memref<1x64xi32, #tpu.memory_space<vmem>> -> memref<64xi32, #tpu.memory_space<vmem>>
      %dma_start3A_203 = arith.constant 0 : i32
      %dma_start3A_204 = arith.constant 0 : i32
      %dma_start3A_205 = tpu.memref_slice %arg4[%dma_start3A_203, %dma_start3A_204] : memref<10240x128xf32, #tpu.memory_space<hbm>> -> memref<10240x128xf32, #tpu.memory_space<hbm>>
      tpu.enqueue_indirect_dma source(%dma_start3A_205 : memref<10240x128xf32, #tpu.memory_space<hbm>>) target(%arg9 : memref<64x128xf32, #tpu.memory_space<vmem>>) offsets(%dma_start3A_202 : memref<64xi32, #tpu.memory_space<vmem>>) semaphore(%arg12 : memref<!tpu.dma_semaphore, #tpu.memory_space<semaphore_mem>>)
      %add3A_206 = arith.constant 1 : i32
      %add3A_207 = arith.addi %add3A_155, %add3A_206 : i32
      %dma_start3A_208 = arith.constant 0 : i32
      %dma_start3A_209 = tpu.memref_slice %arg7[%add3A_207, %dma_start3A_208] : memref<160x64xi32, #tpu.memory_space<vmem>> -> memref<1x64xi32, #tpu.memory_space<vmem>>
      %dma_start3A_210 = tpu.memref_squeeze %dma_start3A_209 : memref<1x64xi32, #tpu.memory_space<vmem>> -> memref<64xi32, #tpu.memory_space<vmem>>
      %dma_start3A_211 = arith.constant 0 : i32
      %dma_start3A_212 = arith.constant 0 : i32
      %dma_start3A_213 = tpu.memref_slice %arg10[%dma_start3A_211, %dma_start3A_212] : memref<10240x128xf32, #tpu.memory_space<vmem_shared>> -> memref<10240x128xf32, #tpu.memory_space<vmem_shared>>
      tpu.enqueue_indirect_dma source(%arg8 : memref<64x128xf32, #tpu.memory_space<vmem>>) target(%dma_start3A_213 : memref<10240x128xf32, #tpu.memory_space<vmem_shared>>) offsets(%dma_start3A_210 : memref<64xi32, #tpu.memory_space<vmem>>) semaphore(%arg13 : memref<!tpu.dma_semaphore, #tpu.memory_space<semaphore_mem>>) {add = true}
      %scan3A_214 = arith.constant 0 : i32
      scf.yield %scan3A_214 : i32
    }
    %scan3A_81 = arith.constant 79 : i32
    %dma_wait3A_82 = arith.constant 0 : i32
    %dma_wait3A_83 = arith.constant 0 : i32
    %dma_wait3A_84 = tpu.memref_slice %arg6[%dma_wait3A_82, %dma_wait3A_83] : memref<160x64xi32, #tpu.memory_space<vmem>> -> memref<1x64xi32, #tpu.memory_space<vmem>>
    %dma_wait3A_85 = tpu.memref_squeeze %dma_wait3A_84 : memref<1x64xi32, #tpu.memory_space<vmem>> -> memref<64xi32, #tpu.memory_space<vmem>>
    %dma_wait3A_86 = arith.constant 0 : i32
    %dma_wait3A_87 = arith.constant 0 : i32
    %dma_wait3A_88 = tpu.memref_slice %arg4[%dma_wait3A_86, %dma_wait3A_87] : memref<10240x128xf32, #tpu.memory_space<hbm>> -> memref<10240x128xf32, #tpu.memory_space<hbm>>
    tpu.wait_indirect_dma semaphore(%arg12 : memref<!tpu.dma_semaphore, #tpu.memory_space<semaphore_mem>>) src(%dma_wait3A_88 : memref<10240x128xf32, #tpu.memory_space<hbm>>) dst(%arg9 : memref<64x128xf32, #tpu.memory_space<vmem>>)
    %dma_start3A_89 = arith.constant 159 : i32
    %dma_start3A_90 = arith.constant 0 : i32
    %dma_start3A_91 = tpu.memref_slice %arg7[%dma_start3A_89, %dma_start3A_90] : memref<160x64xi32, #tpu.memory_space<vmem>> -> memref<1x64xi32, #tpu.memory_space<vmem>>
    %dma_start3A_92 = tpu.memref_squeeze %dma_start3A_91 : memref<1x64xi32, #tpu.memory_space<vmem>> -> memref<64xi32, #tpu.memory_space<vmem>>
    %dma_start3A_93 = arith.constant 0 : i32
    %dma_start3A_94 = arith.constant 0 : i32
    %dma_start3A_95 = tpu.memref_slice %arg10[%dma_start3A_93, %dma_start3A_94] : memref<10240x128xf32, #tpu.memory_space<vmem_shared>> -> memref<10240x128xf32, #tpu.memory_space<vmem_shared>>
    tpu.enqueue_indirect_dma source(%arg9 : memref<64x128xf32, #tpu.memory_space<vmem>>) target(%dma_start3A_95 : memref<10240x128xf32, #tpu.memory_space<vmem_shared>>) offsets(%dma_start3A_92 : memref<64xi32, #tpu.memory_space<vmem>>) semaphore(%arg14 : memref<!tpu.dma_semaphore, #tpu.memory_space<semaphore_mem>>) {add = true}
    %dma_wait3A_96 = arith.constant 0 : i32
    %dma_wait3A_97 = arith.constant 0 : i32
    %dma_wait3A_98 = tpu.memref_slice %arg7[%dma_wait3A_96, %dma_wait3A_97] : memref<160x64xi32, #tpu.memory_space<vmem>> -> memref<1x64xi32, #tpu.memory_space<vmem>>
    %dma_wait3A_99 = tpu.memref_squeeze %dma_wait3A_98 : memref<1x64xi32, #tpu.memory_space<vmem>> -> memref<64xi32, #tpu.memory_space<vmem>>
    %dma_wait3A_100 = arith.constant 0 : i32
    %dma_wait3A_101 = arith.constant 0 : i32
    %dma_wait3A_102 = tpu.memref_slice %arg10[%dma_wait3A_100, %dma_wait3A_101] : memref<10240x128xf32, #tpu.memory_space<vmem_shared>> -> memref<10240x128xf32, #tpu.memory_space<vmem_shared>>
    tpu.wait_indirect_dma semaphore(%arg13 : memref<!tpu.dma_semaphore, #tpu.memory_space<semaphore_mem>>) src(%arg8 : memref<64x128xf32, #tpu.memory_space<vmem>>) dst(%dma_wait3A_102 : memref<10240x128xf32, #tpu.memory_space<vmem_shared>>)
    %dma_wait3A_103 = arith.constant 0 : i32
    %dma_wait3A_104 = arith.constant 0 : i32
    %dma_wait3A_105 = tpu.memref_slice %arg7[%dma_wait3A_103, %dma_wait3A_104] : memref<160x64xi32, #tpu.memory_space<vmem>> -> memref<1x64xi32, #tpu.memory_space<vmem>>
    %dma_wait3A_106 = tpu.memref_squeeze %dma_wait3A_105 : memref<1x64xi32, #tpu.memory_space<vmem>> -> memref<64xi32, #tpu.memory_space<vmem>>
    %dma_wait3A_107 = arith.constant 0 : i32
    %dma_wait3A_108 = arith.constant 0 : i32
    %dma_wait3A_109 = tpu.memref_slice %arg10[%dma_wait3A_107, %dma_wait3A_108] : memref<10240x128xf32, #tpu.memory_space<vmem_shared>> -> memref<10240x128xf32, #tpu.memory_space<vmem_shared>>
    tpu.wait_indirect_dma semaphore(%arg14 : memref<!tpu.dma_semaphore, #tpu.memory_space<semaphore_mem>>) src(%arg9 : memref<64x128xf32, #tpu.memory_space<vmem>>) dst(%dma_wait3A_109 : memref<10240x128xf32, #tpu.memory_space<vmem_shared>>)
    %barrier3A = arith.constant 0 : index
    tpu.barrier barrier_id(%barrier3A)
    %mul3A_110 = arith.constant 640 : i32
    %mul3A_111 = arith.muli %arg1, %mul3A_110 : i32
    %add3A_112 = arith.constant 0 : i32
    %add3A_113 = arith.addi %mul3A_111, %add3A_112 : i32
    "tpu.region"() ({
      %run_scoped3A = tpu.sem_alloc : memref<!tpu.dma_semaphore, #tpu.memory_space<semaphore_mem>>
      %dma_start3A_150 = arith.constant 0 : i32
      %dma_start3A_151 = tpu.memref_slice %arg5[%arg0, %add3A_113, %dma_start3A_150] : memref<2x10240x128xf32, #tpu.memory_space<hbm>> -> memref<1x64x128xf32, #tpu.memory_space<hbm>>
      %dma_start3A_152 = tpu.memref_squeeze %dma_start3A_151 : memref<1x64x128xf32, #tpu.memory_space<hbm>> -> memref<64x128xf32, #tpu.memory_space<hbm>>
      %dma_start3A_153 = arith.constant 0 : i32
      %dma_start3A_154 = tpu.memref_slice %arg10[%add3A_113, %dma_start3A_153] : memref<10240x128xf32, #tpu.memory_space<vmem_shared>> -> memref<64x128xf32, #tpu.memory_space<vmem_shared>>
      tpu.enqueue_dma source(%dma_start3A_154 : memref<64x128xf32, #tpu.memory_space<vmem_shared>>) target(%dma_start3A_152 : memref<64x128xf32, #tpu.memory_space<hbm>>) target_semaphore(%run_scoped3A : memref<!tpu.dma_semaphore, #tpu.memory_space<semaphore_mem>>)
      %dma_wait3A_155 = arith.constant 0 : i32
      %dma_wait3A_156 = tpu.memref_slice %arg5[%arg0, %add3A_113, %dma_wait3A_155] : memref<2x10240x128xf32, #tpu.memory_space<hbm>> -> memref<1x64x128xf32, #tpu.memory_space<hbm>>
      %dma_wait3A_157 = tpu.memref_squeeze %dma_wait3A_156 : memref<1x64x128xf32, #tpu.memory_space<hbm>> -> memref<64x128xf32, #tpu.memory_space<hbm>>
      %dma_wait3A_158 = arith.constant 0 : i32
      %dma_wait3A_159 = tpu.memref_slice %arg10[%add3A_113, %dma_wait3A_158] : memref<10240x128xf32, #tpu.memory_space<vmem_shared>> -> memref<64x128xf32, #tpu.memory_space<vmem_shared>>
      tpu.wait_dma2 semaphore(%run_scoped3A : memref<!tpu.dma_semaphore, #tpu.memory_space<semaphore_mem>>) src(%dma_wait3A_159 : memref<64x128xf32, #tpu.memory_space<vmem_shared>>) dst(%dma_wait3A_157 : memref<64x128xf32, #tpu.memory_space<hbm>>)
      tpu.yield
    }) : () -> ()
    %mul3A_114 = arith.constant 640 : i32
    %mul3A_115 = arith.muli %arg1, %mul3A_114 : i32
    %add3A_116 = arith.constant 64 : i32
    %add3A_117 = arith.addi %mul3A_115, %add3A_116 : i32
    "tpu.region"() ({
      %run_scoped3A = tpu.sem_alloc : memref<!tpu.dma_semaphore, #tpu.memory_space<semaphore_mem>>
      %dma_start3A_150 = arith.constant 0 : i32
      %dma_start3A_151 = tpu.memref_slice %arg5[%arg0, %add3A_117, %dma_start3A_150] : memref<2x10240x128xf32, #tpu.memory_space<hbm>> -> memref<1x64x128xf32, #tpu.memory_space<hbm>>
      %dma_start3A_152 = tpu.memref_squeeze %dma_start3A_151 : memref<1x64x128xf32, #tpu.memory_space<hbm>> -> memref<64x128xf32, #tpu.memory_space<hbm>>
      %dma_start3A_153 = arith.constant 0 : i32
      %dma_start3A_154 = tpu.memref_slice %arg10[%add3A_117, %dma_start3A_153] : memref<10240x128xf32, #tpu.memory_space<vmem_shared>> -> memref<64x128xf32, #tpu.memory_space<vmem_shared>>
      tpu.enqueue_dma source(%dma_start3A_154 : memref<64x128xf32, #tpu.memory_space<vmem_shared>>) target(%dma_start3A_152 : memref<64x128xf32, #tpu.memory_space<hbm>>) target_semaphore(%run_scoped3A : memref<!tpu.dma_semaphore, #tpu.memory_space<semaphore_mem>>)
      %dma_wait3A_155 = arith.constant 0 : i32
      %dma_wait3A_156 = tpu.memref_slice %arg5[%arg0, %add3A_117, %dma_wait3A_155] : memref<2x10240x128xf32, #tpu.memory_space<hbm>> -> memref<1x64x128xf32, #tpu.memory_space<hbm>>
      %dma_wait3A_157 = tpu.memref_squeeze %dma_wait3A_156 : memref<1x64x128xf32, #tpu.memory_space<hbm>> -> memref<64x128xf32, #tpu.memory_space<hbm>>
      %dma_wait3A_158 = arith.constant 0 : i32
      %dma_wait3A_159 = tpu.memref_slice %arg10[%add3A_117, %dma_wait3A_158] : memref<10240x128xf32, #tpu.memory_space<vmem_shared>> -> memref<64x128xf32, #tpu.memory_space<vmem_shared>>
      tpu.wait_dma2 semaphore(%run_scoped3A : memref<!tpu.dma_semaphore, #tpu.memory_space<semaphore_mem>>) src(%dma_wait3A_159 : memref<64x128xf32, #tpu.memory_space<vmem_shared>>) dst(%dma_wait3A_157 : memref<64x128xf32, #tpu.memory_space<hbm>>)
      tpu.yield
    }) : () -> ()
    %mul3A_118 = arith.constant 640 : i32
    %mul3A_119 = arith.muli %arg1, %mul3A_118 : i32
    %add3A_120 = arith.constant 128 : i32
    %add3A_121 = arith.addi %mul3A_119, %add3A_120 : i32
    "tpu.region"() ({
      %run_scoped3A = tpu.sem_alloc : memref<!tpu.dma_semaphore, #tpu.memory_space<semaphore_mem>>
      %dma_start3A_150 = arith.constant 0 : i32
      %dma_start3A_151 = tpu.memref_slice %arg5[%arg0, %add3A_121, %dma_start3A_150] : memref<2x10240x128xf32, #tpu.memory_space<hbm>> -> memref<1x64x128xf32, #tpu.memory_space<hbm>>
      %dma_start3A_152 = tpu.memref_squeeze %dma_start3A_151 : memref<1x64x128xf32, #tpu.memory_space<hbm>> -> memref<64x128xf32, #tpu.memory_space<hbm>>
      %dma_start3A_153 = arith.constant 0 : i32
      %dma_start3A_154 = tpu.memref_slice %arg10[%add3A_121, %dma_start3A_153] : memref<10240x128xf32, #tpu.memory_space<vmem_shared>> -> memref<64x128xf32, #tpu.memory_space<vmem_shared>>
      tpu.enqueue_dma source(%dma_start3A_154 : memref<64x128xf32, #tpu.memory_space<vmem_shared>>) target(%dma_start3A_152 : memref<64x128xf32, #tpu.memory_space<hbm>>) target_semaphore(%run_scoped3A : memref<!tpu.dma_semaphore, #tpu.memory_space<semaphore_mem>>)
      %dma_wait3A_155 = arith.constant 0 : i32
      %dma_wait3A_156 = tpu.memref_slice %arg5[%arg0, %add3A_121, %dma_wait3A_155] : memref<2x10240x128xf32, #tpu.memory_space<hbm>> -> memref<1x64x128xf32, #tpu.memory_space<hbm>>
      %dma_wait3A_157 = tpu.memref_squeeze %dma_wait3A_156 : memref<1x64x128xf32, #tpu.memory_space<hbm>> -> memref<64x128xf32, #tpu.memory_space<hbm>>
      %dma_wait3A_158 = arith.constant 0 : i32
      %dma_wait3A_159 = tpu.memref_slice %arg10[%add3A_121, %dma_wait3A_158] : memref<10240x128xf32, #tpu.memory_space<vmem_shared>> -> memref<64x128xf32, #tpu.memory_space<vmem_shared>>
      tpu.wait_dma2 semaphore(%run_scoped3A : memref<!tpu.dma_semaphore, #tpu.memory_space<semaphore_mem>>) src(%dma_wait3A_159 : memref<64x128xf32, #tpu.memory_space<vmem_shared>>) dst(%dma_wait3A_157 : memref<64x128xf32, #tpu.memory_space<hbm>>)
      tpu.yield
    }) : () -> ()
    %mul3A_122 = arith.constant 640 : i32
    %mul3A_123 = arith.muli %arg1, %mul3A_122 : i32
    %add3A_124 = arith.constant 192 : i32
    %add3A_125 = arith.addi %mul3A_123, %add3A_124 : i32
    "tpu.region"() ({
      %run_scoped3A = tpu.sem_alloc : memref<!tpu.dma_semaphore, #tpu.memory_space<semaphore_mem>>
      %dma_start3A_150 = arith.constant 0 : i32
      %dma_start3A_151 = tpu.memref_slice %arg5[%arg0, %add3A_125, %dma_start3A_150] : memref<2x10240x128xf32, #tpu.memory_space<hbm>> -> memref<1x64x128xf32, #tpu.memory_space<hbm>>
      %dma_start3A_152 = tpu.memref_squeeze %dma_start3A_151 : memref<1x64x128xf32, #tpu.memory_space<hbm>> -> memref<64x128xf32, #tpu.memory_space<hbm>>
      %dma_start3A_153 = arith.constant 0 : i32
      %dma_start3A_154 = tpu.memref_slice %arg10[%add3A_125, %dma_start3A_153] : memref<10240x128xf32, #tpu.memory_space<vmem_shared>> -> memref<64x128xf32, #tpu.memory_space<vmem_shared>>
      tpu.enqueue_dma source(%dma_start3A_154 : memref<64x128xf32, #tpu.memory_space<vmem_shared>>) target(%dma_start3A_152 : memref<64x128xf32, #tpu.memory_space<hbm>>) target_semaphore(%run_scoped3A : memref<!tpu.dma_semaphore, #tpu.memory_space<semaphore_mem>>)
      %dma_wait3A_155 = arith.constant 0 : i32
      %dma_wait3A_156 = tpu.memref_slice %arg5[%arg0, %add3A_125, %dma_wait3A_155] : memref<2x10240x128xf32, #tpu.memory_space<hbm>> -> memref<1x64x128xf32, #tpu.memory_space<hbm>>
      %dma_wait3A_157 = tpu.memref_squeeze %dma_wait3A_156 : memref<1x64x128xf32, #tpu.memory_space<hbm>> -> memref<64x128xf32, #tpu.memory_space<hbm>>
      %dma_wait3A_158 = arith.constant 0 : i32
      %dma_wait3A_159 = tpu.memref_slice %arg10[%add3A_125, %dma_wait3A_158] : memref<10240x128xf32, #tpu.memory_space<vmem_shared>> -> memref<64x128xf32, #tpu.memory_space<vmem_shared>>
      tpu.wait_dma2 semaphore(%run_scoped3A : memref<!tpu.dma_semaphore, #tpu.memory_space<semaphore_mem>>) src(%dma_wait3A_159 : memref<64x128xf32, #tpu.memory_space<vmem_shared>>) dst(%dma_wait3A_157 : memref<64x128xf32, #tpu.memory_space<hbm>>)
      tpu.yield
    }) : () -> ()
    %mul3A_126 = arith.constant 640 : i32
    %mul3A_127 = arith.muli %arg1, %mul3A_126 : i32
    %add3A_128 = arith.constant 256 : i32
    %add3A_129 = arith.addi %mul3A_127, %add3A_128 : i32
    "tpu.region"() ({
      %run_scoped3A = tpu.sem_alloc : memref<!tpu.dma_semaphore, #tpu.memory_space<semaphore_mem>>
      %dma_start3A_150 = arith.constant 0 : i32
      %dma_start3A_151 = tpu.memref_slice %arg5[%arg0, %add3A_129, %dma_start3A_150] : memref<2x10240x128xf32, #tpu.memory_space<hbm>> -> memref<1x64x128xf32, #tpu.memory_space<hbm>>
      %dma_start3A_152 = tpu.memref_squeeze %dma_start3A_151 : memref<1x64x128xf32, #tpu.memory_space<hbm>> -> memref<64x128xf32, #tpu.memory_space<hbm>>
      %dma_start3A_153 = arith.constant 0 : i32
      %dma_start3A_154 = tpu.memref_slice %arg10[%add3A_129, %dma_start3A_153] : memref<10240x128xf32, #tpu.memory_space<vmem_shared>> -> memref<64x128xf32, #tpu.memory_space<vmem_shared>>
      tpu.enqueue_dma source(%dma_start3A_154 : memref<64x128xf32, #tpu.memory_space<vmem_shared>>) target(%dma_start3A_152 : memref<64x128xf32, #tpu.memory_space<hbm>>) target_semaphore(%run_scoped3A : memref<!tpu.dma_semaphore, #tpu.memory_space<semaphore_mem>>)
      %dma_wait3A_155 = arith.constant 0 : i32
      %dma_wait3A_156 = tpu.memref_slice %arg5[%arg0, %add3A_129, %dma_wait3A_155] : memref<2x10240x128xf32, #tpu.memory_space<hbm>> -> memref<1x64x128xf32, #tpu.memory_space<hbm>>
      %dma_wait3A_157 = tpu.memref_squeeze %dma_wait3A_156 : memref<1x64x128xf32, #tpu.memory_space<hbm>> -> memref<64x128xf32, #tpu.memory_space<hbm>>
      %dma_wait3A_158 = arith.constant 0 : i32
      %dma_wait3A_159 = tpu.memref_slice %arg10[%add3A_129, %dma_wait3A_158] : memref<10240x128xf32, #tpu.memory_space<vmem_shared>> -> memref<64x128xf32, #tpu.memory_space<vmem_shared>>
      tpu.wait_dma2 semaphore(%run_scoped3A : memref<!tpu.dma_semaphore, #tpu.memory_space<semaphore_mem>>) src(%dma_wait3A_159 : memref<64x128xf32, #tpu.memory_space<vmem_shared>>) dst(%dma_wait3A_157 : memref<64x128xf32, #tpu.memory_space<hbm>>)
      tpu.yield
    }) : () -> ()
    %mul3A_130 = arith.constant 640 : i32
    %mul3A_131 = arith.muli %arg1, %mul3A_130 : i32
    %add3A_132 = arith.constant 320 : i32
    %add3A_133 = arith.addi %mul3A_131, %add3A_132 : i32
    "tpu.region"() ({
      %run_scoped3A = tpu.sem_alloc : memref<!tpu.dma_semaphore, #tpu.memory_space<semaphore_mem>>
      %dma_start3A_150 = arith.constant 0 : i32
      %dma_start3A_151 = tpu.memref_slice %arg5[%arg0, %add3A_133, %dma_start3A_150] : memref<2x10240x128xf32, #tpu.memory_space<hbm>> -> memref<1x64x128xf32, #tpu.memory_space<hbm>>
      %dma_start3A_152 = tpu.memref_squeeze %dma_start3A_151 : memref<1x64x128xf32, #tpu.memory_space<hbm>> -> memref<64x128xf32, #tpu.memory_space<hbm>>
      %dma_start3A_153 = arith.constant 0 : i32
      %dma_start3A_154 = tpu.memref_slice %arg10[%add3A_133, %dma_start3A_153] : memref<10240x128xf32, #tpu.memory_space<vmem_shared>> -> memref<64x128xf32, #tpu.memory_space<vmem_shared>>
      tpu.enqueue_dma source(%dma_start3A_154 : memref<64x128xf32, #tpu.memory_space<vmem_shared>>) target(%dma_start3A_152 : memref<64x128xf32, #tpu.memory_space<hbm>>) target_semaphore(%run_scoped3A : memref<!tpu.dma_semaphore, #tpu.memory_space<semaphore_mem>>)
      %dma_wait3A_155 = arith.constant 0 : i32
      %dma_wait3A_156 = tpu.memref_slice %arg5[%arg0, %add3A_133, %dma_wait3A_155] : memref<2x10240x128xf32, #tpu.memory_space<hbm>> -> memref<1x64x128xf32, #tpu.memory_space<hbm>>
      %dma_wait3A_157 = tpu.memref_squeeze %dma_wait3A_156 : memref<1x64x128xf32, #tpu.memory_space<hbm>> -> memref<64x128xf32, #tpu.memory_space<hbm>>
      %dma_wait3A_158 = arith.constant 0 : i32
      %dma_wait3A_159 = tpu.memref_slice %arg10[%add3A_133, %dma_wait3A_158] : memref<10240x128xf32, #tpu.memory_space<vmem_shared>> -> memref<64x128xf32, #tpu.memory_space<vmem_shared>>
      tpu.wait_dma2 semaphore(%run_scoped3A : memref<!tpu.dma_semaphore, #tpu.memory_space<semaphore_mem>>) src(%dma_wait3A_159 : memref<64x128xf32, #tpu.memory_space<vmem_shared>>) dst(%dma_wait3A_157 : memref<64x128xf32, #tpu.memory_space<hbm>>)
      tpu.yield
    }) : () -> ()
    %mul3A_134 = arith.constant 640 : i32
    %mul3A_135 = arith.muli %arg1, %mul3A_134 : i32
    %add3A_136 = arith.constant 384 : i32
    %add3A_137 = arith.addi %mul3A_135, %add3A_136 : i32
    "tpu.region"() ({
      %run_scoped3A = tpu.sem_alloc : memref<!tpu.dma_semaphore, #tpu.memory_space<semaphore_mem>>
      %dma_start3A_150 = arith.constant 0 : i32
      %dma_start3A_151 = tpu.memref_slice %arg5[%arg0, %add3A_137, %dma_start3A_150] : memref<2x10240x128xf32, #tpu.memory_space<hbm>> -> memref<1x64x128xf32, #tpu.memory_space<hbm>>
      %dma_start3A_152 = tpu.memref_squeeze %dma_start3A_151 : memref<1x64x128xf32, #tpu.memory_space<hbm>> -> memref<64x128xf32, #tpu.memory_space<hbm>>
      %dma_start3A_153 = arith.constant 0 : i32
      %dma_start3A_154 = tpu.memref_slice %arg10[%add3A_137, %dma_start3A_153] : memref<10240x128xf32, #tpu.memory_space<vmem_shared>> -> memref<64x128xf32, #tpu.memory_space<vmem_shared>>
      tpu.enqueue_dma source(%dma_start3A_154 : memref<64x128xf32, #tpu.memory_space<vmem_shared>>) target(%dma_start3A_152 : memref<64x128xf32, #tpu.memory_space<hbm>>) target_semaphore(%run_scoped3A : memref<!tpu.dma_semaphore, #tpu.memory_space<semaphore_mem>>)
      %dma_wait3A_155 = arith.constant 0 : i32
      %dma_wait3A_156 = tpu.memref_slice %arg5[%arg0, %add3A_137, %dma_wait3A_155] : memref<2x10240x128xf32, #tpu.memory_space<hbm>> -> memref<1x64x128xf32, #tpu.memory_space<hbm>>
      %dma_wait3A_157 = tpu.memref_squeeze %dma_wait3A_156 : memref<1x64x128xf32, #tpu.memory_space<hbm>> -> memref<64x128xf32, #tpu.memory_space<hbm>>
      %dma_wait3A_158 = arith.constant 0 : i32
      %dma_wait3A_159 = tpu.memref_slice %arg10[%add3A_137, %dma_wait3A_158] : memref<10240x128xf32, #tpu.memory_space<vmem_shared>> -> memref<64x128xf32, #tpu.memory_space<vmem_shared>>
      tpu.wait_dma2 semaphore(%run_scoped3A : memref<!tpu.dma_semaphore, #tpu.memory_space<semaphore_mem>>) src(%dma_wait3A_159 : memref<64x128xf32, #tpu.memory_space<vmem_shared>>) dst(%dma_wait3A_157 : memref<64x128xf32, #tpu.memory_space<hbm>>)
      tpu.yield
    }) : () -> ()
    %mul3A_138 = arith.constant 640 : i32
    %mul3A_139 = arith.muli %arg1, %mul3A_138 : i32
    %add3A_140 = arith.constant 448 : i32
    %add3A_141 = arith.addi %mul3A_139, %add3A_140 : i32
    "tpu.region"() ({
      %run_scoped3A = tpu.sem_alloc : memref<!tpu.dma_semaphore, #tpu.memory_space<semaphore_mem>>
      %dma_start3A_150 = arith.constant 0 : i32
      %dma_start3A_151 = tpu.memref_slice %arg5[%arg0, %add3A_141, %dma_start3A_150] : memref<2x10240x128xf32, #tpu.memory_space<hbm>> -> memref<1x64x128xf32, #tpu.memory_space<hbm>>
      %dma_start3A_152 = tpu.memref_squeeze %dma_start3A_151 : memref<1x64x128xf32, #tpu.memory_space<hbm>> -> memref<64x128xf32, #tpu.memory_space<hbm>>
      %dma_start3A_153 = arith.constant 0 : i32
      %dma_start3A_154 = tpu.memref_slice %arg10[%add3A_141, %dma_start3A_153] : memref<10240x128xf32, #tpu.memory_space<vmem_shared>> -> memref<64x128xf32, #tpu.memory_space<vmem_shared>>
      tpu.enqueue_dma source(%dma_start3A_154 : memref<64x128xf32, #tpu.memory_space<vmem_shared>>) target(%dma_start3A_152 : memref<64x128xf32, #tpu.memory_space<hbm>>) target_semaphore(%run_scoped3A : memref<!tpu.dma_semaphore, #tpu.memory_space<semaphore_mem>>)
      %dma_wait3A_155 = arith.constant 0 : i32
      %dma_wait3A_156 = tpu.memref_slice %arg5[%arg0, %add3A_141, %dma_wait3A_155] : memref<2x10240x128xf32, #tpu.memory_space<hbm>> -> memref<1x64x128xf32, #tpu.memory_space<hbm>>
      %dma_wait3A_157 = tpu.memref_squeeze %dma_wait3A_156 : memref<1x64x128xf32, #tpu.memory_space<hbm>> -> memref<64x128xf32, #tpu.memory_space<hbm>>
      %dma_wait3A_158 = arith.constant 0 : i32
      %dma_wait3A_159 = tpu.memref_slice %arg10[%add3A_141, %dma_wait3A_158] : memref<10240x128xf32, #tpu.memory_space<vmem_shared>> -> memref<64x128xf32, #tpu.memory_space<vmem_shared>>
      tpu.wait_dma2 semaphore(%run_scoped3A : memref<!tpu.dma_semaphore, #tpu.memory_space<semaphore_mem>>) src(%dma_wait3A_159 : memref<64x128xf32, #tpu.memory_space<vmem_shared>>) dst(%dma_wait3A_157 : memref<64x128xf32, #tpu.memory_space<hbm>>)
      tpu.yield
    }) : () -> ()
    %mul3A_142 = arith.constant 640 : i32
    %mul3A_143 = arith.muli %arg1, %mul3A_142 : i32
    %add3A_144 = arith.constant 512 : i32
    %add3A_145 = arith.addi %mul3A_143, %add3A_144 : i32
    "tpu.region"() ({
      %run_scoped3A = tpu.sem_alloc : memref<!tpu.dma_semaphore, #tpu.memory_space<semaphore_mem>>
      %dma_start3A_150 = arith.constant 0 : i32
      %dma_start3A_151 = tpu.memref_slice %arg5[%arg0, %add3A_145, %dma_start3A_150] : memref<2x10240x128xf32, #tpu.memory_space<hbm>> -> memref<1x64x128xf32, #tpu.memory_space<hbm>>
      %dma_start3A_152 = tpu.memref_squeeze %dma_start3A_151 : memref<1x64x128xf32, #tpu.memory_space<hbm>> -> memref<64x128xf32, #tpu.memory_space<hbm>>
      %dma_start3A_153 = arith.constant 0 : i32
      %dma_start3A_154 = tpu.memref_slice %arg10[%add3A_145, %dma_start3A_153] : memref<10240x128xf32, #tpu.memory_space<vmem_shared>> -> memref<64x128xf32, #tpu.memory_space<vmem_shared>>
      tpu.enqueue_dma source(%dma_start3A_154 : memref<64x128xf32, #tpu.memory_space<vmem_shared>>) target(%dma_start3A_152 : memref<64x128xf32, #tpu.memory_space<hbm>>) target_semaphore(%run_scoped3A : memref<!tpu.dma_semaphore, #tpu.memory_space<semaphore_mem>>)
      %dma_wait3A_155 = arith.constant 0 : i32
      %dma_wait3A_156 = tpu.memref_slice %arg5[%arg0, %add3A_145, %dma_wait3A_155] : memref<2x10240x128xf32, #tpu.memory_space<hbm>> -> memref<1x64x128xf32, #tpu.memory_space<hbm>>
      %dma_wait3A_157 = tpu.memref_squeeze %dma_wait3A_156 : memref<1x64x128xf32, #tpu.memory_space<hbm>> -> memref<64x128xf32, #tpu.memory_space<hbm>>
      %dma_wait3A_158 = arith.constant 0 : i32
      %dma_wait3A_159 = tpu.memref_slice %arg10[%add3A_145, %dma_wait3A_158] : memref<10240x128xf32, #tpu.memory_space<vmem_shared>> -> memref<64x128xf32, #tpu.memory_space<vmem_shared>>
      tpu.wait_dma2 semaphore(%run_scoped3A : memref<!tpu.dma_semaphore, #tpu.memory_space<semaphore_mem>>) src(%dma_wait3A_159 : memref<64x128xf32, #tpu.memory_space<vmem_shared>>) dst(%dma_wait3A_157 : memref<64x128xf32, #tpu.memory_space<hbm>>)
      tpu.yield
    }) : () -> ()
    %mul3A_146 = arith.constant 640 : i32
    %mul3A_147 = arith.muli %arg1, %mul3A_146 : i32
    %add3A_148 = arith.constant 576 : i32
    %add3A_149 = arith.addi %mul3A_147, %add3A_148 : i32
    "tpu.region"() ({
      %run_scoped3A = tpu.sem_alloc : memref<!tpu.dma_semaphore, #tpu.memory_space<semaphore_mem>>
      %dma_start3A_150 = arith.constant 0 : i32
      %dma_start3A_151 = tpu.memref_slice %arg5[%arg0, %add3A_149, %dma_start3A_150] : memref<2x10240x128xf32, #tpu.memory_space<hbm>> -> memref<1x64x128xf32, #tpu.memory_space<hbm>>
      %dma_start3A_152 = tpu.memref_squeeze %dma_start3A_151 : memref<1x64x128xf32, #tpu.memory_space<hbm>> -> memref<64x128xf32, #tpu.memory_space<hbm>>
      %dma_start3A_153 = arith.constant 0 : i32
      %dma_start3A_154 = tpu.memref_slice %arg10[%add3A_149, %dma_start3A_153] : memref<10240x128xf32, #tpu.memory_space<vmem_shared>> -> memref<64x128xf32, #tpu.memory_space<vmem_shared>>
      tpu.enqueue_dma source(%dma_start3A_154 : memref<64x128xf32, #tpu.memory_space<vmem_shared>>) target(%dma_start3A_152 : memref<64x128xf32, #tpu.memory_space<hbm>>) target_semaphore(%run_scoped3A : memref<!tpu.dma_semaphore, #tpu.memory_space<semaphore_mem>>)
      %dma_wait3A_155 = arith.constant 0 : i32
      %dma_wait3A_156 = tpu.memref_slice %arg5[%arg0, %add3A_149, %dma_wait3A_155] : memref<2x10240x128xf32, #tpu.memory_space<hbm>> -> memref<1x64x128xf32, #tpu.memory_space<hbm>>
      %dma_wait3A_157 = tpu.memref_squeeze %dma_wait3A_156 : memref<1x64x128xf32, #tpu.memory_space<hbm>> -> memref<64x128xf32, #tpu.memory_space<hbm>>
      %dma_wait3A_158 = arith.constant 0 : i32
      %dma_wait3A_159 = tpu.memref_slice %arg10[%add3A_149, %dma_wait3A_158] : memref<10240x128xf32, #tpu.memory_space<vmem_shared>> -> memref<64x128xf32, #tpu.memory_space<vmem_shared>>
      tpu.wait_dma2 semaphore(%run_scoped3A : memref<!tpu.dma_semaphore, #tpu.memory_space<semaphore_mem>>) src(%dma_wait3A_159 : memref<64x128xf32, #tpu.memory_space<vmem_shared>>) dst(%dma_wait3A_157 : memref<64x128xf32, #tpu.memory_space<hbm>>)
      tpu.yield
    }) : () -> ()
    return
  }
}

module attributes {stable_mosaic.version = 14 : i64} {
  func.func @_prep1_body(%arg0: i32, %arg1: memref<1280x128xf32, #tpu.memory_space<vmem>>, %arg2: memref<128x128xf32, #tpu.memory_space<vmem>>, %arg3: memref<2x1280x16xf32, #tpu.memory_space<vmem>>, %arg4: memref<1280x128xf32, #tpu.memory_space<vmem>>) attributes {dimension_semantics = [#tpu.dimension_semantics<arbitrary>], iteration_bounds = array<i64: 8>, scalar_prefetch = 0 : i64, scratch_operands = 0 : i64, tpu.core_type = #tpu.core_type<tc>, window_params = [{transform_indices = @transform_0, window_bounds = array<i64: 1280, 128>}, {pipeline_mode = #tpu.pipeline_mode<synchronous>, transform_indices = @transform_1, window_bounds = array<i64: 128, 128>}, {transform_indices = @transform_2, window_bounds = array<i64: 2, 1280, 16>}, {transform_indices = @transform_3, window_bounds = array<i64: 1280, 128>}]} {
    %get3A = arith.constant 0 : index
    %get3A_0 = arith.constant 0 : index
    %get3A_1 = arith.constant 0 : index
    %get3A_2 = vector.load %arg3[%get3A, %get3A_0, %get3A_1] : memref<2x1280x16xf32, #tpu.memory_space<vmem>>, vector<1x1280x1xf32>
    %get3A_3 = vector.shape_cast %get3A_2 : vector<1x1280x1xf32> to vector<1280x1xf32>
    %get3A_4 = arith.constant 1 : index
    %get3A_5 = arith.constant 0 : index
    %get3A_6 = arith.constant 0 : index
    %get3A_7 = vector.load %arg3[%get3A_4, %get3A_5, %get3A_6] : memref<2x1280x16xf32, #tpu.memory_space<vmem>>, vector<1x1280x1xf32>
    %get3A_8 = vector.shape_cast %get3A_7 : vector<1x1280x1xf32> to vector<1280x1xf32>
    %add3A = arith.addf %get3A_3, %get3A_8 : vector<1280x1xf32>
    %add3A_9 = arith.constant 1.000000e+00 : f32
    %add3A_10 = vector.broadcast %add3A_9 : f32 to vector<1280x1xf32>
    %add3A_11 = arith.addf %add3A, %add3A_10 : vector<1280x1xf32>
    %rsqrt3A = math.rsqrt %add3A_11 : vector<1280x1xf32>
    %get3A_12 = arith.constant 0 : index
    %get3A_13 = arith.constant 0 : index
    %get3A_14 = vector.load %arg1[%get3A_12, %get3A_13] : memref<1280x128xf32, #tpu.memory_space<vmem>>, vector<1280x128xf32>
    %get3A_15 = arith.constant 0 : index
    %get3A_16 = arith.constant 0 : index
    %get3A_17 = vector.load %arg2[%get3A_15, %get3A_16] : memref<128x128xf32, #tpu.memory_space<vmem>>, vector<128x128xf32>
    %dot_general3A = arith.constant dense<0.000000e+00> : vector<1280x128xf32>
    %dot_general3A_18 = tpu.matmul %get3A_14, %get3A_17, %dot_general3A {dimension_numbers = #tpu.dot_dimension_numbers<[1], [0], [0], [1], [0, 0, 1, 1], [], []>, transpose_lhs_hint = false} : vector<1280x128xf32>, vector<128x128xf32>, vector<1280x128xf32> -> vector<1280x128xf32>
    %mul3A = vector.broadcast %rsqrt3A : vector<1280x1xf32> to vector<1280x128xf32>
    %mul3A_19 = arith.mulf %dot_general3A_18, %mul3A : vector<1280x128xf32>
    %swap3A = arith.constant 0 : index
    %swap3A_20 = arith.constant 0 : index
    %swap3A_21 = vector.load %arg4[%swap3A, %swap3A_20] : memref<1280x128xf32, #tpu.memory_space<vmem>>, vector<1280x128xf32>
    tpu.vector_store %arg4[%swap3A, %swap3A_20], %mul3A_19 {strides = array<i32>} : memref<1280x128xf32, #tpu.memory_space<vmem>>, vector<1280x128xf32>,
    return
  }
  func.func @transform_0(%arg0: i32) -> (i32, i32) {
    %c0_i32 = arith.constant 0 : i32
    %c0_i32_0 = arith.constant 0 : i32
    return %arg0, %c0_i32 : i32, i32
  }
  func.func @transform_1(%arg0: i32) -> (i32, i32) {
    %c0_i32 = arith.constant 0 : i32
    %c0_i32_0 = arith.constant 0 : i32
    %c0_i32_1 = arith.constant 0 : i32
    return %c0_i32, %c0_i32_0 : i32, i32
  }
  func.func @transform_2(%arg0: i32) -> (i32, i32, i32) {
    %c0_i32 = arith.constant 0 : i32
    %c0_i32_0 = arith.constant 0 : i32
    %c0_i32_1 = arith.constant 0 : i32
    return %c0_i32, %arg0, %c0_i32_0 : i32, i32, i32
  }
  func.func @transform_3(%arg0: i32) -> (i32, i32) {
    %c0_i32 = arith.constant 0 : i32
    %c0_i32_0 = arith.constant 0 : i32
    return %arg0, %c0_i32 : i32, i32
  }
}

module attributes {stable_mosaic.version = 14 : i64} {
  func.func @_prep2_body(%arg0: i32, %arg1: memref<2x1280x128xf32, #tpu.memory_space<vmem>>, %arg2: memref<1280x128xf32, #tpu.memory_space<vmem>>, %arg3: memref<2x1280x16xf32, #tpu.memory_space<vmem>>, %arg4: memref<128x16xf32, #tpu.memory_space<vmem>>, %arg5: memref<1x128xf32, #tpu.memory_space<vmem>>, %arg6: memref<1280x16xf32, #tpu.memory_space<vmem>>) attributes {dimension_semantics = [#tpu.dimension_semantics<arbitrary>], iteration_bounds = array<i64: 8>, scalar_prefetch = 0 : i64, scratch_operands = 0 : i64, tpu.core_type = #tpu.core_type<tc>, window_params = [{transform_indices = @transform_0, window_bounds = array<i64: 2, 1280, 128>}, {transform_indices = @transform_1, window_bounds = array<i64: 1280, 128>}, {transform_indices = @transform_2, window_bounds = array<i64: 2, 1280, 16>}, {pipeline_mode = #tpu.pipeline_mode<synchronous>, transform_indices = @transform_3, window_bounds = array<i64: 128, 16>}, {pipeline_mode = #tpu.pipeline_mode<synchronous>, transform_indices = @transform_4, window_bounds = array<i64: 1, 128>}, {transform_indices = @transform_5, window_bounds = array<i64: 1280, 16>}]} {
    %get3A = arith.constant 0 : index
    %get3A_0 = arith.constant 0 : index
    %get3A_1 = arith.constant 0 : index
    %get3A_2 = vector.load %arg3[%get3A, %get3A_0, %get3A_1] : memref<2x1280x16xf32, #tpu.memory_space<vmem>>, vector<1x1280x1xf32>
    %get3A_3 = vector.shape_cast %get3A_2 : vector<1x1280x1xf32> to vector<1280x1xf32>
    %get3A_4 = arith.constant 1 : index
    %get3A_5 = arith.constant 0 : index
    %get3A_6 = arith.constant 0 : index
    %get3A_7 = vector.load %arg3[%get3A_4, %get3A_5, %get3A_6] : memref<2x1280x16xf32, #tpu.memory_space<vmem>>, vector<1x1280x1xf32>
    %get3A_8 = vector.shape_cast %get3A_7 : vector<1x1280x1xf32> to vector<1280x1xf32>
    %add3A = arith.addf %get3A_3, %get3A_8 : vector<1280x1xf32>
    %add3A_9 = arith.constant 1.000000e+00 : f32
    %add3A_10 = vector.broadcast %add3A_9 : f32 to vector<1280x1xf32>
    %add3A_11 = arith.addf %add3A, %add3A_10 : vector<1280x1xf32>
    %rsqrt3A = math.rsqrt %add3A_11 : vector<1280x1xf32>
    %get3A_12 = arith.constant 0 : index
    %get3A_13 = arith.constant 0 : index
    %get3A_14 = arith.constant 0 : index
    %get3A_15 = vector.load %arg1[%get3A_12, %get3A_13, %get3A_14] : memref<2x1280x128xf32, #tpu.memory_space<vmem>>, vector<1x1280x128xf32>
    %get3A_16 = vector.shape_cast %get3A_15 : vector<1x1280x128xf32> to vector<1280x128xf32>
    %get3A_17 = arith.constant 1 : index
    %get3A_18 = arith.constant 0 : index
    %get3A_19 = arith.constant 0 : index
    %get3A_20 = vector.load %arg1[%get3A_17, %get3A_18, %get3A_19] : memref<2x1280x128xf32, #tpu.memory_space<vmem>>, vector<1x1280x128xf32>
    %get3A_21 = vector.shape_cast %get3A_20 : vector<1x1280x128xf32> to vector<1280x128xf32>
    %add3A_22 = arith.addf %get3A_16, %get3A_21 : vector<1280x128xf32>
    %get3A_23 = arith.constant 0 : index
    %get3A_24 = arith.constant 0 : index
    %get3A_25 = vector.load %arg2[%get3A_23, %get3A_24] : memref<1280x128xf32, #tpu.memory_space<vmem>>, vector<1280x128xf32>
    %add3A_26 = arith.addf %add3A_22, %get3A_25 : vector<1280x128xf32>
    %mul3A = vector.broadcast %rsqrt3A : vector<1280x1xf32> to vector<1280x128xf32>
    %mul3A_27 = arith.mulf %mul3A, %add3A_26 : vector<1280x128xf32>
    %get3A_28 = arith.constant 0 : index
    %get3A_29 = arith.constant 0 : index
    %get3A_30 = vector.load %arg5[%get3A_28, %get3A_29] : memref<1x128xf32, #tpu.memory_space<vmem>>, vector<1x128xf32>
    %add3A_31 = vector.broadcast %get3A_30 : vector<1x128xf32> to vector<1280x128xf32>
    %add3A_32 = arith.addf %mul3A_27, %add3A_31 : vector<1280x128xf32>
    %max3A = arith.constant 0.000000e+00 : f32
    %max3A_33 = vector.broadcast %max3A : f32 to vector<1280x128xf32>
    %max3A_34 = arith.maximumf %add3A_32, %max3A_33 : vector<1280x128xf32>
    %get3A_35 = arith.constant 0 : index
    %get3A_36 = arith.constant 0 : index
    %get3A_37 = vector.load %arg4[%get3A_35, %get3A_36] : memref<128x16xf32, #tpu.memory_space<vmem>>, vector<128x16xf32>
    %dot_general3A = arith.constant dense<0.000000e+00> : vector<1280x16xf32>
    %dot_general3A_38 = tpu.matmul %max3A_34, %get3A_37, %dot_general3A {dimension_numbers = #tpu.dot_dimension_numbers<[1], [0], [0], [1], [0, 0, 1, 1], [], []>, transpose_lhs_hint = false} : vector<1280x128xf32>, vector<128x16xf32>, vector<1280x16xf32> -> vector<1280x16xf32>
    %mul3A_39 = vector.broadcast %rsqrt3A : vector<1280x1xf32> to vector<1280x16xf32>
    %mul3A_40 = arith.mulf %dot_general3A_38, %mul3A_39 : vector<1280x16xf32>
    %swap3A = arith.constant 0 : index
    %swap3A_41 = arith.constant 0 : index
    %swap3A_42 = vector.load %arg6[%swap3A, %swap3A_41] : memref<1280x16xf32, #tpu.memory_space<vmem>>, vector<1280x16xf32>
    tpu.vector_store %arg6[%swap3A, %swap3A_41], %mul3A_40 {strides = array<i32>} : memref<1280x16xf32, #tpu.memory_space<vmem>>, vector<1280x16xf32>,
    return
  }
  func.func @transform_0(%arg0: i32) -> (i32, i32, i32) {
    %c0_i32 = arith.constant 0 : i32
    %c0_i32_0 = arith.constant 0 : i32
    %c0_i32_1 = arith.constant 0 : i32
    return %c0_i32, %arg0, %c0_i32_0 : i32, i32, i32
  }
  func.func @transform_1(%arg0: i32) -> (i32, i32) {
    %c0_i32 = arith.constant 0 : i32
    %c0_i32_0 = arith.constant 0 : i32
    return %arg0, %c0_i32 : i32, i32
  }
  func.func @transform_2(%arg0: i32) -> (i32, i32, i32) {
    %c0_i32 = arith.constant 0 : i32
    %c0_i32_0 = arith.constant 0 : i32
    %c0_i32_1 = arith.constant 0 : i32
    return %c0_i32, %arg0, %c0_i32_0 : i32, i32, i32
  }
  func.func @transform_3(%arg0: i32) -> (i32, i32) {
    %c0_i32 = arith.constant 0 : i32
    %c0_i32_0 = arith.constant 0 : i32
    %c0_i32_1 = arith.constant 0 : i32
    return %c0_i32, %c0_i32_0 : i32, i32
  }
  func.func @transform_4(%arg0: i32) -> (i32, i32) {
    %c0_i32 = arith.constant 0 : i32
    %c0_i32_0 = arith.constant 0 : i32
    %c0_i32_1 = arith.constant 0 : i32
    return %c0_i32, %c0_i32_0 : i32, i32
  }
  func.func @transform_5(%arg0: i32) -> (i32, i32) {
    %c0_i32 = arith.constant 0 : i32
    %c0_i32_0 = arith.constant 0 : i32
    return %arg0, %c0_i32 : i32, i32
  }
}

module attributes {stable_mosaic.version = 14 : i64} {
  func.func @_final_body(%arg0: memref<2x10240x16xf32, #tpu.memory_space<vmem>>, %arg1: memref<10240x16xf32, #tpu.memory_space<vmem>>, %arg2: memref<2x10240x16xf32, #tpu.memory_space<vmem>>, %arg3: memref<1x16xf32, #tpu.memory_space<vmem>>, %arg4: memref<1x10240xi32, #tpu.memory_space<vmem>>, %arg5: memref<64x16xf32, #tpu.memory_space<vmem>>) attributes {dimension_semantics = [], scalar_prefetch = 0 : i64, scratch_operands = 0 : i64, tpu.core_type = #tpu.core_type<tc>} {
    %get3A = arith.constant 0 : index
    %get3A_0 = arith.constant 0 : index
    %get3A_1 = arith.constant 0 : index
    %get3A_2 = vector.load %arg2[%get3A, %get3A_0, %get3A_1] : memref<2x10240x16xf32, #tpu.memory_space<vmem>>, vector<1x10240x1xf32>
    %get3A_3 = vector.shape_cast %get3A_2 : vector<1x10240x1xf32> to vector<10240x1xf32>
    %get3A_4 = arith.constant 1 : index
    %get3A_5 = arith.constant 0 : index
    %get3A_6 = arith.constant 0 : index
    %get3A_7 = vector.load %arg2[%get3A_4, %get3A_5, %get3A_6] : memref<2x10240x16xf32, #tpu.memory_space<vmem>>, vector<1x10240x1xf32>
    %get3A_8 = vector.shape_cast %get3A_7 : vector<1x10240x1xf32> to vector<10240x1xf32>
    %add3A = arith.addf %get3A_3, %get3A_8 : vector<10240x1xf32>
    %add3A_9 = arith.constant 1.000000e+00 : f32
    %add3A_10 = vector.broadcast %add3A_9 : f32 to vector<10240x1xf32>
    %add3A_11 = arith.addf %add3A, %add3A_10 : vector<10240x1xf32>
    %rsqrt3A = math.rsqrt %add3A_11 : vector<10240x1xf32>
    %get3A_12 = arith.constant 0 : index
    %get3A_13 = arith.constant 0 : index
    %get3A_14 = arith.constant 0 : index
    %get3A_15 = vector.load %arg0[%get3A_12, %get3A_13, %get3A_14] : memref<2x10240x16xf32, #tpu.memory_space<vmem>>, vector<1x10240x16xf32>
    %get3A_16 = vector.shape_cast %get3A_15 : vector<1x10240x16xf32> to vector<10240x16xf32>
    %get3A_17 = arith.constant 1 : index
    %get3A_18 = arith.constant 0 : index
    %get3A_19 = arith.constant 0 : index
    %get3A_20 = vector.load %arg0[%get3A_17, %get3A_18, %get3A_19] : memref<2x10240x16xf32, #tpu.memory_space<vmem>>, vector<1x10240x16xf32>
    %get3A_21 = vector.shape_cast %get3A_20 : vector<1x10240x16xf32> to vector<10240x16xf32>
    %add3A_22 = arith.addf %get3A_16, %get3A_21 : vector<10240x16xf32>
    %get3A_23 = arith.constant 0 : index
    %get3A_24 = arith.constant 0 : index
    %get3A_25 = vector.load %arg1[%get3A_23, %get3A_24] : memref<10240x16xf32, #tpu.memory_space<vmem>>, vector<10240x16xf32>
    %add3A_26 = arith.addf %add3A_22, %get3A_25 : vector<10240x16xf32>
    %mul3A = vector.broadcast %rsqrt3A : vector<10240x1xf32> to vector<10240x16xf32>
    %mul3A_27 = arith.mulf %mul3A, %add3A_26 : vector<10240x16xf32>
    %get3A_28 = arith.constant 0 : index
    %get3A_29 = arith.constant 0 : index
    %get3A_30 = vector.load %arg3[%get3A_28, %get3A_29] : memref<1x16xf32, #tpu.memory_space<vmem>>, vector<1x16xf32>
    %add3A_31 = vector.broadcast %get3A_30 : vector<1x16xf32> to vector<10240x16xf32>
    %add3A_32 = arith.addf %mul3A_27, %add3A_31 : vector<10240x16xf32>
    %iota3A = tpu.iota {dimensions = array<i32: 0>} : vector<64x10240xi32>
    %get3A_33 = arith.constant 0 : index
    %get3A_34 = arith.constant 0 : index
    %get3A_35 = vector.load %arg4[%get3A_33, %get3A_34] : memref<1x10240xi32, #tpu.memory_space<vmem>>, vector<1x10240xi32>
    %eq3A = vector.broadcast %get3A_35 : vector<1x10240xi32> to vector<64x10240xi32>
    %eq3A_36 = arith.cmpi eq, %iota3A, %eq3A : vector<64x10240xi32>
    %convert_element_type3A = arith.extui %eq3A_36 : vector<64x10240xi1> to vector<64x10240xi32>
    %convert_element_type3A_37 = arith.sitofp %convert_element_type3A : vector<64x10240xi32> to vector<64x10240xf32>
    %dot_general3A = arith.constant dense<0.000000e+00> : vector<64x16xf32>
    %dot_general3A_38 = tpu.matmul %convert_element_type3A_37, %add3A_32, %dot_general3A {dimension_numbers = #tpu.dot_dimension_numbers<[1], [0], [0], [1], [0, 0, 1, 1], [], []>, transpose_lhs_hint = false} : vector<64x10240xf32>, vector<10240x16xf32>, vector<64x16xf32> -> vector<64x16xf32>
    %reduce_sum3A = arith.constant dense<0.000000e+00> : vector<64xf32>
    %reduce_sum3A_39 = vector.multi_reduction <add>, %convert_element_type3A_37, %reduce_sum3A [1] : vector<64x10240xf32> to vector<64xf32>
    %broadcast_in_dim3A = vector.shape_cast %reduce_sum3A_39 : vector<64xf32> to vector<64x1xf32>
    %max3A = arith.constant 1.000000e+00 : f32
    %max3A_40 = vector.broadcast %max3A : f32 to vector<64x1xf32>
    %max3A_41 = arith.maximumf %broadcast_in_dim3A, %max3A_40 : vector<64x1xf32>
    %div3A = vector.broadcast %max3A_41 : vector<64x1xf32> to vector<64x16xf32>
    %div3A_42 = arith.divf %dot_general3A_38, %div3A : vector<64x16xf32>
    %iota3A_43 = tpu.iota {dimensions = array<i32: 1>} : vector<64x16xi32>
    %lt3A = arith.constant 2 : i32
    %lt3A_44 = vector.broadcast %lt3A : i32 to vector<64x16xi32>
    %lt3A_45 = arith.cmpi slt, %iota3A_43, %lt3A_44 : vector<64x16xi32>
    %jit3A = arith.constant -1.000000e+30 : f32
    %broadcast_in_dim3A_46 = vector.broadcast %jit3A : f32 to vector<64x16xf32>
    %select_n3A = arith.select %lt3A_45, %div3A_42, %broadcast_in_dim3A_46 : vector<64x16xi1>, vector<64x16xf32>
    %reduce_max3A = arith.constant dense<0xFF800000> : vector<64xf32>
    %reduce_max3A_47 = vector.multi_reduction <maximumf>, %select_n3A, %reduce_max3A [1] : vector<64x16xf32> to vector<64xf32>
    %broadcast_in_dim3A_48 = vector.shape_cast %reduce_max3A_47 : vector<64xf32> to vector<64x1xf32>
    %sub3A = vector.broadcast %broadcast_in_dim3A_48 : vector<64x1xf32> to vector<64x16xf32>
    %sub3A_49 = arith.subf %select_n3A, %sub3A : vector<64x16xf32>
    %exp3A = math.exp %sub3A_49 : vector<64x16xf32>
    %jit3A_50 = arith.constant 0.000000e+00 : f32
    %broadcast_in_dim3A_51 = vector.broadcast %jit3A_50 : f32 to vector<64x16xf32>
    %select_n3A_52 = arith.select %lt3A_45, %exp3A, %broadcast_in_dim3A_51 : vector<64x16xi1>, vector<64x16xf32>
    %reduce_sum3A_53 = arith.constant dense<0.000000e+00> : vector<64xf32>
    %reduce_sum3A_54 = vector.multi_reduction <add>, %select_n3A_52, %reduce_sum3A_53 [1] : vector<64x16xf32> to vector<64xf32>
    %broadcast_in_dim3A_55 = vector.shape_cast %reduce_sum3A_54 : vector<64xf32> to vector<64x1xf32>
    %log3A = math.log %broadcast_in_dim3A_55 : vector<64x1xf32>
    %add3A_56 = arith.addf %log3A, %broadcast_in_dim3A_48 : vector<64x1xf32>
    %sub3A_57 = vector.broadcast %add3A_56 : vector<64x1xf32> to vector<64x16xf32>
    %sub3A_58 = arith.subf %div3A_42, %sub3A_57 : vector<64x16xf32>
    %swap3A = arith.constant 0 : index
    %swap3A_59 = arith.constant 0 : index
    %swap3A_60 = vector.load %arg5[%swap3A, %swap3A_59] : memref<64x16xf32, #tpu.memory_space<vmem>>, vector<64x16xf32>
    tpu.vector_store %arg5[%swap3A, %swap3A_59], %sub3A_58 {strides = array<i32>} : memref<64x16xf32, #tpu.memory_space<vmem>>, vector<64x16xf32>,
    return
  }
}

</mosaic_0001>

<sc_bundles>
// kernel: kernel.11.cloned.1.call-start
scs
__scs_entry_jumppad:
0x0: {  	(pc) =	sbr.rel $0x88, $3  }
0x1: {  	(tag) =	ssettag $0x0;
	lr =	simm.s32 $0x1  }
0x2: {  	[smem:$0x3F9A] =	sst lr;
	_ =	strace $0xD0000000  }
0x3: {  	_ = 	snop  }
0x4: {  	_ = 	snop  }
0x5: {  	_ = 	snop  }
0x6: {  	_ = 	snop  }
0x7: {  	_ = 	snop  }
__scs_overlays_trampoline_lowered:
0x8: {  	[smem:$0x3FA9] =	sst s0  }
0x9: {  	[smem:$0x3FAA] =	sst s1  }
0xa: {  	[smem:$0x3FAB] =	sst s2  }
0xb: {  	[smem:$0x3FAC] =	sst s3  }
0xc: {  	[smem:$0x3FAD] =	sst s4  }
0xd: {  	[smem:$0x3FAE] =	sst s5  }
0xe: {  	[smem:$0x3FAF] =	sst s6  }
0xf: {  	[smem:$0x3FB0] =	sst s7  }
0x10: {  	[smem:$0x3FB1] =	sst s8  }
0x11: {  	[smem:$0x3FB2] =	sst s9;
	s0 =	simm.s32 @!p0 $0x0  }
0x12: {  	s1 =	sld [smem:$0x3F98];
	s0 =	simm.s32 @p0 $0x1  }
0x13: {  	[smem:$0x3FB3] =	sst s0;
	s0 =	simm.s32 @!p1 $0x0  }
0x14: {  	s2 =	sld [smem:$0x3F97];
	s0 =	simm.s32 @p1 $0x1  }
0x15: {  	[smem:$0x3FB4] =	sst s0;
	s0 =	simm.s32 @!p2 $0x0  }
0x16: {  	s3 =	sld [smem:$0x3FDB];
	s0 =	simm.s32 @p2 $0x1  }
0x17: {  	s4 =	simm.s32 $0x1BF5;
	[smem:$0x3FB6] =	sst s0  }
0x18: {  	s0 =	sld [smem:$0x3F99];
	_ =	swait.ge [sflag:s4], $0x0  }
0x19: {  	s7 =	sld [smem:$0x3F9A]  }
0x1a: {  	s8 =	sadd.s32 $0xFFFFE003, lr  }
0x1b: {  	s9 =	sadd.s32 $0xFFFFFEF7, lr;
	s5 =	simm.s32 $0xFFFFFFFF;
	p2 =	slt.u32 s8, $0xFFFFF086  }
0x1c: {  	p1 =	slt.u32 s9, $0xF7A;
	s5 =	simm.s32 @!p2 $0x0  }
0x1d: {  	s5 =	simm.s32 @p1 $0x1;
	p0 =	seq.s32 s7, s2  }
0x1e: {  	s7 =	smul.u32 @!p0 $0xF7A, s2;
	p2 =	seq.s32 @!p0 s5, $0x0  }
0x1f: {  	s9 =	smul.u32 $0xF7A, s1;
	s8 =	simm.s32 @!p0 $0x1BF5;
	p2 =	por !p2, p0  }
0x20: {  	[sflag:s8] =	ssyncset.s32 @!p0 $0xFFFFF086;
	s6 =	sadd.s32 @!p0 s3, s7;
	s7 =	simm.s32 @!p0 $0x108  }
0x21: {  	s3 =	sadd.s32 s3, s9;
	s6 =	sadd.s32 @!p0 $0x88, s6;
	s7 =	simm.s32 @p2 $0x1082  }
0x22: {  	[simem:s7], [sflag:s8] =	dma.local @!p0 [hbm:s6], $0xF7A  }
0x23: {  	s9 =	sor.u32 $0xD0000000, s2;
	s6 =	simm.s32 $0x108;
	_ =	swait.ge @!p0 [sflag:s8], $0x0  }
0x24: {  	s3 =	sadd.s32 $0x88, s3;
	s6 =	simm.s32 @!p1 $0x1082;
	[sflag:s4] =	ssyncset.s32 $0xFFFFF086  }
0x25: {  	[simem:s6], [sflag:s4] =	dma.local [hbm:s3], $0xF7A  }
0x26: {  	[smem:$0x3F9A] =	sst s1;
	(tag) =	ssettag s2;
	_ =	strace s9  }
0x27: {  	s1 =	sld [smem:$0x3FAA]  }
0x28: {  	s2 =	sld [smem:$0x3FAB]  }
0x29: {  	s4 =	sld [smem:$0x3FAD]  }
0x2a: {  	p0 =	seq.s32 s5, $0x0;
	s5 =	sld [smem:$0x3FAE]  }
0x2b: {  	s6 =	sld [smem:$0x3FAF]  }
0x2c: {  	s7 =	sld [smem:$0x3FB0]  }
0x2d: {  	s3 =	simm.s32 $0x108;
	s8 =	sld [smem:$0x3FB1]  }
0x2e: {  	s3 =	simm.s32 @!p0 $0x1082;
	s9 =	sld [smem:$0x3FB2]  }
0x2f: {  	lr =	sadd.s32 s0, s3;
	s0 =	sld [smem:$0x3FA9]  }
0x30: {  	s3 =	sld [smem:$0x3FAC]  }
0x31: {  	[smem:$0x3FB5] =	sst s10  }
0x32: {  	s10 =	sld [smem:$0x3FB3];
	_ =	sdelay $0x3  }
0x33: {  	p0 =	seq.s32 s10, $0x1;
	s10 =	sld [smem:$0x3FB5];
	_ =	sdelay $0x3  }
0x34: {  	[smem:$0x3FB5] =	sst s10  }
0x35: {  	s10 =	sld [smem:$0x3FB4];
	_ =	sdelay $0x3  }
0x36: {  	p1 =	seq.s32 s10, $0x1;
	s10 =	sld [smem:$0x3FB5];
	_ =	sdelay $0x3  }
0x37: {  	[smem:$0x3FB5] =	sst s10  }
0x38: {  	s10 =	sld [smem:$0x3FB6]  }
0x39: {  	_ = 	snop;
	(pc) =	sbr.ind lr, $3  }
0x3a: {  	_ = 	snop  }
0x3b: {  	_ = 	snop  }
0x3c: {  	p2 =	seq.s32 s10, $0x1;
	s10 =	sld [smem:$0x3FB5]  }
0x3d: {  	_ =	shalt  }
0x3e: {  	_ =	shalt  }
0x3f: {  	_ =	shalt  }
0x40: {  	_ =	shalt  }
0x41: {  	_ =	shalt  }
0x42: {  	_ =	shalt  }
0x43: {  	_ =	shalt  }
0x44: {  	_ =	shalt  }
0x45: {  	_ =	shalt  }
0x46: {  	_ =	shalt  }
0x47: {  	_ =	shalt  }
0x48: {  	_ =	shalt  }
0x49: {  	_ =	shalt  }
0x4a: {  	_ =	shalt  }
0x4b: {  	_ =	shalt  }
0x4c: {  	_ =	shalt  }
0x4d: {  	_ =	shalt  }
0x4e: {  	_ =	shalt  }
0x4f: {  	_ =	shalt  }
0x50: {  	_ =	shalt  }
0x51: {  	_ =	shalt  }
0x52: {  	_ =	shalt  }
0x53: {  	_ =	shalt  }
0x54: {  	_ =	shalt  }
0x55: {  	_ =	shalt  }
0x56: {  	_ =	shalt  }
0x57: {  	_ =	shalt  }
0x58: {  	_ =	shalt  }
0x59: {  	_ =	shalt  }
0x5a: {  	_ =	shalt  }
0x5b: {  	_ =	shalt  }
0x5c: {  	_ =	shalt  }
0x5d: {  	_ =	shalt  }
0x5e: {  	_ =	shalt  }
0x5f: {  	_ =	shalt  }
0x60: {  	_ =	shalt  }
0x61: {  	_ =	shalt  }
0x62: {  	_ =	shalt  }
0x63: {  	_ =	shalt  }
0x64: {  	_ =	shalt  }
0x65: {  	_ =	shalt  }
0x66: {  	_ =	shalt  }
0x67: {  	_ =	shalt  }
0x68: {  	_ =	shalt  }
0x69: {  	_ =	shalt  }
0x6a: {  	_ =	shalt  }
0x6b: {  	_ =	shalt  }
0x6c: {  	_ =	shalt  }
0x6d: {  	_ =	shalt  }
0x6e: {  	_ =	shalt  }
0x6f: {  	_ =	shalt  }
0x70: {  	_ =	shalt  }
0x71: {  	_ =	shalt  }
0x72: {  	_ =	shalt  }
0x73: {  	_ =	shalt  }
0x74: {  	_ =	shalt  }
0x75: {  	_ =	shalt  }
0x76: {  	_ =	shalt  }
0x77: {  	_ =	shalt  }
0x78: {  	_ =	shalt  }
0x79: {  	_ =	shalt  }
0x7a: {  	_ =	shalt  }
0x7b: {  	_ =	shalt  }
0x7c: {  	_ =	shalt  }
0x7d: {  	_ =	shalt  }
0x7e: {  	_ =	shalt  }
0x7f: {  	_ =	shalt  }
0x80: {  	_ =	shalt  }
0x81: {  	_ =	shalt  }
0x82: {  	_ =	shalt  }
0x83: {  	_ =	shalt  }
0x84: {  	_ =	shalt  }
0x85: {  	_ =	shalt  }
0x86: {  	_ =	shalt  }
0x87: {  	_ =	shalt  }
.Lfunc_end0:
.L_simem_size_0:
called_computation.1_lowered:
.L_overlay_start_0:
0x88: {  	s2 =	sld [smem:$0x3FD9]  }
0x89: {  	s3 =	sld [smem:$0x3FFE];
	_ =	sdelay $0x1  }
0x8a: {  	s1 =	srdreg.scid  }
0x8b: {  	s0 =	sand.u32 $0x1, s1  }
0x8c: {  	s16 =	sshll.u32 s0, $0xA;
	s2 =	sadd.s32 s3, s2  }
0x8d: {  	s2 =	sadd.s32 s2, s16  }
0x8e: {  	[smem:$0x3FC1] =	sst s2  }
0x8f: {  	_ = 	snop  }
0x90: {  	(tm) =	ssettm $0x1  }
0x91: {  	s17 =	sld [smem:$0x3FFB];
	_ =	sdelay $0x3  }
0x92: {  	_ =	strace s17  }
0x93: {  	s2 =	sld [smem:$0x3FFC];
	_ =	sdelay $0x3  }
0x94: {  	_ =	strace s2  }
0x95: {  	s2 =	sld [smem:$0x3FFD];
	_ =	sdelay $0x3  }
0x96: {  	_ =	strace s2  }
0x97: {  	_ =	strace $0x8FFFFFFF  }
0x98: {  	s18 =	sld [smem:$0x3FDB];
	_ =	sdelay $0x1  }
0x99: {  	s19 =	simm.s32 $_scs_section_size  }
0x9a: {  	s4 =	simm.s32 $_size__tile_overlayer_lowered;
	s5 =	simm.s32 $_tile_overlayer_lowered  }
0x9b: {  	s22 =	simm.s32 $0x1BFF;
	s21 =	sshll.u32 s5, $0x1;
	s2 =	sadd.s32 s19, s18  }
0x9c: {  	s6 =	simm.s32 $0x0;
	s20 =	sshll.u32 s4, $0x1;
	s4 =	sadd.s32 s21, s2  }
0x9d: {  	[timem:s6], [sflag:s22] =	dma.local [hbm:s4], s20  }
0x9e: {  	_ =	swait.ge [sflag:s22], s20  }
0x9f: {  	s3 =	ssub.s32 $0x0, s20;
	[sflag:s22] =	ssyncset.done $0x0  }
0xa0: {  	[sflag:s22] =	ssyncadd.s32 s3;
	_ =	sdelay $0x1  }
0xa1: {  	s23 =	simm.s32 $0x1B8B  }
0xa2: {  	_ =	swait.ge [sflag:s23], $0x1  }
0xa3: {  	[sflag:s23] =	ssyncset.done $0x0  }
0xa4: {  	s25 =	simm.s32 $0x1B8E;
	s24 =	sld [smem:$0x3FFE];
	[sflag:s23] =	ssyncadd.s32 $0xFFFFFFFF  }
0xa5: {  	s26 =	simm.s32 $execute0_lowered;
	[smem:$0x3FD2] =	sst s25  }
0xa6: {  	s4 =	sshll.u32 s26, $0x1;
	_ =	strace $0x80000049;
	[dreg:$0x1] =	wrdreg $0xFFFFFFFF  }
0xa7: {  	s28 =	simm.s32 $_size_execute0_lowered;
	s2 =	sadd.s32 s2, s4;
	[dreg:$0x0] =	wrdreg $0x0  }
0xa8: {  	s4 =	sshll.u32 s28, $0x1;
	[dreg:$0x2] =	wrdreg s2  }
0xa9: {  	[dreg:$0x3] =	wrdreg s4  }
0xaa: {  	[dreg:$0x4] =	wrdreg $0xC0  }
0xab: {  	_ =	task [dreg:s6], $0x5FFFF  }
0xac: {  	[dreg:$0x1] =	wrdreg $0xFFFFFFFF  }
0xad: {  	[dreg:$0x0] =	wrdreg $0x60  }
0xae: {  	[dreg:$0x2] =	wrdreg s24  }
0xaf: {  	[dreg:$0x3] =	wrdreg $0x90000  }
0xb0: {  	[dreg:$0x4] =	wrdreg $0x9  }
0xb1: {  	_ =	task.clear_ibuf [dreg:s6], $0x5FFFF;
	_ =	strace $0x90000049  }
0xb2: {  	s29 =	simm.s32 $0x9;
	_ =	strace $0x8000004B  }
0xb3: {  	_ =	swait.ge [sflag:s29], $0x1  }
0xb4: {  	[sflag:s29] =	ssyncadd.s32 $0xFFFFFFFF  }
0xb5: {  	_ =	strace $0x9000004B  }
0xb6: {  	_ =	sfence  }
0xb7: {  	s30 =	sld [smem:$0x0];
	_ =	sdelay $0x2  }
0xb8: {  	s31 =	sshll.u32 s1, $0xD;
	s1 =	sshrl.u32 s1, $0x2  }
0xb9: {  	s3 =	sand.u32 $0x4000, s31;
	s1 =	sadd.s32 s1, s30  }
0xba: {  	s0 =	sor.u32 s3, s0;
	s1 =	sshll.u32 s1, $0x11  }
0xbb: {  	s0 =	sor.u32 s1, s0  }
0xbc: {  	s0 =	sadd.s32 $0x8F2B, s0  }
0xbd: {  	[sflag:s0] =	ssyncadd.remote.s32 $0x1  }
0xbe: {  	_ =	sfence.sel $0xFFFF  }
0xbf: {  	[dreg:$0x0] =	wrdreg $0xFFFFFFFF;
	(pc) =	sbr.abs _section_cstart, $3  }
0xc0: {  	[dreg:$0x1] =	wrdreg $0xFFFFFFFF  }
0xc1: {  	_ =	task.clear_ibuf [dreg:s6], $0x2FFFF;
	_ =	strace $0x9FFFFFFF  }
0xc2: {  	(tm) =	ssettm $0x7FFFFFFF  }
0xc3: {  	_ =	shalt  }
tec
execute0_lowered:
.L_overlay_start_1:
0x0: {  	(tag) =	ssettag $0x1  }
0x1: {  	s0 =	rddreg [dreg:$0x0];
	s1 =	simm.s32 $0x0  }
0x2: {  	s2 =	srdreg.scid;
	s6 =	stileid.u32;
	s29 =	simm.s32 $0x5000  }
0x3: {  	s30 =	simm.s32 $0x5;
	s31 =	simm.s32 $0x2800;
	s2 =	sand.u32 $0x1, s2  }
0x4: {  	s3 =	sshll.u32 s2, $0x4;
	s4 =	ssub.s32 $0x2, s2;
	s2 =	smul.u32 $0x140000, s2  }
0x5: {  	[smem:$0x7FF] =	sst s1;
	s3 =	sor.u32 s6, s3;
	s6 =	smul.u32 $0x14000, s6  }
0x6: {  	s7 =	sadd.s32 $0x8DA00, s0;
	s5 =	sshrl.u32 s4, $0x1;
	s3 =	smul.u32 $0x500, s3  }
0x7: {  	s4 =	ssub.s32 s4, s5;
	s5 =	sor.u32 $0x2000, s6;
	s8 =	sadd.s32 $0x4000, s6  }
0x8: {  	s10 =	sadd.s32 $0x6000, s6;
	s19 =	sadd.s32 $0x8000, s6;
	s20 =	sadd.s32 $0xA000, s6  }
0x9: {  	s21 =	sadd.s32 $0xC000, s6;
	s22 =	sadd.s32 $0xE000, s6;
	s9 =	sadd.s32 s6, s2  }
0xa: {  	s23 =	sadd.s32 $0x10000, s6;
	s24 =	sadd.s32 $0x12000, s6;
	s28 =	smax.u32 s4, $0x1  }
0xb: {  	s4 =	simm.s32 $0x3;
	s9 =	sshrl.u32 s9, $0x3;
	s11 =	sadd.s32 s2, s5  }
0xc: {  	s25 =	sadd.s32 s2, s8;
	s26 =	sadd.s32 s2, s10;
	s12 =	sadd.s32 s2, s19  }
0xd: {  	s13 =	sadd.s32 s2, s20;
	s14 =	sadd.s32 s2, s21;
	s15 =	sadd.s32 s2, s22  }
0xe: {  	s9 =	sadd.s32 s7, s9;
	s18 =	sshrl.u32 s11, $0x3;
	s11 =	sshrl.u32 s26, $0x3  }
0xf: {  	s12 =	sshrl.u32 s12, $0x3;
	s17 =	sshrl.u32 s15, $0x3;
	s26 =	sadd.s32 s3, s0  }
0x10: {  	s3 =	simm.s32 $0x2;
	[dreg:$0x3] =	wrdreg s9;
	s9 =	sadd.s32 s7, s18  }
0x11: {  	s11 =	sadd.s32 s7, s11;
	s18 =	sadd.s32 s2, s23;
	[dreg:$0x4] =	wrdreg s9  }
0x12: {  	s2 =	sadd.s32 s2, s24;
	s9 =	sshrl.u32 s25, $0x3;
	[dreg:$0x6] =	wrdreg s11  }
0x13: {  	s11 =	sshrl.u32 s14, $0x3;
	s25 =	sshrl.u32 s18, $0x3;
	s2 =	sshrl.u32 s2, $0x3  }
0x14: {  	s9 =	sadd.s32 s7, s9;
	s16 =	sadd.s32 s7, s11;
	s11 =	rddreg [dreg:$0x1]  }
0x15: {  	s14 =	sadd.s32 $0x65A00, s0;
	s0 =	simm.s32 $0x1;
	[dreg:$0x5] =	wrdreg s9  }
0x16: {  	s9 =	sadd.s32 s7, s12;
	[dreg:$0x9] =	wrdreg s16;
	s12 =	sadd.s32 s7, s25  }
0x17: {  	s15 =	sadd.s32 s6, s11;
	s16 =	sadd.s32 s5, s11;
	s18 =	sadd.s32 s10, s11  }
0x18: {  	s19 =	sadd.s32 s19, s11;
	s20 =	sadd.s32 s20, s11;
	s21 =	sadd.s32 s21, s11  }
0x19: {  	s22 =	sadd.s32 s22, s11;
	s23 =	sadd.s32 s23, s11;
	s24 =	sadd.s32 s24, s11  }
0x1a: {  	s25 =	sadd.s32 $0xBA00, s26;
	[dreg:$0x7] =	wrdreg s9;
	s9 =	sshrl.u32 s13, $0x3  }
0x1b: {  	s26 =	sadd.s32 $0x1A00, s26;
	s10 =	simm.s32 $0x40;
	s9 =	sadd.s32 s7, s9  }
0x1c: {  	s5 =	simm.s32 $0x4;
	[dreg:$0x8] =	wrdreg s9;
	s9 =	sadd.s32 s7, s17  }
0x1d: {  	s6 =	simm.s32 $0x0;
	s13 =	sadd.s32 s7, s2;
	[dreg:$0xa] =	wrdreg s9  }
0x1e: {  	v0 =	vimm.f32 $0.0e+00;
	s2 =	simm.s32 $0x7000;
	s17 =	sadd.s32 s8, s11;
	_ =	strace $0x8000004A  }
.LBB2_1:
0x1f: {  	s7 =	simm.s32 $0x0;
	s8 =	simm.s32 $0x200  }
.LBB2_2:
0x20: {  	p0 =	sne.s32 s8, $0x7E00;
	[tilespmem:s7+$0x5070] =	vst v0  }
0x21: {  	[tilespmem:s7+$0x5000] =	vst v0  }
0x22: {  	[tilespmem:s7+$0x5010] =	vst v0  }
.Ltmp0:
0x23: {  	[tilespmem:s7+$0x5020] =	vst v0;
	(pc) =	sbr.rel @p0 .LBB2_2-.Ltmp0, $4  }
0x24: {  	[tilespmem:s7+$0x5030] =	vst v0  }
0x25: {  	[tilespmem:s7+$0x5040] =	vst v0  }
0x26: {  	[tilespmem:s7+$0x5050] =	vst v0  }
0x27: {  	[tilespmem:s7+$0x5060] =	vst v0;
	s7 =	sshra.s32 s8, $0x2;
	s8 =	sadd.s32 $0x200, s8  }
0x28: {  	[tilespmem:s7+$0x5070] =	vst v0  }
0x29: {  	[tilespmem:s7+$0x5000] =	vst v0  }
0x2a: {  	[tilespmem:s7+$0x5010] =	vst v0  }
0x2b: {  	[tilespmem:s7+$0x5020] =	vst v0  }
0x2c: {  	[tilespmem:s7+$0x5030] =	vst v0  }
0x2d: {  	[tilespmem:s7+$0x5040] =	vst v0  }
0x2e: {  	[tilespmem:s7+$0x5050] =	vst v0  }
0x2f: {  	[tilespmem:s7+$0x5060] =	vst v0  }
0x30: {  	[spmem:s15] =	stream.linear.scatter [tilespmem:s29], [sflag:$0x5], $0x2000, $0x38;
	[tilespmem:$0x1D000] =	vst v63  }
0x31: {  	_ =	swait.ge [sflag:s30], $0x2000  }
0x32: {  	[sflag:s30] =	ssyncset.done $0x0  }
0x33: {  	[sflag:s30] =	ssyncadd.s32 $0xFFFFE000  }
0x34: {  	[spmem:s16] =	stream.linear.scatter [tilespmem:s29], [sflag:$0x5], $0x2000, $0x38;
	[tilespmem:$0x1D000] =	vst v63  }
0x35: {  	_ =	swait.ge [sflag:s30], $0x2000  }
0x36: {  	[sflag:s30] =	ssyncset.done $0x0  }
0x37: {  	[sflag:s30] =	ssyncadd.s32 $0xFFFFE000  }
0x38: {  	[spmem:s17] =	stream.linear.scatter [tilespmem:s29], [sflag:$0x5], $0x2000, $0x38;
	[tilespmem:$0x1D000] =	vst v63  }
0x39: {  	_ =	swait.ge [sflag:s30], $0x2000  }
0x3a: {  	[sflag:s30] =	ssyncset.done $0x0  }
0x3b: {  	[sflag:s30] =	ssyncadd.s32 $0xFFFFE000  }
0x3c: {  	[spmem:s18] =	stream.linear.scatter [tilespmem:s29], [sflag:$0x5], $0x2000, $0x38;
	[tilespmem:$0x1D000] =	vst v63  }
0x3d: {  	_ =	swait.ge [sflag:s30], $0x2000  }
0x3e: {  	[sflag:s30] =	ssyncset.done $0x0  }
0x3f: {  	[sflag:s30] =	ssyncadd.s32 $0xFFFFE000  }
0x40: {  	[spmem:s19] =	stream.linear.scatter [tilespmem:s29], [sflag:$0x5], $0x2000, $0x38;
	[tilespmem:$0x1D000] =	vst v63  }
0x41: {  	_ =	swait.ge [sflag:s30], $0x2000  }
0x42: {  	[sflag:s30] =	ssyncset.done $0x0  }
0x43: {  	[sflag:s30] =	ssyncadd.s32 $0xFFFFE000  }
0x44: {  	[spmem:s20] =	stream.linear.scatter [tilespmem:s29], [sflag:$0x5], $0x2000, $0x38;
	[tilespmem:$0x1D000] =	vst v63  }
0x45: {  	_ =	swait.ge [sflag:s30], $0x2000  }
0x46: {  	[sflag:s30] =	ssyncset.done $0x0  }
0x47: {  	[sflag:s30] =	ssyncadd.s32 $0xFFFFE000  }
0x48: {  	[spmem:s21] =	stream.linear.scatter [tilespmem:s29], [sflag:$0x5], $0x2000, $0x38;
	[tilespmem:$0x1D000] =	vst v63  }
0x49: {  	_ =	swait.ge [sflag:s30], $0x2000  }
0x4a: {  	[sflag:s30] =	ssyncset.done $0x0  }
0x4b: {  	[sflag:s30] =	ssyncadd.s32 $0xFFFFE000  }
0x4c: {  	[spmem:s22] =	stream.linear.scatter [tilespmem:s29], [sflag:$0x5], $0x2000, $0x38;
	[tilespmem:$0x1D000] =	vst v63  }
0x4d: {  	_ =	swait.ge [sflag:s30], $0x2000  }
0x4e: {  	[sflag:s30] =	ssyncset.done $0x0  }
0x4f: {  	[sflag:s30] =	ssyncadd.s32 $0xFFFFE000  }
0x50: {  	[spmem:s23] =	stream.linear.scatter [tilespmem:s29], [sflag:$0x5], $0x2000, $0x38;
	[tilespmem:$0x1D000] =	vst v63  }
0x51: {  	_ =	swait.ge [sflag:s30], $0x2000  }
0x52: {  	[sflag:s30] =	ssyncset.done $0x0  }
0x53: {  	[sflag:s30] =	ssyncadd.s32 $0xFFFFE000  }
0x54: {  	[spmem:s24] =	stream.linear.scatter [tilespmem:s29], [sflag:$0x5], $0x2000, $0x38;
	[tilespmem:$0x1D000] =	vst v63  }
0x55: {  	_ =	swait.ge [sflag:s30], $0x2000  }
0x56: {  	[sflag:s30] =	ssyncset.done $0x0  }
0x57: {  	[sflag:s30] =	ssyncadd.s32 $0xFFFFE000  }
0x58: {  	[tilespmem:s1], [sflag:$0x5] =	stream.linear.gather [hbm4b:s25+s1], $0x2800, $0x38;
	[tilespmem:$0x1D000] =	vst v63  }
0x59: {  	_ =	swait.ge [sflag:s30], $0x2800  }
0x5a: {  	[sflag:s30] =	ssyncset.done $0x0  }
0x5b: {  	[sflag:s30] =	ssyncadd.s32 $0xFFFFD800  }
0x5c: {  	[tilespmem:s31], [sflag:$0x5] =	stream.linear.gather [hbm4b:s26+s1], $0x2800, $0x38;
	[tilespmem:$0x1D000] =	vst v63  }
0x5d: {  	_ =	swait.ge [sflag:s30], $0x2800  }
0x5e: {  	[sflag:s30] =	ssyncset.done $0x0  }
0x5f: {  	[sflag:s30] =	ssyncadd.s32 $0xFFFFD800  }
0x60: {  	[tilespmem:s29], [sflag:$0x1] =	stream.indirect.gather [hbm4b:s14+s10], $0x80, s1, s10, $0xb8;
	[tilespmem:$0x1D000] =	vst v63  }
0x61: {  	_ =	swait.ge [sflag:s0], $0x2000  }
0x62: {  	[sflag:s0] =	ssyncset.done $0x0  }
0x63: {  	[sflag:s0] =	ssyncadd.s32 $0xFFFFE000  }
0x64: {  	[tilespmem:s2], [sflag:$0x2] =	stream.indirect.gather [hbm4b:s14+s10], $0x80, s10, s10, $0xb8;
	[tilespmem:$0x1D000] =	vst v63  }
0x65: {  	_ = 	snop  }
0x66: {  	[spmem:s11] =	stream.indirect.scatter.add.f32 [tilespmem:s29], [sflag:$0x3], $0x80, s31, s10, $0xb8;
	[tilespmem:$0x1D000] =	vst v63  }
0x67: {  	_ =	swait.ge [sflag:s3], $0x2000  }
0x68: {  	[sflag:s3] =	ssyncset.done $0x0  }
0x69: {  	[sflag:s3] =	ssyncadd.s32 $0xFFFFE000  }
0x6a: {  	_ =	swait.ge [sflag:s4], $0x2000  }
0x6b: {  	[sflag:s4] =	ssyncset.done $0x0  }
0x6c: {  	s9 =	simm.s32 $0x80;
	[sflag:s4] =	ssyncadd.s32 $0xFFFFE000  }
0x6d: {  	[tilespmem:s29], [sflag:$0x1] =	stream.indirect.gather [hbm4b:s14+s10], $0x80, s9, s10, $0xb8;
	[tilespmem:$0x1D000] =	vst v63  }
0x6e: {  	s8 =	simm.s32 $0x2840  }
0x6f: {  	[spmem:s11] =	stream.indirect.scatter.add.f32 [tilespmem:s2], [sflag:$0x4], $0x80, s8, s10, $0xb8;
	[tilespmem:$0x1D000] =	vst v63  }
0x70: {  	_ =	swait.ge [sflag:s0], $0x2000  }
0x71: {  	[sflag:s0] =	ssyncset.done $0x0  }
0x72: {  	[sflag:s0] =	ssyncadd.s32 $0xFFFFE000  }
0x73: {  	_ =	swait.ge [sflag:s5], $0x2000  }
0x74: {  	s7 =	simm.s32 $0xFFFF6400;
	[sflag:s5] =	ssyncset.done $0x0  }
0x75: {  	s9 =	simm.s32 $0xC0;
	s8 =	simm.s32 $0x2880;
	[sflag:s5] =	ssyncadd.s32 $0xFFFFE000  }
0x76: {  	[tilespmem:s2], [sflag:$0x2] =	stream.indirect.gather [hbm4b:s14+s10], $0x80, s9, s10, $0xb8;
	[tilespmem:$0x1D000] =	vst v63  }
.LBB2_4:
0x77: {  	[spmem:s11] =	stream.indirect.scatter.add.f32 [tilespmem:s29], [sflag:$0x3], $0x80, s8, s10, $0xb8;
	[tilespmem:$0x1D000] =	vst v63  }
0x78: {  	s8 =	smov.u32 s7  }
0x79: {  	p0 =	sne.s32 s7, $0xFFFFFE00;
	s7 =	sadd.s32 $0x200, s7;
	_ =	swait.ge [sflag:s3], $0x2000  }
0x7a: {  	[sflag:s3] =	ssyncset.done $0x0  }
0x7b: {  	[sflag:s3] =	ssyncadd.s32 $0xFFFFE000  }
0x7c: {  	_ =	swait.ge [sflag:s4], $0x2000  }
0x7d: {  	s8 =	sshra.s32 s8, $0x2;
	[sflag:s4] =	ssyncset.done $0x0  }
0x7e: {  	s9 =	sadd.s32 $0x2800, s8;
	[sflag:s4] =	ssyncadd.s32 $0xFFFFE000  }
0x7f: {  	[tilespmem:s29], [sflag:$0x1] =	stream.indirect.gather [hbm4b:s14+s10], $0x80, s9, s10, $0xb8;
	[tilespmem:$0x1D000] =	vst v63  }
0x80: {  	s9 =	sadd.s32 $0x4FC0, s8  }
0x81: {  	[spmem:s11] =	stream.indirect.scatter.add.f32 [tilespmem:s2], [sflag:$0x4], $0x80, s9, s10, $0xb8;
	[tilespmem:$0x1D000] =	vst v63  }
0x82: {  	_ =	swait.ge [sflag:s0], $0x2000  }
0x83: {  	[sflag:s0] =	ssyncset.done $0x0  }
0x84: {  	[sflag:s0] =	ssyncadd.s32 $0xFFFFE000  }
.Ltmp1:
0x85: {  	_ =	swait.ge [sflag:s5], $0x2000;
	(pc) =	sbr.rel @p0 .LBB2_4-.Ltmp1, $4  }
0x86: {  	[sflag:s5] =	ssyncset.done $0x0  }
0x87: {  	s9 =	sadd.s32 $0x2840, s8;
	[sflag:s5] =	ssyncadd.s32 $0xFFFFE000  }
0x88: {  	[tilespmem:s2], [sflag:$0x2] =	stream.indirect.gather [hbm4b:s14+s10], $0x80, s9, s10, $0xb8;
	[tilespmem:$0x1D000] =	vst v63  }
0x89: {  	s8 =	sadd.s32 $0x5000, s8  }
0x8a: {  	[spmem:s11] =	stream.indirect.scatter.add.f32 [tilespmem:s29], [sflag:$0x3], $0x80, s8, s10, $0xb8;
	[tilespmem:$0x1D000] =	vst v63  }
0x8b: {  	_ =	swait.ge [sflag:s3], $0x2000  }
0x8c: {  	[sflag:s3] =	ssyncset.done $0x0  }
0x8d: {  	s7 =	simm.s32 $0x4FC0;
	[sflag:s3] =	ssyncadd.s32 $0xFFFFE000  }
0x8e: {  	[spmem:s11] =	stream.indirect.scatter.add.f32 [tilespmem:s2], [sflag:$0x4], $0x80, s7, s10, $0xb8;
	[tilespmem:$0x1D000] =	vst v63  }
0x8f: {  	_ =	swait.ge [sflag:s4], $0x2000  }
0x90: {  	[sflag:s4] =	ssyncset.done $0x0  }
0x91: {  	[sflag:s4] =	ssyncadd.s32 $0xFFFFE000  }
0x92: {  	_ =	swait.ge [sflag:s5], $0x2000  }
0x93: {  	[sflag:s5] =	ssyncset.done $0x0  }
0x94: {  	s8 =	stileid.u32;
	[sflag:s5] =	ssyncadd.s32 $0xFFFFE000  }
0x95: {  	s7 =	sshll.u32 s8, $0x6;
	[bflag:$0x0] =	sbarrier.arrive $0xFFFF  }
0x96: {  	s8 =	sshrl.u32 s15, $0x3;
	s7 =	sor.u32 $0x1C05, s7;
	s9 =	rddreg [dreg:$0x3]  }
0x97: {  	[hbm:s9], [sflag:s7] =	dma.local [spmem:s8], $0x400  }
0x98: {  	_ =	swait.ge [sflag:s30], $0x400  }
0x99: {  	[sflag:s30] =	ssyncset.done $0x0  }
0x9a: {  	s8 =	sshrl.u32 s16, $0x3;
	s9 =	rddreg [dreg:$0x4];
	[sflag:s30] =	ssyncadd.s32 $0xFFFFFC00  }
0x9b: {  	[hbm:s9], [sflag:s7] =	dma.local [spmem:s8], $0x400  }
0x9c: {  	_ =	swait.ge [sflag:s30], $0x400  }
0x9d: {  	[sflag:s30] =	ssyncset.done $0x0  }
0x9e: {  	s8 =	sshrl.u32 s17, $0x3;
	s9 =	rddreg [dreg:$0x5];
	[sflag:s30] =	ssyncadd.s32 $0xFFFFFC00  }
0x9f: {  	[hbm:s9], [sflag:s7] =	dma.local [spmem:s8], $0x400  }
0xa0: {  	_ =	swait.ge [sflag:s30], $0x400  }
0xa1: {  	[sflag:s30] =	ssyncset.done $0x0  }
0xa2: {  	s8 =	sshrl.u32 s18, $0x3;
	s9 =	rddreg [dreg:$0x6];
	[sflag:s30] =	ssyncadd.s32 $0xFFFFFC00  }
0xa3: {  	[hbm:s9], [sflag:s7] =	dma.local [spmem:s8], $0x400  }
0xa4: {  	_ =	swait.ge [sflag:s30], $0x400  }
0xa5: {  	[sflag:s30] =	ssyncset.done $0x0  }
0xa6: {  	s8 =	sshrl.u32 s19, $0x3;
	s9 =	rddreg [dreg:$0x7];
	[sflag:s30] =	ssyncadd.s32 $0xFFFFFC00  }
0xa7: {  	[hbm:s9], [sflag:s7] =	dma.local [spmem:s8], $0x400  }
0xa8: {  	_ =	swait.ge [sflag:s30], $0x400  }
0xa9: {  	[sflag:s30] =	ssyncset.done $0x0  }
0xaa: {  	s8 =	sshrl.u32 s20, $0x3;
	s9 =	rddreg [dreg:$0x8];
	[sflag:s30] =	ssyncadd.s32 $0xFFFFFC00  }
0xab: {  	[hbm:s9], [sflag:s7] =	dma.local [spmem:s8], $0x400  }
0xac: {  	_ =	swait.ge [sflag:s30], $0x400  }
0xad: {  	[sflag:s30] =	ssyncset.done $0x0  }
0xae: {  	s8 =	sshrl.u32 s21, $0x3;
	s9 =	rddreg [dreg:$0x9];
	[sflag:s30] =	ssyncadd.s32 $0xFFFFFC00  }
0xaf: {  	[hbm:s9], [sflag:s7] =	dma.local [spmem:s8], $0x400  }
0xb0: {  	_ =	swait.ge [sflag:s30], $0x400  }
0xb1: {  	[sflag:s30] =	ssyncset.done $0x0  }
0xb2: {  	s8 =	sshrl.u32 s22, $0x3;
	s9 =	rddreg [dreg:$0xa];
	[sflag:s30] =	ssyncadd.s32 $0xFFFFFC00  }
0xb3: {  	[hbm:s9], [sflag:s7] =	dma.local [spmem:s8], $0x400  }
0xb4: {  	_ =	swait.ge [sflag:s30], $0x400  }
0xb5: {  	[sflag:s30] =	ssyncset.done $0x0  }
0xb6: {  	s9 =	sshrl.u32 s23, $0x3;
	[sflag:s30] =	ssyncadd.s32 $0xFFFFFC00  }
0xb7: {  	[hbm:s12], [sflag:s7] =	dma.local [spmem:s9], $0x400  }
0xb8: {  	s6 =	sadd.s32 $0x1, s6;
	_ =	swait.ge [sflag:s30], $0x400  }
0xb9: {  	p0 =	sne.s32 s6, s28;
	[sflag:s30] =	ssyncset.done $0x0  }
.Ltmp2:
0xba: {  	s9 =	sshrl.u32 s24, $0x3;
	[sflag:s30] =	ssyncadd.s32 $0xFFFFFC00;
	(pc) =	sbr.rel @p0 .LBB2_1-.Ltmp2, $4  }
0xbb: {  	[hbm:s13], [sflag:s7] =	dma.local [spmem:s9], $0x400  }
0xbc: {  	_ =	swait.ge [sflag:s30], $0x400  }
0xbd: {  	[sflag:s30] =	ssyncset.done $0x0  }
0xbe: {  	[sflag:s30] =	ssyncadd.s32 $0xFFFFFC00  }
0xbf: {  	_ =	sfence.sel $0x180000  }
0xc0: {  	[bflag:$0x0] =	sbarrier.arrive $0xFFFF  }
0xc1: {  	_ =	strace $0x9000004A  }
0xc2: {  	s0 =	stileid.u32;
	[bflag:$0x2] =	sbarrier.arrive $0xFFFF  }
0xc3: {  	p0 =	sne.s32 s0, $0x0;
	s0 =	rddreg [dreg:$0x2]  }
0xc4: {  	s0 =	sadd.s32 @!p0 $0x100000, s0  }
0xc5: {  	[sflag:s0] =	ssyncadd.tile.s32 @!p0 $0x1;
	_ =	shalt  }
.Lfunc_end2:
_tile_overlayer_lowered:
.L_overlay_start_2:
0xc6: {  	(tag) =	ssettag $0x2  }
0xc7: {  	s0 =	rddreg [dreg:$0x0];
	s2 =	stileid.u32  }
0xc8: {  	s1 =	rddreg [dreg:$0x1];
	p0 =	sne.s32 s2, $0x0  }
0xc9: {  	s3 =	rddreg [dreg:$0x2];
	[bflag:$0x3] =	sbarrier.arrive $0xFFFF;
	s2 =	simm.s32 @!p0 $0x1C05  }
0xca: {  	[timem:s3], [sflag:s2] =	dma.local @!p0 [hbm:s0], s1  }
0xcb: {  	s0 =	simm.s32 @!p0 $0x5  }
0xcc: {  	_ =	swait.ge @!p0 [sflag:s0], s1  }
0xcd: {  	s1 =	ssub.s32 @!p0 $0x0, s1;
	[sflag:s0] =	ssyncset.done @!p0 $0x0  }
0xce: {  	[sflag:s0] =	ssyncadd.s32 @!p0 s1  }
0xcf: {  	[bflag:$0x3] =	sbarrier.arrive $0xFFFF  }
0xd0: {  	_ =	shalt  }

// kernel: kernel.14.cloned.1.call-start
scs
__scs_entry_jumppad:
0x0: {  	(pc) =	sbr.rel $0x88, $3  }
0x1: {  	(tag) =	ssettag $0x0;
	lr =	simm.s32 $0x1  }
0x2: {  	[smem:$0x3F9A] =	sst lr;
	_ =	strace $0xD0000000  }
0x3: {  	_ = 	snop  }
0x4: {  	_ = 	snop  }
0x5: {  	_ = 	snop  }
0x6: {  	_ = 	snop  }
0x7: {  	_ = 	snop  }
__scs_overlays_trampoline_lowered:
0x8: {  	[smem:$0x3FA9] =	sst s0  }
0x9: {  	[smem:$0x3FAA] =	sst s1  }
0xa: {  	[smem:$0x3FAB] =	sst s2  }
0xb: {  	[smem:$0x3FAC] =	sst s3  }
0xc: {  	[smem:$0x3FAD] =	sst s4  }
0xd: {  	[smem:$0x3FAE] =	sst s5  }
0xe: {  	[smem:$0x3FAF] =	sst s6  }
0xf: {  	[smem:$0x3FB0] =	sst s7  }
0x10: {  	[smem:$0x3FB1] =	sst s8  }
0x11: {  	[smem:$0x3FB2] =	sst s9;
	s0 =	simm.s32 @!p0 $0x0  }
0x12: {  	s1 =	sld [smem:$0x3F98];
	s0 =	simm.s32 @p0 $0x1  }
0x13: {  	[smem:$0x3FB3] =	sst s0;
	s0 =	simm.s32 @!p1 $0x0  }
0x14: {  	s2 =	sld [smem:$0x3F97];
	s0 =	simm.s32 @p1 $0x1  }
0x15: {  	[smem:$0x3FB4] =	sst s0;
	s0 =	simm.s32 @!p2 $0x0  }
0x16: {  	s3 =	sld [smem:$0x3FDB];
	s0 =	simm.s32 @p2 $0x1  }
0x17: {  	s4 =	simm.s32 $0x1BF5;
	[smem:$0x3FB6] =	sst s0  }
0x18: {  	s0 =	sld [smem:$0x3F99];
	_ =	swait.ge [sflag:s4], $0x0  }
0x19: {  	s7 =	sld [smem:$0x3F9A]  }
0x1a: {  	s8 =	sadd.s32 $0xFFFFE003, lr  }
0x1b: {  	s9 =	sadd.s32 $0xFFFFFEF7, lr;
	s5 =	simm.s32 $0xFFFFFFFF;
	p2 =	slt.u32 s8, $0xFFFFF086  }
0x1c: {  	p1 =	slt.u32 s9, $0xF7A;
	s5 =	simm.s32 @!p2 $0x0  }
0x1d: {  	s5 =	simm.s32 @p1 $0x1;
	p0 =	seq.s32 s7, s2  }
0x1e: {  	s7 =	smul.u32 @!p0 $0xF7A, s2;
	p2 =	seq.s32 @!p0 s5, $0x0  }
0x1f: {  	s9 =	smul.u32 $0xF7A, s1;
	s8 =	simm.s32 @!p0 $0x1BF5;
	p2 =	por !p2, p0  }
0x20: {  	[sflag:s8] =	ssyncset.s32 @!p0 $0xFFFFF086;
	s6 =	sadd.s32 @!p0 s3, s7;
	s7 =	simm.s32 @!p0 $0x108  }
0x21: {  	s3 =	sadd.s32 s3, s9;
	s6 =	sadd.s32 @!p0 $0x88, s6;
	s7 =	simm.s32 @p2 $0x1082  }
0x22: {  	[simem:s7], [sflag:s8] =	dma.local @!p0 [hbm:s6], $0xF7A  }
0x23: {  	s9 =	sor.u32 $0xD0000000, s2;
	s6 =	simm.s32 $0x108;
	_ =	swait.ge @!p0 [sflag:s8], $0x0  }
0x24: {  	s3 =	sadd.s32 $0x88, s3;
	s6 =	simm.s32 @!p1 $0x1082;
	[sflag:s4] =	ssyncset.s32 $0xFFFFF086  }
0x25: {  	[simem:s6], [sflag:s4] =	dma.local [hbm:s3], $0xF7A  }
0x26: {  	[smem:$0x3F9A] =	sst s1;
	(tag) =	ssettag s2;
	_ =	strace s9  }
0x27: {  	s1 =	sld [smem:$0x3FAA]  }
0x28: {  	s2 =	sld [smem:$0x3FAB]  }
0x29: {  	s4 =	sld [smem:$0x3FAD]  }
0x2a: {  	p0 =	seq.s32 s5, $0x0;
	s5 =	sld [smem:$0x3FAE]  }
0x2b: {  	s6 =	sld [smem:$0x3FAF]  }
0x2c: {  	s7 =	sld [smem:$0x3FB0]  }
0x2d: {  	s3 =	simm.s32 $0x108;
	s8 =	sld [smem:$0x3FB1]  }
0x2e: {  	s3 =	simm.s32 @!p0 $0x1082;
	s9 =	sld [smem:$0x3FB2]  }
0x2f: {  	lr =	sadd.s32 s0, s3;
	s0 =	sld [smem:$0x3FA9]  }
0x30: {  	s3 =	sld [smem:$0x3FAC]  }
0x31: {  	[smem:$0x3FB5] =	sst s10  }
0x32: {  	s10 =	sld [smem:$0x3FB3];
	_ =	sdelay $0x3  }
0x33: {  	p0 =	seq.s32 s10, $0x1;
	s10 =	sld [smem:$0x3FB5];
	_ =	sdelay $0x3  }
0x34: {  	[smem:$0x3FB5] =	sst s10  }
0x35: {  	s10 =	sld [smem:$0x3FB4];
	_ =	sdelay $0x3  }
0x36: {  	p1 =	seq.s32 s10, $0x1;
	s10 =	sld [smem:$0x3FB5];
	_ =	sdelay $0x3  }
0x37: {  	[smem:$0x3FB5] =	sst s10  }
0x38: {  	s10 =	sld [smem:$0x3FB6]  }
0x39: {  	_ = 	snop;
	(pc) =	sbr.ind lr, $3  }
0x3a: {  	_ = 	snop  }
0x3b: {  	_ = 	snop  }
0x3c: {  	p2 =	seq.s32 s10, $0x1;
	s10 =	sld [smem:$0x3FB5]  }
0x3d: {  	_ =	shalt  }
0x3e: {  	_ =	shalt  }
0x3f: {  	_ =	shalt  }
0x40: {  	_ =	shalt  }
0x41: {  	_ =	shalt  }
0x42: {  	_ =	shalt  }
0x43: {  	_ =	shalt  }
0x44: {  	_ =	shalt  }
0x45: {  	_ =	shalt  }
0x46: {  	_ =	shalt  }
0x47: {  	_ =	shalt  }
0x48: {  	_ =	shalt  }
0x49: {  	_ =	shalt  }
0x4a: {  	_ =	shalt  }
0x4b: {  	_ =	shalt  }
0x4c: {  	_ =	shalt  }
0x4d: {  	_ =	shalt  }
0x4e: {  	_ =	shalt  }
0x4f: {  	_ =	shalt  }
0x50: {  	_ =	shalt  }
0x51: {  	_ =	shalt  }
0x52: {  	_ =	shalt  }
0x53: {  	_ =	shalt  }
0x54: {  	_ =	shalt  }
0x55: {  	_ =	shalt  }
0x56: {  	_ =	shalt  }
0x57: {  	_ =	shalt  }
0x58: {  	_ =	shalt  }
0x59: {  	_ =	shalt  }
0x5a: {  	_ =	shalt  }
0x5b: {  	_ =	shalt  }
0x5c: {  	_ =	shalt  }
0x5d: {  	_ =	shalt  }
0x5e: {  	_ =	shalt  }
0x5f: {  	_ =	shalt  }
0x60: {  	_ =	shalt  }
0x61: {  	_ =	shalt  }
0x62: {  	_ =	shalt  }
0x63: {  	_ =	shalt  }
0x64: {  	_ =	shalt  }
0x65: {  	_ =	shalt  }
0x66: {  	_ =	shalt  }
0x67: {  	_ =	shalt  }
0x68: {  	_ =	shalt  }
0x69: {  	_ =	shalt  }
0x6a: {  	_ =	shalt  }
0x6b: {  	_ =	shalt  }
0x6c: {  	_ =	shalt  }
0x6d: {  	_ =	shalt  }
0x6e: {  	_ =	shalt  }
0x6f: {  	_ =	shalt  }
0x70: {  	_ =	shalt  }
0x71: {  	_ =	shalt  }
0x72: {  	_ =	shalt  }
0x73: {  	_ =	shalt  }
0x74: {  	_ =	shalt  }
0x75: {  	_ =	shalt  }
0x76: {  	_ =	shalt  }
0x77: {  	_ =	shalt  }
0x78: {  	_ =	shalt  }
0x79: {  	_ =	shalt  }
0x7a: {  	_ =	shalt  }
0x7b: {  	_ =	shalt  }
0x7c: {  	_ =	shalt  }
0x7d: {  	_ =	shalt  }
0x7e: {  	_ =	shalt  }
0x7f: {  	_ =	shalt  }
0x80: {  	_ =	shalt  }
0x81: {  	_ =	shalt  }
0x82: {  	_ =	shalt  }
0x83: {  	_ =	shalt  }
0x84: {  	_ =	shalt  }
0x85: {  	_ =	shalt  }
0x86: {  	_ =	shalt  }
0x87: {  	_ =	shalt  }
.Lfunc_end0:
.L_simem_size_0:
called_computation.2_lowered:
.L_overlay_start_0:
0x88: {  	s2 =	sld [smem:$0x3FD9]  }
0x89: {  	s3 =	sld [smem:$0x3FFE];
	_ =	sdelay $0x1  }
0x8a: {  	s1 =	srdreg.scid  }
0x8b: {  	s0 =	sand.u32 $0x1, s1  }
0x8c: {  	s16 =	sshll.u32 s0, $0xA;
	s2 =	sadd.s32 s3, s2  }
0x8d: {  	s2 =	sadd.s32 s2, s16  }
0x8e: {  	[smem:$0x3FC1] =	sst s2  }
0x8f: {  	_ = 	snop  }
0x90: {  	(tm) =	ssettm $0x1  }
0x91: {  	s17 =	sld [smem:$0x3FFB];
	_ =	sdelay $0x3  }
0x92: {  	_ =	strace s17  }
0x93: {  	s2 =	sld [smem:$0x3FFC];
	_ =	sdelay $0x3  }
0x94: {  	_ =	strace s2  }
0x95: {  	s2 =	sld [smem:$0x3FFD];
	_ =	sdelay $0x3  }
0x96: {  	_ =	strace s2  }
0x97: {  	_ =	strace $0x8FFFFFFF  }
0x98: {  	s18 =	sld [smem:$0x3FDB];
	_ =	sdelay $0x1  }
0x99: {  	s19 =	simm.s32 $_scs_section_size  }
0x9a: {  	s4 =	simm.s32 $_size__tile_overlayer_lowered;
	s5 =	simm.s32 $_tile_overlayer_lowered  }
0x9b: {  	s22 =	simm.s32 $0x1BFF;
	s21 =	sshll.u32 s5, $0x1;
	s2 =	sadd.s32 s19, s18  }
0x9c: {  	s6 =	simm.s32 $0x0;
	s20 =	sshll.u32 s4, $0x1;
	s4 =	sadd.s32 s21, s2  }
0x9d: {  	[timem:s6], [sflag:s22] =	dma.local [hbm:s4], s20  }
0x9e: {  	_ =	swait.ge [sflag:s22], s20  }
0x9f: {  	s3 =	ssub.s32 $0x0, s20;
	[sflag:s22] =	ssyncset.done $0x0  }
0xa0: {  	[sflag:s22] =	ssyncadd.s32 s3;
	_ =	sdelay $0x1  }
0xa1: {  	s23 =	simm.s32 $0x1B8B  }
0xa2: {  	_ =	swait.ge [sflag:s23], $0x1  }
0xa3: {  	[sflag:s23] =	ssyncset.done $0x0  }
0xa4: {  	s25 =	simm.s32 $0x1B8E;
	s24 =	sld [smem:$0x3FFE];
	[sflag:s23] =	ssyncadd.s32 $0xFFFFFFFF  }
0xa5: {  	s26 =	simm.s32 $execute0_lowered;
	[smem:$0x3FD2] =	sst s25  }
0xa6: {  	s4 =	sshll.u32 s26, $0x1;
	_ =	strace $0x8000004C;
	[dreg:$0x1] =	wrdreg $0xFFFFFFFF  }
0xa7: {  	s28 =	simm.s32 $_size_execute0_lowered;
	s2 =	sadd.s32 s2, s4;
	[dreg:$0x0] =	wrdreg $0x0  }
0xa8: {  	s4 =	sshll.u32 s28, $0x1;
	[dreg:$0x2] =	wrdreg s2  }
0xa9: {  	[dreg:$0x3] =	wrdreg s4  }
0xaa: {  	[dreg:$0x4] =	wrdreg $0xC0  }
0xab: {  	_ =	task [dreg:s6], $0x5FFFF  }
0xac: {  	[dreg:$0x1] =	wrdreg $0xFFFFFFFF  }
0xad: {  	[dreg:$0x0] =	wrdreg $0x60  }
0xae: {  	[dreg:$0x2] =	wrdreg s24  }
0xaf: {  	[dreg:$0x3] =	wrdreg $0x64000  }
0xb0: {  	[dreg:$0x4] =	wrdreg $0x9  }
0xb1: {  	_ =	task.clear_ibuf [dreg:s6], $0x5FFFF;
	_ =	strace $0x9000004C  }
0xb2: {  	s29 =	simm.s32 $0x9;
	_ =	strace $0x8000004E  }
0xb3: {  	_ =	swait.ge [sflag:s29], $0x1  }
0xb4: {  	[sflag:s29] =	ssyncadd.s32 $0xFFFFFFFF  }
0xb5: {  	_ =	strace $0x9000004E  }
0xb6: {  	_ =	sfence  }
0xb7: {  	s30 =	sld [smem:$0x0];
	_ =	sdelay $0x2  }
0xb8: {  	s31 =	sshll.u32 s1, $0xD;
	s1 =	sshrl.u32 s1, $0x2  }
0xb9: {  	s3 =	sand.u32 $0x4000, s31;
	s1 =	sadd.s32 s1, s30  }
0xba: {  	s0 =	sor.u32 s3, s0;
	s1 =	sshll.u32 s1, $0x11  }
0xbb: {  	s0 =	sor.u32 s1, s0  }
0xbc: {  	s0 =	sadd.s32 $0x8F2B, s0  }
0xbd: {  	[sflag:s0] =	ssyncadd.remote.s32 $0x1  }
0xbe: {  	_ =	sfence.sel $0xFFFF  }
0xbf: {  	[dreg:$0x0] =	wrdreg $0xFFFFFFFF;
	(pc) =	sbr.abs _section_cstart, $3  }
0xc0: {  	[dreg:$0x1] =	wrdreg $0xFFFFFFFF  }
0xc1: {  	_ =	task.clear_ibuf [dreg:s6], $0x2FFFF;
	_ =	strace $0x9FFFFFFF  }
0xc2: {  	(tm) =	ssettm $0x7FFFFFFF  }
0xc3: {  	_ =	shalt  }
tec
execute0_lowered:
.L_overlay_start_1:
0x0: {  	(tag) =	ssettag $0x1  }
0x1: {  	s0 =	srdreg.scid;
	s1 =	rddreg [dreg:$0x0]  }
0x2: {  	s6 =	stileid.u32;
	s2 =	rddreg [dreg:$0x1];
	s3 =	simm.s32 $0x0  }
0x3: {  	s28 =	simm.s32 $0x50;
	s29 =	simm.s32 $0x5500;
	s30 =	simm.s32 $0x1  }
0x4: {  	s31 =	simm.s32 $0x5;
	s0 =	sand.u32 $0x1, s0;
	s5 =	sshll.u32 s6, $0x7  }
0x5: {  	[smem:$0x7FF] =	sst s3;
	s13 =	smul.u32 $0x2800, s6;
	s4 =	sshll.u32 s0, $0xB  }
0x6: {  	_ =	strace $0x8000004D;
	s11 =	ssub.s32 $0x2, s0;
	s0 =	smul.u32 $0x28000, s0  }
0x7: {  	s4 =	sor.u32 s5, s4;
	s12 =	sshrl.u32 s11, $0x1;
	s15 =	sor.u32 $0x500, s13  }
0x8: {  	s5 =	sadd.s32 s13, s2;
	s17 =	sadd.s32 $0xA00, s13;
	s18 =	sadd.s32 $0xF00, s13  }
0x9: {  	s19 =	sadd.s32 $0x1400, s13;
	s20 =	sadd.s32 $0x1900, s13;
	s21 =	sadd.s32 $0x1E00, s13  }
0xa: {  	s22 =	sadd.s32 $0x2300, s13;
	s4 =	smul.u32 $0xA, s4;
	s16 =	ssub.s32 s11, s12  }
0xb: {  	s6 =	sadd.s32 s15, s2;
	s7 =	sadd.s32 s17, s2;
	s8 =	sadd.s32 s18, s2  }
0xc: {  	s9 =	sadd.s32 s19, s2;
	s10 =	sadd.s32 s20, s2;
	s11 =	sadd.s32 s21, s2  }
0xd: {  	s12 =	sadd.s32 s22, s2;
	s13 =	sadd.s32 s13, s0;
	s15 =	sadd.s32 s0, s15  }
0xe: {  	s24 =	sadd.s32 s0, s20;
	s25 =	sadd.s32 s0, s21;
	s14 =	sadd.s32 s4, s1  }
0xf: {  	s13 =	sshrl.u32 s13, $0x3;
	s4 =	sadd.s32 $0x65A00, s1;
	s23 =	sadd.s32 $0xBA00, s14  }
0x10: {  	s1 =	sadd.s32 $0x6AA00, s1;
	s14 =	sadd.s32 $0x1A00, s14;
	[dreg:$0x3] =	wrdreg s23  }
0x11: {  	s15 =	sshrl.u32 s15, $0x3;
	s13 =	sadd.s32 s1, s13;
	[dreg:$0x4] =	wrdreg s14  }
0x12: {  	[dreg:$0x5] =	wrdreg s13;
	s14 =	sadd.s32 s1, s15;
	s15 =	sadd.s32 s0, s17  }
0x13: {  	s17 =	sadd.s32 s0, s18;
	s18 =	sadd.s32 s0, s19;
	s0 =	sadd.s32 s0, s22  }
0x14: {  	[dreg:$0x6] =	wrdreg s14;
	s13 =	sshrl.u32 s15, $0x3;
	s14 =	sshrl.u32 s17, $0x3  }
0x15: {  	s15 =	sshrl.u32 s18, $0x3;
	s0 =	sshrl.u32 s0, $0x3;
	s17 =	simm.s32 $0x7  }
0x16: {  	s18 =	simm.s32 $0x8;
	s13 =	sadd.s32 s1, s13;
	s19 =	sadd.s32 s1, s14  }
0x17: {  	s23 =	sadd.s32 s1, s15;
	s14 =	sshrl.u32 s25, $0x3;
	[dreg:$0x7] =	wrdreg s13  }
0x18: {  	s22 =	sadd.s32 s1, s0;
	s25 =	simm.s32 $0x9;
	[dreg:$0x8] =	wrdreg s19  }
0x19: {  	s0 =	simm.s32 $0x2;
	s15 =	simm.s32 $0x6;
	[dreg:$0x9] =	wrdreg s23  }
0x1a: {  	s13 =	sshrl.u32 s24, $0x3;
	s26 =	sadd.s32 s1, s14;
	s23 =	smax.u32 s16, $0x1  }
0x1b: {  	s24 =	simm.s32 $0x5000;
	s14 =	simm.s32 $0x3;
	s16 =	simm.s32 $0x4  }
0x1c: {  	s13 =	sadd.s32 s1, s13;
	[dreg:$0xb] =	wrdreg s26;
	s26 =	simm.s32 $0x2800  }
0x1d: {  	v0 =	vimm.f32 $0.0e+00;
	s1 =	simm.s32 $0x5A00;
	[dreg:$0xa] =	wrdreg s13;
	s13 =	simm.s32 $0x5F00  }
.LBB2_1:
0x1e: {  	s19 =	simm.s32 $0x40;
	s20 =	simm.s32 $0x0  }
.LBB2_2:
0x1f: {  	p0 =	sne.s32 s19, $0xFC0;
	[tilespmem:s20+$0x5000] =	vst v0;
	s20 =	smov.u32 s19;
	s19 =	sadd.s32 $0x40, s19  }
.Ltmp0:
0x20: {  	(pc) =	sbr.rel @p0 .LBB2_2-.Ltmp0, $2  }
0x21: {  	_ =	sdelay $0x2  }
0x22: {  	s20 =	sshra.s32 s20, $0x2  }
0x23: {  	[tilespmem:s20+$0x5000] =	vst v0  }
0x24: {  	[spmem:s5] =	stream.linear.scatter [tilespmem:s24], [sflag:$0x9], $0x500, $0x38;
	[tilespmem:$0x8C00] =	vst v63  }
0x25: {  	_ =	swait.ge [sflag:s25], $0x500  }
0x26: {  	[sflag:s25] =	ssyncset.done $0x0  }
0x27: {  	[sflag:s25] =	ssyncadd.s32 $0xFFFFFB00  }
0x28: {  	[spmem:s6] =	stream.linear.scatter [tilespmem:s24], [sflag:$0x9], $0x500, $0x38;
	[tilespmem:$0x8C00] =	vst v63  }
0x29: {  	_ =	swait.ge [sflag:s25], $0x500  }
0x2a: {  	[sflag:s25] =	ssyncset.done $0x0  }
0x2b: {  	[sflag:s25] =	ssyncadd.s32 $0xFFFFFB00  }
0x2c: {  	[spmem:s7] =	stream.linear.scatter [tilespmem:s24], [sflag:$0x9], $0x500, $0x38;
	[tilespmem:$0x8C00] =	vst v63  }
0x2d: {  	_ =	swait.ge [sflag:s25], $0x500  }
0x2e: {  	[sflag:s25] =	ssyncset.done $0x0  }
0x2f: {  	[sflag:s25] =	ssyncadd.s32 $0xFFFFFB00  }
0x30: {  	[spmem:s8] =	stream.linear.scatter [tilespmem:s24], [sflag:$0x9], $0x500, $0x38;
	[tilespmem:$0x8C00] =	vst v63  }
0x31: {  	_ =	swait.ge [sflag:s25], $0x500  }
0x32: {  	[sflag:s25] =	ssyncset.done $0x0  }
0x33: {  	[sflag:s25] =	ssyncadd.s32 $0xFFFFFB00  }
0x34: {  	[spmem:s9] =	stream.linear.scatter [tilespmem:s24], [sflag:$0x9], $0x500, $0x38;
	[tilespmem:$0x8C00] =	vst v63  }
0x35: {  	_ =	swait.ge [sflag:s25], $0x500  }
0x36: {  	[sflag:s25] =	ssyncset.done $0x0  }
0x37: {  	[sflag:s25] =	ssyncadd.s32 $0xFFFFFB00  }
0x38: {  	[spmem:s10] =	stream.linear.scatter [tilespmem:s24], [sflag:$0x9], $0x500, $0x38;
	[tilespmem:$0x8C00] =	vst v63  }
0x39: {  	_ =	swait.ge [sflag:s25], $0x500  }
0x3a: {  	[sflag:s25] =	ssyncset.done $0x0  }
0x3b: {  	[sflag:s25] =	ssyncadd.s32 $0xFFFFFB00  }
0x3c: {  	[spmem:s11] =	stream.linear.scatter [tilespmem:s24], [sflag:$0x9], $0x500, $0x38;
	[tilespmem:$0x8C00] =	vst v63  }
0x3d: {  	_ =	swait.ge [sflag:s25], $0x500  }
0x3e: {  	[sflag:s25] =	ssyncset.done $0x0  }
0x3f: {  	[sflag:s25] =	ssyncadd.s32 $0xFFFFFB00  }
0x40: {  	[spmem:s12] =	stream.linear.scatter [tilespmem:s24], [sflag:$0x9], $0x500, $0x38;
	[tilespmem:$0x8C00] =	vst v63  }
0x41: {  	_ =	swait.ge [sflag:s25], $0x500  }
0x42: {  	[sflag:s25] =	ssyncset.done $0x0  }
0x43: {  	s19 =	simm.s32 $0x0;
	s21 =	rddreg [dreg:$0x3];
	[sflag:s25] =	ssyncadd.s32 $0xFFFFFB00  }
0x44: {  	[tilespmem:s19], [sflag:$0x9] =	stream.linear.gather [hbm4b:s21+s19], $0x2800, $0x38;
	[tilespmem:$0x8C00] =	vst v63  }
0x45: {  	_ =	swait.ge [sflag:s25], $0x2800  }
0x46: {  	[sflag:s25] =	ssyncset.done $0x0  }
0x47: {  	s21 =	rddreg [dreg:$0x4];
	[sflag:s25] =	ssyncadd.s32 $0xFFFFD800  }
0x48: {  	[tilespmem:s26], [sflag:$0x9] =	stream.linear.gather [hbm4b:s21+s19], $0x2800, $0x38;
	[tilespmem:$0x8C00] =	vst v63  }
0x49: {  	_ =	swait.ge [sflag:s25], $0x2800  }
0x4a: {  	[sflag:s25] =	ssyncset.done $0x0  }
0x4b: {  	[sflag:s25] =	ssyncadd.s32 $0xFFFFD800  }
0x4c: {  	[bflag:$0x0] =	sbarrier.arrive $0xFFFF  }
0x4d: {  	[tilespmem:s24], [sflag:$0x1] =	stream.indirect.gather [hbm4b:s4+s28], $0x10, s19, s28, $0xb8;
	[tilespmem:$0x8C00] =	vst v63  }
0x4e: {  	_ = 	snop  }
0x4f: {  	[tilespmem:s29], [sflag:$0x2] =	stream.indirect.gather [hbm4b:s4+s28], $0x10, s28, s28, $0xb8;
	[tilespmem:$0x8C00] =	vst v63  }
0x50: {  	_ =	swait.ge [sflag:s30], $0x500  }
0x51: {  	[sflag:s30] =	ssyncset.done $0x0  }
0x52: {  	s20 =	simm.s32 $0xA0;
	[sflag:s30] =	ssyncadd.s32 $0xFFFFFB00  }
0x53: {  	[tilespmem:s1], [sflag:$0x3] =	stream.indirect.gather [hbm4b:s4+s28], $0x10, s20, s28, $0xb8;
	[tilespmem:$0x8C00] =	vst v63  }
0x54: {  	_ = 	snop  }
0x55: {  	[spmem:s2] =	stream.indirect.scatter.add.f32 [tilespmem:s24], [sflag:$0x5], $0x10, s26, s28, $0xb8;
	[tilespmem:$0x8C00] =	vst v63  }
0x56: {  	_ =	swait.ge [sflag:s0], $0x500  }
0x57: {  	[sflag:s0] =	ssyncset.done $0x0  }
0x58: {  	[sflag:s0] =	ssyncadd.s32 $0xFFFFFB00  }
0x59: {  	_ =	swait.ge [sflag:s31], $0x500  }
0x5a: {  	[sflag:s31] =	ssyncset.done $0x0  }
0x5b: {  	s21 =	simm.s32 $0xF0;
	[sflag:s31] =	ssyncadd.s32 $0xFFFFFB00  }
0x5c: {  	[tilespmem:s13], [sflag:$0x4] =	stream.indirect.gather [hbm4b:s4+s28], $0x10, s21, s28, $0xb8;
	[tilespmem:$0x8C00] =	vst v63  }
0x5d: {  	s20 =	simm.s32 $0x2850  }
0x5e: {  	[spmem:s2] =	stream.indirect.scatter.add.f32 [tilespmem:s29], [sflag:$0x6], $0x10, s20, s28, $0xb8;
	[tilespmem:$0x8C00] =	vst v63  }
0x5f: {  	_ =	swait.ge [sflag:s14], $0x500  }
0x60: {  	[sflag:s14] =	ssyncset.done $0x0  }
0x61: {  	[sflag:s14] =	ssyncadd.s32 $0xFFFFFB00  }
0x62: {  	_ =	swait.ge [sflag:s15], $0x500  }
0x63: {  	[sflag:s15] =	ssyncset.done $0x0  }
0x64: {  	s21 =	simm.s32 $0x140;
	[sflag:s15] =	ssyncadd.s32 $0xFFFFFB00  }
0x65: {  	[tilespmem:s24], [sflag:$0x1] =	stream.indirect.gather [hbm4b:s4+s28], $0x10, s21, s28, $0xb8;
	[tilespmem:$0x8C00] =	vst v63  }
0x66: {  	s20 =	simm.s32 $0x28A0  }
0x67: {  	[spmem:s2] =	stream.indirect.scatter.add.f32 [tilespmem:s1], [sflag:$0x7], $0x10, s20, s28, $0xb8;
	[tilespmem:$0x8C00] =	vst v63  }
0x68: {  	_ =	swait.ge [sflag:s16], $0x500  }
0x69: {  	[sflag:s16] =	ssyncset.done $0x0  }
0x6a: {  	[sflag:s16] =	ssyncadd.s32 $0xFFFFFB00  }
0x6b: {  	_ =	swait.ge [sflag:s17], $0x500  }
0x6c: {  	[sflag:s17] =	ssyncset.done $0x0  }
0x6d: {  	s21 =	simm.s32 $0x190;
	[sflag:s17] =	ssyncadd.s32 $0xFFFFFB00  }
0x6e: {  	[tilespmem:s29], [sflag:$0x2] =	stream.indirect.gather [hbm4b:s4+s28], $0x10, s21, s28, $0xb8;
	[tilespmem:$0x8C00] =	vst v63  }
0x6f: {  	s20 =	simm.s32 $0x28F0  }
0x70: {  	[spmem:s2] =	stream.indirect.scatter.add.f32 [tilespmem:s13], [sflag:$0x8], $0x10, s20, s28, $0xb8;
	[tilespmem:$0x8C00] =	vst v63  }
0x71: {  	_ =	swait.ge [sflag:s30], $0x500  }
0x72: {  	[sflag:s30] =	ssyncset.done $0x0  }
0x73: {  	[sflag:s30] =	ssyncadd.s32 $0xFFFFFB00  }
0x74: {  	_ =	swait.ge [sflag:s18], $0x500  }
0x75: {  	[sflag:s18] =	ssyncset.done $0x0  }
0x76: {  	s21 =	simm.s32 $0x1E0;
	[sflag:s18] =	ssyncadd.s32 $0xFFFFFB00  }
0x77: {  	[tilespmem:s1], [sflag:$0x3] =	stream.indirect.gather [hbm4b:s4+s28], $0x10, s21, s28, $0xb8;
	[tilespmem:$0x8C00] =	vst v63  }
0x78: {  	s20 =	simm.s32 $0x2940  }
0x79: {  	[spmem:s2] =	stream.indirect.scatter.add.f32 [tilespmem:s24], [sflag:$0x5], $0x10, s20, s28, $0xb8;
	[tilespmem:$0x8C00] =	vst v63  }
0x7a: {  	_ =	swait.ge [sflag:s0], $0x500  }
0x7b: {  	[sflag:s0] =	ssyncset.done $0x0  }
0x7c: {  	[sflag:s0] =	ssyncadd.s32 $0xFFFFFB00  }
0x7d: {  	_ =	swait.ge [sflag:s31], $0x500  }
0x7e: {  	s19 =	simm.s32 $0x500;
	[sflag:s31] =	ssyncset.done $0x0  }
0x7f: {  	s21 =	simm.s32 $0x230;
	s20 =	simm.s32 $0x2990;
	[sflag:s31] =	ssyncadd.s32 $0xFFFFFB00  }
0x80: {  	[tilespmem:s13], [sflag:$0x4] =	stream.indirect.gather [hbm4b:s4+s28], $0x10, s21, s28, $0xb8;
	[tilespmem:$0x8C00] =	vst v63  }
.LBB2_4:
0x81: {  	[spmem:s2] =	stream.indirect.scatter.add.f32 [tilespmem:s29], [sflag:$0x6], $0x10, s20, s28, $0xb8;
	[tilespmem:$0x8C00] =	vst v63  }
0x82: {  	s20 =	smov.u32 s19  }
0x83: {  	p0 =	sne.s32 s19, $0x9600;
	s19 =	sadd.s32 $0x500, s19;
	_ =	swait.ge [sflag:s14], $0x500  }
0x84: {  	[sflag:s14] =	ssyncset.done $0x0  }
0x85: {  	[sflag:s14] =	ssyncadd.s32 $0xFFFFFB00  }
0x86: {  	_ =	swait.ge [sflag:s15], $0x500  }
0x87: {  	s20 =	sshra.s32 s20, $0x2;
	[sflag:s15] =	ssyncset.done $0x0  }
0x88: {  	s21 =	sadd.s32 $0x140, s20;
	[sflag:s15] =	ssyncadd.s32 $0xFFFFFB00  }
0x89: {  	[tilespmem:s24], [sflag:$0x1] =	stream.indirect.gather [hbm4b:s4+s28], $0x10, s21, s28, $0xb8;
	[tilespmem:$0x8C00] =	vst v63  }
0x8a: {  	s21 =	sadd.s32 $0x28A0, s20  }
0x8b: {  	[spmem:s2] =	stream.indirect.scatter.add.f32 [tilespmem:s1], [sflag:$0x7], $0x10, s21, s28, $0xb8;
	[tilespmem:$0x8C00] =	vst v63  }
0x8c: {  	_ =	swait.ge [sflag:s16], $0x500  }
0x8d: {  	[sflag:s16] =	ssyncset.done $0x0  }
0x8e: {  	[sflag:s16] =	ssyncadd.s32 $0xFFFFFB00  }
0x8f: {  	_ =	swait.ge [sflag:s17], $0x500  }
0x90: {  	[sflag:s17] =	ssyncset.done $0x0  }
0x91: {  	s21 =	sadd.s32 $0x190, s20;
	[sflag:s17] =	ssyncadd.s32 $0xFFFFFB00  }
0x92: {  	[tilespmem:s29], [sflag:$0x2] =	stream.indirect.gather [hbm4b:s4+s28], $0x10, s21, s28, $0xb8;
	[tilespmem:$0x8C00] =	vst v63  }
0x93: {  	s21 =	sadd.s32 $0x28F0, s20  }
0x94: {  	[spmem:s2] =	stream.indirect.scatter.add.f32 [tilespmem:s13], [sflag:$0x8], $0x10, s21, s28, $0xb8;
	[tilespmem:$0x8C00] =	vst v63  }
0x95: {  	_ =	swait.ge [sflag:s30], $0x500  }
0x96: {  	[sflag:s30] =	ssyncset.done $0x0  }
0x97: {  	[sflag:s30] =	ssyncadd.s32 $0xFFFFFB00  }
0x98: {  	_ =	swait.ge [sflag:s18], $0x500  }
0x99: {  	[sflag:s18] =	ssyncset.done $0x0  }
0x9a: {  	s21 =	sadd.s32 $0x1E0, s20;
	[sflag:s18] =	ssyncadd.s32 $0xFFFFFB00  }
0x9b: {  	[tilespmem:s1], [sflag:$0x3] =	stream.indirect.gather [hbm4b:s4+s28], $0x10, s21, s28, $0xb8;
	[tilespmem:$0x8C00] =	vst v63  }
0x9c: {  	s21 =	sadd.s32 $0x2940, s20  }
0x9d: {  	[spmem:s2] =	stream.indirect.scatter.add.f32 [tilespmem:s24], [sflag:$0x5], $0x10, s21, s28, $0xb8;
	[tilespmem:$0x8C00] =	vst v63  }
0x9e: {  	_ =	swait.ge [sflag:s0], $0x500  }
0x9f: {  	[sflag:s0] =	ssyncset.done $0x0  }
0xa0: {  	[sflag:s0] =	ssyncadd.s32 $0xFFFFFB00  }
.Ltmp1:
0xa1: {  	_ =	swait.ge [sflag:s31], $0x500;
	(pc) =	sbr.rel @p0 .LBB2_4-.Ltmp1, $4  }
0xa2: {  	[sflag:s31] =	ssyncset.done $0x0  }
0xa3: {  	s21 =	sadd.s32 $0x230, s20;
	[sflag:s31] =	ssyncadd.s32 $0xFFFFFB00  }
0xa4: {  	[tilespmem:s13], [sflag:$0x4] =	stream.indirect.gather [hbm4b:s4+s28], $0x10, s21, s28, $0xb8;
	[tilespmem:$0x8C00] =	vst v63  }
0xa5: {  	s20 =	sadd.s32 $0x2990, s20  }
0xa6: {  	[spmem:s2] =	stream.indirect.scatter.add.f32 [tilespmem:s29], [sflag:$0x6], $0x10, s20, s28, $0xb8;
	[tilespmem:$0x8C00] =	vst v63  }
0xa7: {  	_ =	swait.ge [sflag:s14], $0x500  }
0xa8: {  	[sflag:s14] =	ssyncset.done $0x0  }
0xa9: {  	[sflag:s14] =	ssyncadd.s32 $0xFFFFFB00  }
0xaa: {  	_ =	swait.ge [sflag:s15], $0x500  }
0xab: {  	[sflag:s15] =	ssyncset.done $0x0  }
0xac: {  	s19 =	simm.s32 $0x4F60;
	[sflag:s15] =	ssyncadd.s32 $0xFFFFFB00  }
0xad: {  	[spmem:s2] =	stream.indirect.scatter.add.f32 [tilespmem:s1], [sflag:$0x7], $0x10, s19, s28, $0xb8;
	[tilespmem:$0x8C00] =	vst v63  }
0xae: {  	_ =	swait.ge [sflag:s16], $0x500  }
0xaf: {  	[sflag:s16] =	ssyncset.done $0x0  }
0xb0: {  	[sflag:s16] =	ssyncadd.s32 $0xFFFFFB00  }
0xb1: {  	_ =	swait.ge [sflag:s17], $0x500  }
0xb2: {  	[sflag:s17] =	ssyncset.done $0x0  }
0xb3: {  	s21 =	simm.s32 $0x4FB0;
	[sflag:s17] =	ssyncadd.s32 $0xFFFFFB00  }
0xb4: {  	[spmem:s2] =	stream.indirect.scatter.add.f32 [tilespmem:s13], [sflag:$0x8], $0x10, s21, s28, $0xb8;
	[tilespmem:$0x8C00] =	vst v63  }
0xb5: {  	_ =	swait.ge [sflag:s18], $0x500  }
0xb6: {  	[sflag:s18] =	ssyncset.done $0x0  }
0xb7: {  	s20 =	stileid.u32;
	[sflag:s18] =	ssyncadd.s32 $0xFFFFFB00  }
0xb8: {  	s19 =	sshll.u32 s20, $0x6;
	[bflag:$0x0] =	sbarrier.arrive $0xFFFF  }
0xb9: {  	s20 =	sshrl.u32 s5, $0x3;
	s19 =	sor.u32 $0x1C09, s19;
	s21 =	rddreg [dreg:$0x5]  }
0xba: {  	[hbm:s21], [sflag:s19] =	dma.local [spmem:s20], $0xA0  }
0xbb: {  	_ =	swait.ge [sflag:s25], $0xA0  }
0xbc: {  	[sflag:s25] =	ssyncset.done $0x0  }
0xbd: {  	s20 =	sshrl.u32 s6, $0x3;
	s21 =	rddreg [dreg:$0x6];
	[sflag:s25] =	ssyncadd.s32 $0xFFFFFF60  }
0xbe: {  	[hbm:s21], [sflag:s19] =	dma.local [spmem:s20], $0xA0  }
0xbf: {  	_ =	swait.ge [sflag:s25], $0xA0  }
0xc0: {  	[sflag:s25] =	ssyncset.done $0x0  }
0xc1: {  	s20 =	sshrl.u32 s7, $0x3;
	s21 =	rddreg [dreg:$0x7];
	[sflag:s25] =	ssyncadd.s32 $0xFFFFFF60  }
0xc2: {  	[hbm:s21], [sflag:s19] =	dma.local [spmem:s20], $0xA0  }
0xc3: {  	_ =	swait.ge [sflag:s25], $0xA0  }
0xc4: {  	[sflag:s25] =	ssyncset.done $0x0  }
0xc5: {  	s20 =	sshrl.u32 s8, $0x3;
	s21 =	rddreg [dreg:$0x8];
	[sflag:s25] =	ssyncadd.s32 $0xFFFFFF60  }
0xc6: {  	[hbm:s21], [sflag:s19] =	dma.local [spmem:s20], $0xA0  }
0xc7: {  	_ =	swait.ge [sflag:s25], $0xA0  }
0xc8: {  	[sflag:s25] =	ssyncset.done $0x0  }
0xc9: {  	s20 =	sshrl.u32 s9, $0x3;
	s21 =	rddreg [dreg:$0x9];
	[sflag:s25] =	ssyncadd.s32 $0xFFFFFF60  }
0xca: {  	[hbm:s21], [sflag:s19] =	dma.local [spmem:s20], $0xA0  }
0xcb: {  	_ =	swait.ge [sflag:s25], $0xA0  }
0xcc: {  	[sflag:s25] =	ssyncset.done $0x0  }
0xcd: {  	s20 =	sshrl.u32 s10, $0x3;
	s21 =	rddreg [dreg:$0xa];
	[sflag:s25] =	ssyncadd.s32 $0xFFFFFF60  }
0xce: {  	[hbm:s21], [sflag:s19] =	dma.local [spmem:s20], $0xA0  }
0xcf: {  	_ =	swait.ge [sflag:s25], $0xA0  }
0xd0: {  	[sflag:s25] =	ssyncset.done $0x0  }
0xd1: {  	s20 =	sshrl.u32 s11, $0x3;
	s21 =	rddreg [dreg:$0xb];
	[sflag:s25] =	ssyncadd.s32 $0xFFFFFF60  }
0xd2: {  	[hbm:s21], [sflag:s19] =	dma.local [spmem:s20], $0xA0  }
0xd3: {  	s3 =	sadd.s32 $0x1, s3;
	_ =	swait.ge [sflag:s25], $0xA0  }
0xd4: {  	p0 =	sne.s32 s3, s23;
	[sflag:s25] =	ssyncset.done $0x0  }
.Ltmp2:
0xd5: {  	s21 =	sshrl.u32 s12, $0x3;
	[sflag:s25] =	ssyncadd.s32 $0xFFFFFF60;
	(pc) =	sbr.rel @p0 .LBB2_1-.Ltmp2, $4  }
0xd6: {  	[hbm:s22], [sflag:s19] =	dma.local [spmem:s21], $0xA0  }
0xd7: {  	_ =	swait.ge [sflag:s25], $0xA0  }
0xd8: {  	[sflag:s25] =	ssyncset.done $0x0  }
0xd9: {  	[sflag:s25] =	ssyncadd.s32 $0xFFFFFF60  }
0xda: {  	_ =	sfence.sel $0x180000  }
0xdb: {  	[bflag:$0x0] =	sbarrier.arrive $0xFFFF  }
0xdc: {  	_ =	strace $0x9000004D  }
0xdd: {  	s0 =	stileid.u32;
	[bflag:$0x2] =	sbarrier.arrive $0xFFFF  }
0xde: {  	p0 =	sne.s32 s0, $0x0;
	s0 =	rddreg [dreg:$0x2]  }
0xdf: {  	s0 =	sadd.s32 @!p0 $0x100000, s0  }
0xe0: {  	[sflag:s0] =	ssyncadd.tile.s32 @!p0 $0x1;
	_ =	shalt  }
.Lfunc_end2:
_tile_overlayer_lowered:
.L_overlay_start_2:
0xe1: {  	(tag) =	ssettag $0x2  }
0xe2: {  	s0 =	rddreg [dreg:$0x0];
	s2 =	stileid.u32  }
0xe3: {  	s1 =	rddreg [dreg:$0x1];
	p0 =	sne.s32 s2, $0x0  }
0xe4: {  	s3 =	rddreg [dreg:$0x2];
	[bflag:$0x3] =	sbarrier.arrive $0xFFFF;
	s2 =	simm.s32 @!p0 $0x1C09  }
0xe5: {  	[timem:s3], [sflag:s2] =	dma.local @!p0 [hbm:s0], s1  }
0xe6: {  	s0 =	simm.s32 @!p0 $0x9  }
0xe7: {  	_ =	swait.ge @!p0 [sflag:s0], s1  }
0xe8: {  	s1 =	ssub.s32 @!p0 $0x0, s1;
	[sflag:s0] =	ssyncset.done @!p0 $0x0  }
0xe9: {  	[sflag:s0] =	ssyncadd.s32 @!p0 s1  }
0xea: {  	[bflag:$0x3] =	sbarrier.arrive $0xFFFF  }
0xeb: {  	_ =	shalt  }

// kernel: kernel.8.cloned.1.call-start
scs
__scs_entry_jumppad:
0x0: {  	(pc) =	sbr.rel $0x88, $3  }
0x1: {  	(tag) =	ssettag $0x0;
	lr =	simm.s32 $0x1  }
0x2: {  	[smem:$0x3F9A] =	sst lr;
	_ =	strace $0xD0000000  }
0x3: {  	_ = 	snop  }
0x4: {  	_ = 	snop  }
0x5: {  	_ = 	snop  }
0x6: {  	_ = 	snop  }
0x7: {  	_ = 	snop  }
__scs_overlays_trampoline_lowered:
0x8: {  	[smem:$0x3FA9] =	sst s0  }
0x9: {  	[smem:$0x3FAA] =	sst s1  }
0xa: {  	[smem:$0x3FAB] =	sst s2  }
0xb: {  	[smem:$0x3FAC] =	sst s3  }
0xc: {  	[smem:$0x3FAD] =	sst s4  }
0xd: {  	[smem:$0x3FAE] =	sst s5  }
0xe: {  	[smem:$0x3FAF] =	sst s6  }
0xf: {  	[smem:$0x3FB0] =	sst s7  }
0x10: {  	[smem:$0x3FB1] =	sst s8  }
0x11: {  	[smem:$0x3FB2] =	sst s9;
	s0 =	simm.s32 @!p0 $0x0  }
0x12: {  	s1 =	sld [smem:$0x3F98];
	s0 =	simm.s32 @p0 $0x1  }
0x13: {  	[smem:$0x3FB3] =	sst s0;
	s0 =	simm.s32 @!p1 $0x0  }
0x14: {  	s2 =	sld [smem:$0x3F97];
	s0 =	simm.s32 @p1 $0x1  }
0x15: {  	[smem:$0x3FB4] =	sst s0;
	s0 =	simm.s32 @!p2 $0x0  }
0x16: {  	s3 =	sld [smem:$0x3FDB];
	s0 =	simm.s32 @p2 $0x1  }
0x17: {  	s4 =	simm.s32 $0x1BF5;
	[smem:$0x3FB6] =	sst s0  }
0x18: {  	s0 =	sld [smem:$0x3F99];
	_ =	swait.ge [sflag:s4], $0x0  }
0x19: {  	s7 =	sld [smem:$0x3F9A]  }
0x1a: {  	s8 =	sadd.s32 $0xFFFFE003, lr  }
0x1b: {  	s9 =	sadd.s32 $0xFFFFFEF7, lr;
	s5 =	simm.s32 $0xFFFFFFFF;
	p2 =	slt.u32 s8, $0xFFFFF086  }
0x1c: {  	p1 =	slt.u32 s9, $0xF7A;
	s5 =	simm.s32 @!p2 $0x0  }
0x1d: {  	s5 =	simm.s32 @p1 $0x1;
	p0 =	seq.s32 s7, s2  }
0x1e: {  	s7 =	smul.u32 @!p0 $0xF7A, s2;
	p2 =	seq.s32 @!p0 s5, $0x0  }
0x1f: {  	s9 =	smul.u32 $0xF7A, s1;
	s8 =	simm.s32 @!p0 $0x1BF5;
	p2 =	por !p2, p0  }
0x20: {  	[sflag:s8] =	ssyncset.s32 @!p0 $0xFFFFF086;
	s6 =	sadd.s32 @!p0 s3, s7;
	s7 =	simm.s32 @!p0 $0x108  }
0x21: {  	s3 =	sadd.s32 s3, s9;
	s6 =	sadd.s32 @!p0 $0x88, s6;
	s7 =	simm.s32 @p2 $0x1082  }
0x22: {  	[simem:s7], [sflag:s8] =	dma.local @!p0 [hbm:s6], $0xF7A  }
0x23: {  	s9 =	sor.u32 $0xD0000000, s2;
	s6 =	simm.s32 $0x108;
	_ =	swait.ge @!p0 [sflag:s8], $0x0  }
0x24: {  	s3 =	sadd.s32 $0x88, s3;
	s6 =	simm.s32 @!p1 $0x1082;
	[sflag:s4] =	ssyncset.s32 $0xFFFFF086  }
0x25: {  	[simem:s6], [sflag:s4] =	dma.local [hbm:s3], $0xF7A  }
0x26: {  	[smem:$0x3F9A] =	sst s1;
	(tag) =	ssettag s2;
	_ =	strace s9  }
0x27: {  	s1 =	sld [smem:$0x3FAA]  }
0x28: {  	s2 =	sld [smem:$0x3FAB]  }
0x29: {  	s4 =	sld [smem:$0x3FAD]  }
0x2a: {  	p0 =	seq.s32 s5, $0x0;
	s5 =	sld [smem:$0x3FAE]  }
0x2b: {  	s6 =	sld [smem:$0x3FAF]  }
0x2c: {  	s7 =	sld [smem:$0x3FB0]  }
0x2d: {  	s3 =	simm.s32 $0x108;
	s8 =	sld [smem:$0x3FB1]  }
0x2e: {  	s3 =	simm.s32 @!p0 $0x1082;
	s9 =	sld [smem:$0x3FB2]  }
0x2f: {  	lr =	sadd.s32 s0, s3;
	s0 =	sld [smem:$0x3FA9]  }
0x30: {  	s3 =	sld [smem:$0x3FAC]  }
0x31: {  	[smem:$0x3FB5] =	sst s10  }
0x32: {  	s10 =	sld [smem:$0x3FB3];
	_ =	sdelay $0x3  }
0x33: {  	p0 =	seq.s32 s10, $0x1;
	s10 =	sld [smem:$0x3FB5];
	_ =	sdelay $0x3  }
0x34: {  	[smem:$0x3FB5] =	sst s10  }
0x35: {  	s10 =	sld [smem:$0x3FB4];
	_ =	sdelay $0x3  }
0x36: {  	p1 =	seq.s32 s10, $0x1;
	s10 =	sld [smem:$0x3FB5];
	_ =	sdelay $0x3  }
0x37: {  	[smem:$0x3FB5] =	sst s10  }
0x38: {  	s10 =	sld [smem:$0x3FB6]  }
0x39: {  	_ = 	snop;
	(pc) =	sbr.ind lr, $3  }
0x3a: {  	_ = 	snop  }
0x3b: {  	_ = 	snop  }
0x3c: {  	p2 =	seq.s32 s10, $0x1;
	s10 =	sld [smem:$0x3FB5]  }
0x3d: {  	_ =	shalt  }
0x3e: {  	_ =	shalt  }
0x3f: {  	_ =	shalt  }
0x40: {  	_ =	shalt  }
0x41: {  	_ =	shalt  }
0x42: {  	_ =	shalt  }
0x43: {  	_ =	shalt  }
0x44: {  	_ =	shalt  }
0x45: {  	_ =	shalt  }
0x46: {  	_ =	shalt  }
0x47: {  	_ =	shalt  }
0x48: {  	_ =	shalt  }
0x49: {  	_ =	shalt  }
0x4a: {  	_ =	shalt  }
0x4b: {  	_ =	shalt  }
0x4c: {  	_ =	shalt  }
0x4d: {  	_ =	shalt  }
0x4e: {  	_ =	shalt  }
0x4f: {  	_ =	shalt  }
0x50: {  	_ =	shalt  }
0x51: {  	_ =	shalt  }
0x52: {  	_ =	shalt  }
0x53: {  	_ =	shalt  }
0x54: {  	_ =	shalt  }
0x55: {  	_ =	shalt  }
0x56: {  	_ =	shalt  }
0x57: {  	_ =	shalt  }
0x58: {  	_ =	shalt  }
0x59: {  	_ =	shalt  }
0x5a: {  	_ =	shalt  }
0x5b: {  	_ =	shalt  }
0x5c: {  	_ =	shalt  }
0x5d: {  	_ =	shalt  }
0x5e: {  	_ =	shalt  }
0x5f: {  	_ =	shalt  }
0x60: {  	_ =	shalt  }
0x61: {  	_ =	shalt  }
0x62: {  	_ =	shalt  }
0x63: {  	_ =	shalt  }
0x64: {  	_ =	shalt  }
0x65: {  	_ =	shalt  }
0x66: {  	_ =	shalt  }
0x67: {  	_ =	shalt  }
0x68: {  	_ =	shalt  }
0x69: {  	_ =	shalt  }
0x6a: {  	_ =	shalt  }
0x6b: {  	_ =	shalt  }
0x6c: {  	_ =	shalt  }
0x6d: {  	_ =	shalt  }
0x6e: {  	_ =	shalt  }
0x6f: {  	_ =	shalt  }
0x70: {  	_ =	shalt  }
0x71: {  	_ =	shalt  }
0x72: {  	_ =	shalt  }
0x73: {  	_ =	shalt  }
0x74: {  	_ =	shalt  }
0x75: {  	_ =	shalt  }
0x76: {  	_ =	shalt  }
0x77: {  	_ =	shalt  }
0x78: {  	_ =	shalt  }
0x79: {  	_ =	shalt  }
0x7a: {  	_ =	shalt  }
0x7b: {  	_ =	shalt  }
0x7c: {  	_ =	shalt  }
0x7d: {  	_ =	shalt  }
0x7e: {  	_ =	shalt  }
0x7f: {  	_ =	shalt  }
0x80: {  	_ =	shalt  }
0x81: {  	_ =	shalt  }
0x82: {  	_ =	shalt  }
0x83: {  	_ =	shalt  }
0x84: {  	_ =	shalt  }
0x85: {  	_ =	shalt  }
0x86: {  	_ =	shalt  }
0x87: {  	_ =	shalt  }
.Lfunc_end0:
.L_simem_size_0:
called_computation_lowered:
.L_overlay_start_0:
0x88: {  	s2 =	sld [smem:$0x3FD9]  }
0x89: {  	s3 =	sld [smem:$0x3FFE];
	_ =	sdelay $0x1  }
0x8a: {  	s1 =	srdreg.scid  }
0x8b: {  	s0 =	sand.u32 $0x1, s1  }
0x8c: {  	s16 =	sshll.u32 s0, $0xA;
	s2 =	sadd.s32 s3, s2  }
0x8d: {  	s2 =	sadd.s32 s2, s16  }
0x8e: {  	[smem:$0x3FC1] =	sst s2  }
0x8f: {  	_ = 	snop  }
0x90: {  	(tm) =	ssettm $0x1  }
0x91: {  	s17 =	sld [smem:$0x3FFB];
	_ =	sdelay $0x3  }
0x92: {  	_ =	strace s17  }
0x93: {  	s2 =	sld [smem:$0x3FFC];
	_ =	sdelay $0x3  }
0x94: {  	_ =	strace s2  }
0x95: {  	s2 =	sld [smem:$0x3FFD];
	_ =	sdelay $0x3  }
0x96: {  	_ =	strace s2  }
0x97: {  	_ =	strace $0x8FFFFFFF  }
0x98: {  	s18 =	sld [smem:$0x3FDB];
	_ =	sdelay $0x1  }
0x99: {  	s19 =	simm.s32 $_scs_section_size  }
0x9a: {  	s4 =	simm.s32 $_size__tile_overlayer_lowered;
	s5 =	simm.s32 $_tile_overlayer_lowered  }
0x9b: {  	s22 =	simm.s32 $0x1BFF;
	s21 =	sshll.u32 s5, $0x1;
	s2 =	sadd.s32 s19, s18  }
0x9c: {  	s6 =	simm.s32 $0x0;
	s20 =	sshll.u32 s4, $0x1;
	s4 =	sadd.s32 s21, s2  }
0x9d: {  	[timem:s6], [sflag:s22] =	dma.local [hbm:s4], s20  }
0x9e: {  	_ =	swait.ge [sflag:s22], s20  }
0x9f: {  	s3 =	ssub.s32 $0x0, s20;
	[sflag:s22] =	ssyncset.done $0x0  }
0xa0: {  	[sflag:s22] =	ssyncadd.s32 s3;
	_ =	sdelay $0x1  }
0xa1: {  	s23 =	simm.s32 $0x1B8B  }
0xa2: {  	_ =	swait.ge [sflag:s23], $0x1  }
0xa3: {  	[sflag:s23] =	ssyncset.done $0x0  }
0xa4: {  	s25 =	simm.s32 $0x1B8E;
	s24 =	sld [smem:$0x3FFE];
	[sflag:s23] =	ssyncadd.s32 $0xFFFFFFFF  }
0xa5: {  	s26 =	simm.s32 $execute0_lowered;
	[smem:$0x3FD2] =	sst s25  }
0xa6: {  	s4 =	sshll.u32 s26, $0x1;
	_ =	strace $0x80000046;
	[dreg:$0x1] =	wrdreg $0xFFFFFFFF  }
0xa7: {  	s28 =	simm.s32 $_size_execute0_lowered;
	s2 =	sadd.s32 s2, s4;
	[dreg:$0x0] =	wrdreg $0x0  }
0xa8: {  	s4 =	sshll.u32 s28, $0x1;
	[dreg:$0x2] =	wrdreg s2  }
0xa9: {  	[dreg:$0x3] =	wrdreg s4  }
0xaa: {  	[dreg:$0x4] =	wrdreg $0xC0  }
0xab: {  	_ =	task [dreg:s6], $0x5FFFF  }
0xac: {  	[dreg:$0x1] =	wrdreg $0xFFFFFFFF  }
0xad: {  	[dreg:$0x0] =	wrdreg $0x60  }
0xae: {  	[dreg:$0x2] =	wrdreg s24  }
0xaf: {  	[dreg:$0x3] =	wrdreg $0x2C000  }
0xb0: {  	[dreg:$0x4] =	wrdreg $0x9  }
0xb1: {  	_ =	task.clear_ibuf [dreg:s6], $0x5FFFF;
	_ =	strace $0x90000046  }
0xb2: {  	s29 =	simm.s32 $0x9;
	_ =	strace $0x80000048  }
0xb3: {  	_ =	swait.ge [sflag:s29], $0x1  }
0xb4: {  	[sflag:s29] =	ssyncadd.s32 $0xFFFFFFFF  }
0xb5: {  	_ =	strace $0x90000048  }
0xb6: {  	_ =	sfence  }
0xb7: {  	s30 =	sld [smem:$0x0];
	_ =	sdelay $0x2  }
0xb8: {  	s31 =	sshll.u32 s1, $0xD;
	s1 =	sshrl.u32 s1, $0x2  }
0xb9: {  	s3 =	sand.u32 $0x4000, s31;
	s1 =	sadd.s32 s1, s30  }
0xba: {  	s0 =	sor.u32 s3, s0;
	s1 =	sshll.u32 s1, $0x11  }
0xbb: {  	s0 =	sor.u32 s1, s0  }
0xbc: {  	s0 =	sadd.s32 $0x8F2B, s0  }
0xbd: {  	[sflag:s0] =	ssyncadd.remote.s32 $0x1  }
0xbe: {  	_ =	sfence.sel $0xFFFF  }
0xbf: {  	[dreg:$0x0] =	wrdreg $0xFFFFFFFF;
	(pc) =	sbr.abs _section_cstart, $3  }
0xc0: {  	[dreg:$0x1] =	wrdreg $0xFFFFFFFF  }
0xc1: {  	_ =	task.clear_ibuf [dreg:s6], $0x2FFFF;
	_ =	strace $0x9FFFFFFF  }
0xc2: {  	(tm) =	ssettm $0x7FFFFFFF  }
0xc3: {  	_ =	shalt  }
tec
execute0_lowered:
.L_overlay_start_1:
0x0: {  	(tag) =	ssettag $0x1  }
0x1: {  	s4 =	rddreg [dreg:$0x0]  }
0x2: {  	s0 =	srdreg.scid;
	s1 =	rddreg [dreg:$0x1];
	s28 =	simm.s32 $0x1  }
0x3: {  	s29 =	simm.s32 $0x40;
	s3 =	sand.u32 $0x1, s0;
	s0 =	stileid.u32  }
0x4: {  	s13 =	sadd.s32 $0x15A00, s4;
	s2 =	sshll.u32 s3, $0x4;
	s14 =	smul.u32 $0x2800, s0  }
0x5: {  	s6 =	ssub.s32 $0x2, s3;
	s10 =	smul.u32 $0x28000, s3;
	s5 =	sor.u32 s0, s2  }
0x6: {  	s2 =	simm.s32 $0x0;
	s7 =	sshrl.u32 s6, $0x1;
	s5 =	smul.u32 $0x500, s5  }
0x7: {  	[smem:$0x7FF] =	sst s2;
	s25 =	ssub.s32 s6, s7;
	s15 =	sor.u32 $0x400, s14  }
0x8: {  	s16 =	sadd.s32 $0x800, s14;
	s17 =	sadd.s32 $0xC00, s14;
	s18 =	sadd.s32 $0x1000, s14  }
0x9: {  	s19 =	sadd.s32 $0x1400, s14;
	s20 =	sadd.s32 $0x1800, s14;
	s21 =	sadd.s32 $0x1C00, s14  }
0xa: {  	s3 =	sadd.s32 s14, s10;
	s22 =	sadd.s32 $0x2000, s14;
	s23 =	sadd.s32 $0x2400, s14  }
0xb: {  	s14 =	sadd.s32 s14, s1;
	s3 =	sshrl.u32 s3, $0x3;
	s12 =	sadd.s32 s10, s15  }
0xc: {  	s26 =	sadd.s32 s10, s16;
	s30 =	sadd.s32 s10, s17;
	s31 =	sadd.s32 s10, s18  }
0xd: {  	s8 =	sadd.s32 s10, s19;
	s9 =	sadd.s32 s10, s20;
	s11 =	sadd.s32 s10, s21  }
0xe: {  	s15 =	sadd.s32 s15, s1;
	s16 =	sadd.s32 s16, s1;
	s17 =	sadd.s32 s17, s1  }
0xf: {  	s18 =	sadd.s32 s18, s1;
	s19 =	sadd.s32 s19, s1;
	s20 =	sadd.s32 s20, s1  }
0x10: {  	s21 =	sadd.s32 s21, s1;
	s25 =	smax.u32 s25, $0x1;
	s24 =	sadd.s32 s5, s4  }
0x11: {  	s3 =	sadd.s32 s13, s3;
	s4 =	sshrl.u32 s12, $0x3;
	s5 =	sshrl.u32 s26, $0x3  }
0x12: {  	s6 =	sshrl.u32 s30, $0x3;
	s7 =	sshrl.u32 s31, $0x3;
	s8 =	sshrl.u32 s8, $0x3  }
0x13: {  	s9 =	sshrl.u32 s9, $0x3;
	s11 =	sshrl.u32 s11, $0x3;
	s12 =	sadd.s32 s10, s22  }
0x14: {  	s10 =	sadd.s32 s10, s23;
	s22 =	sadd.s32 s22, s1;
	s23 =	sadd.s32 s23, s1  }
0x15: {  	s4 =	sadd.s32 s13, s4;
	s5 =	sadd.s32 s13, s5;
	s6 =	sadd.s32 s13, s6  }
0x16: {  	s7 =	sadd.s32 s13, s7;
	s8 =	sadd.s32 s13, s8;
	s9 =	sadd.s32 s13, s9  }
0x17: {  	s11 =	sadd.s32 s13, s11;
	s12 =	sshrl.u32 s12, $0x3;
	s26 =	sshrl.u32 s10, $0x3  }
0x18: {  	s10 =	rddreg [dreg:$0x2];
	_ =	strace $0x80000047;
	s24 =	sadd.s32 $0x1A00, s24  }
0x19: {  	v0 =	vimm.f32 $0.0e+00;
	v1 =	vimm.f32 $1.000000000e+00;
	s12 =	sadd.s32 s13, s12;
	s13 =	sadd.s32 s13, s26;
	s26 =	simm.s32 $0x2800  }
.LBB2_1:
0x1a: {  	s30 =	simm.s32 $0x40;
	s31 =	simm.s32 $0x0  }
.LBB2_2:
0x1b: {  	p0 =	sne.s32 s30, $0xFC0;
	[tilespmem:s31+$0x2800] =	vst v0;
	s31 =	smov.u32 s30;
	s30 =	sadd.s32 $0x40, s30  }
.Ltmp0:
0x1c: {  	(pc) =	sbr.rel @p0 .LBB2_2-.Ltmp0, $2  }
0x1d: {  	_ =	sdelay $0x2  }
0x1e: {  	s31 =	sshra.s32 s31, $0x2  }
0x1f: {  	[tilespmem:s31+$0x2800] =	vst v0  }
0x20: {  	[spmem:s14] =	stream.linear.scatter [tilespmem:s26], [sflag:$0x1], $0x400, $0x38;
	[tilespmem:$0x5400] =	vst v63  }
0x21: {  	_ =	swait.ge [sflag:s28], $0x400  }
0x22: {  	[sflag:s28] =	ssyncset.done $0x0  }
0x23: {  	[sflag:s28] =	ssyncadd.s32 $0xFFFFFC00  }
0x24: {  	[spmem:s15] =	stream.linear.scatter [tilespmem:s26], [sflag:$0x1], $0x400, $0x38;
	[tilespmem:$0x5400] =	vst v63  }
0x25: {  	_ =	swait.ge [sflag:s28], $0x400  }
0x26: {  	[sflag:s28] =	ssyncset.done $0x0  }
0x27: {  	[sflag:s28] =	ssyncadd.s32 $0xFFFFFC00  }
0x28: {  	[spmem:s16] =	stream.linear.scatter [tilespmem:s26], [sflag:$0x1], $0x400, $0x38;
	[tilespmem:$0x5400] =	vst v63  }
0x29: {  	_ =	swait.ge [sflag:s28], $0x400  }
0x2a: {  	[sflag:s28] =	ssyncset.done $0x0  }
0x2b: {  	[sflag:s28] =	ssyncadd.s32 $0xFFFFFC00  }
0x2c: {  	[spmem:s17] =	stream.linear.scatter [tilespmem:s26], [sflag:$0x1], $0x400, $0x38;
	[tilespmem:$0x5400] =	vst v63  }
0x2d: {  	_ =	swait.ge [sflag:s28], $0x400  }
0x2e: {  	[sflag:s28] =	ssyncset.done $0x0  }
0x2f: {  	[sflag:s28] =	ssyncadd.s32 $0xFFFFFC00  }
0x30: {  	[spmem:s18] =	stream.linear.scatter [tilespmem:s26], [sflag:$0x1], $0x400, $0x38;
	[tilespmem:$0x5400] =	vst v63  }
0x31: {  	_ =	swait.ge [sflag:s28], $0x400  }
0x32: {  	[sflag:s28] =	ssyncset.done $0x0  }
0x33: {  	[sflag:s28] =	ssyncadd.s32 $0xFFFFFC00  }
0x34: {  	[spmem:s19] =	stream.linear.scatter [tilespmem:s26], [sflag:$0x1], $0x400, $0x38;
	[tilespmem:$0x5400] =	vst v63  }
0x35: {  	_ =	swait.ge [sflag:s28], $0x400  }
0x36: {  	[sflag:s28] =	ssyncset.done $0x0  }
0x37: {  	[sflag:s28] =	ssyncadd.s32 $0xFFFFFC00  }
0x38: {  	[spmem:s20] =	stream.linear.scatter [tilespmem:s26], [sflag:$0x1], $0x400, $0x38;
	[tilespmem:$0x5400] =	vst v63  }
0x39: {  	_ =	swait.ge [sflag:s28], $0x400  }
0x3a: {  	[sflag:s28] =	ssyncset.done $0x0  }
0x3b: {  	[sflag:s28] =	ssyncadd.s32 $0xFFFFFC00  }
0x3c: {  	[spmem:s21] =	stream.linear.scatter [tilespmem:s26], [sflag:$0x1], $0x400, $0x38;
	[tilespmem:$0x5400] =	vst v63  }
0x3d: {  	_ =	swait.ge [sflag:s28], $0x400  }
0x3e: {  	[sflag:s28] =	ssyncset.done $0x0  }
0x3f: {  	[sflag:s28] =	ssyncadd.s32 $0xFFFFFC00  }
0x40: {  	[spmem:s22] =	stream.linear.scatter [tilespmem:s26], [sflag:$0x1], $0x400, $0x38;
	[tilespmem:$0x5400] =	vst v63  }
0x41: {  	_ =	swait.ge [sflag:s28], $0x400  }
0x42: {  	[sflag:s28] =	ssyncset.done $0x0  }
0x43: {  	[sflag:s28] =	ssyncadd.s32 $0xFFFFFC00  }
0x44: {  	[spmem:s23] =	stream.linear.scatter [tilespmem:s26], [sflag:$0x1], $0x400, $0x38;
	[tilespmem:$0x5400] =	vst v63  }
0x45: {  	_ =	swait.ge [sflag:s28], $0x400  }
0x46: {  	[sflag:s28] =	ssyncset.done $0x0  }
0x47: {  	s30 =	simm.s32 $0x40;
	s31 =	simm.s32 $0x0;
	[sflag:s28] =	ssyncadd.s32 $0xFFFFFC00  }
.LBB2_4:
0x48: {  	p0 =	sne.s32 s30, $0xFC0;
	[tilespmem:s31+$0x2800] =	vst v1;
	s31 =	smov.u32 s30;
	s30 =	sadd.s32 $0x40, s30  }
.Ltmp1:
0x49: {  	(pc) =	sbr.rel @p0 .LBB2_4-.Ltmp1, $2  }
0x4a: {  	_ =	sdelay $0x2  }
0x4b: {  	s31 =	sshra.s32 s31, $0x2  }
0x4c: {  	[tilespmem:s31+$0x2800] =	vst v1;
	s30 =	simm.s32 $0x0  }
0x4d: {  	[tilespmem:s30], [sflag:$0x1] =	stream.linear.gather [hbm4b:s24+s30], $0x2800, $0x38;
	[tilespmem:$0x5400] =	vst v63  }
0x4e: {  	_ =	swait.ge [sflag:s28], $0x2800  }
0x4f: {  	[sflag:s28] =	ssyncset.done $0x0  }
0x50: {  	[sflag:s28] =	ssyncadd.s32 $0xFFFFD800  }
0x51: {  	s30 =	simm.s32 $0x0;
	[bflag:$0x0] =	sbarrier.arrive $0xFFFF  }
0x52: {  	[spmem:s1] =	stream.indirect.scatter.add.f32 [tilespmem:s26], [sflag:$0x1], $0x10, s30, s29, $0xb8;
	[tilespmem:$0x5400] =	vst v63  }
0x53: {  	_ =	swait.ge [sflag:s28], $0x400  }
0x54: {  	s30 =	simm.s32 $0x100;
	[sflag:s28] =	ssyncset.done $0x0  }
.LBB2_6:
0x55: {  	s31 =	sshra.s32 s30, $0x2;
	[sflag:s28] =	ssyncadd.s32 $0xFFFFFC00;
	p0 =	sne.s32 s30, $0x9F00  }
0x56: {  	[spmem:s1] =	stream.indirect.scatter.add.f32 [tilespmem:s26], [sflag:$0x1], $0x10, s31, s29, $0xb8;
	[tilespmem:$0x5400] =	vst v63  }
.Ltmp2:
0x57: {  	_ = 	snop;
	(pc) =	sbr.rel @p0 .LBB2_6-.Ltmp2, $4  }
0x58: {  	_ = 	snop  }
0x59: {  	s30 =	sadd.s32 $0x100, s30  }
0x5a: {  	_ =	swait.ge [sflag:s28], $0x400  }
0x5b: {  	[sflag:s28] =	ssyncset.done $0x0  }
0x5c: {  	[sflag:s28] =	ssyncadd.s32 $0xFFFFFC00;
	s30 =	sshll.u32 s0, $0x6  }
0x5d: {  	s31 =	sshrl.u32 s14, $0x3;
	[bflag:$0x0] =	sbarrier.arrive $0xFFFF;
	s30 =	sor.u32 $0x1C01, s30  }
0x5e: {  	[hbm:s3], [sflag:s30] =	dma.local [spmem:s31], $0x80  }
0x5f: {  	_ =	swait.ge [sflag:s28], $0x80  }
0x60: {  	[sflag:s28] =	ssyncset.done $0x0  }
0x61: {  	s31 =	sshrl.u32 s15, $0x3;
	[sflag:s28] =	ssyncadd.s32 $0xFFFFFF80  }
0x62: {  	[hbm:s4], [sflag:s30] =	dma.local [spmem:s31], $0x80  }
0x63: {  	_ =	swait.ge [sflag:s28], $0x80  }
0x64: {  	[sflag:s28] =	ssyncset.done $0x0  }
0x65: {  	s31 =	sshrl.u32 s16, $0x3;
	[sflag:s28] =	ssyncadd.s32 $0xFFFFFF80  }
0x66: {  	[hbm:s5], [sflag:s30] =	dma.local [spmem:s31], $0x80  }
0x67: {  	_ =	swait.ge [sflag:s28], $0x80  }
0x68: {  	[sflag:s28] =	ssyncset.done $0x0  }
0x69: {  	s31 =	sshrl.u32 s17, $0x3;
	[sflag:s28] =	ssyncadd.s32 $0xFFFFFF80  }
0x6a: {  	[hbm:s6], [sflag:s30] =	dma.local [spmem:s31], $0x80  }
0x6b: {  	_ =	swait.ge [sflag:s28], $0x80  }
0x6c: {  	[sflag:s28] =	ssyncset.done $0x0  }
0x6d: {  	s31 =	sshrl.u32 s18, $0x3;
	[sflag:s28] =	ssyncadd.s32 $0xFFFFFF80  }
0x6e: {  	[hbm:s7], [sflag:s30] =	dma.local [spmem:s31], $0x80  }
0x6f: {  	_ =	swait.ge [sflag:s28], $0x80  }
0x70: {  	[sflag:s28] =	ssyncset.done $0x0  }
0x71: {  	s31 =	sshrl.u32 s19, $0x3;
	[sflag:s28] =	ssyncadd.s32 $0xFFFFFF80  }
0x72: {  	[hbm:s8], [sflag:s30] =	dma.local [spmem:s31], $0x80  }
0x73: {  	_ =	swait.ge [sflag:s28], $0x80  }
0x74: {  	[sflag:s28] =	ssyncset.done $0x0  }
0x75: {  	s31 =	sshrl.u32 s20, $0x3;
	[sflag:s28] =	ssyncadd.s32 $0xFFFFFF80  }
0x76: {  	[hbm:s9], [sflag:s30] =	dma.local [spmem:s31], $0x80  }
0x77: {  	_ =	swait.ge [sflag:s28], $0x80  }
0x78: {  	[sflag:s28] =	ssyncset.done $0x0  }
0x79: {  	s31 =	sshrl.u32 s21, $0x3;
	[sflag:s28] =	ssyncadd.s32 $0xFFFFFF80  }
0x7a: {  	[hbm:s11], [sflag:s30] =	dma.local [spmem:s31], $0x80  }
0x7b: {  	_ =	swait.ge [sflag:s28], $0x80  }
0x7c: {  	[sflag:s28] =	ssyncset.done $0x0  }
0x7d: {  	s31 =	sshrl.u32 s22, $0x3;
	[sflag:s28] =	ssyncadd.s32 $0xFFFFFF80  }
0x7e: {  	[hbm:s12], [sflag:s30] =	dma.local [spmem:s31], $0x80  }
0x7f: {  	s2 =	sadd.s32 $0x1, s2;
	_ =	swait.ge [sflag:s28], $0x80  }
0x80: {  	p0 =	sne.s32 s2, s25;
	[sflag:s28] =	ssyncset.done $0x0  }
.Ltmp3:
0x81: {  	s31 =	sshrl.u32 s23, $0x3;
	[sflag:s28] =	ssyncadd.s32 $0xFFFFFF80;
	(pc) =	sbr.rel @p0 .LBB2_1-.Ltmp3, $4  }
0x82: {  	[hbm:s13], [sflag:s30] =	dma.local [spmem:s31], $0x80  }
0x83: {  	_ =	swait.ge [sflag:s28], $0x80  }
0x84: {  	[sflag:s28] =	ssyncset.done $0x0  }
0x85: {  	[sflag:s28] =	ssyncadd.s32 $0xFFFFFF80  }
0x86: {  	_ =	sfence.sel $0x180000  }
0x87: {  	[bflag:$0x0] =	sbarrier.arrive $0xFFFF  }
0x88: {  	p0 =	sne.s32 s0, $0x0;
	_ =	strace $0x90000047  }
0x89: {  	s0 =	sadd.s32 @!p0 $0x100000, s10;
	[bflag:$0x2] =	sbarrier.arrive $0xFFFF  }
0x8a: {  	[sflag:s0] =	ssyncadd.tile.s32 @!p0 $0x1;
	_ =	shalt  }
.Lfunc_end2:
_tile_overlayer_lowered:
.L_overlay_start_2:
0x8b: {  	(tag) =	ssettag $0x2  }
0x8c: {  	s0 =	rddreg [dreg:$0x0];
	s2 =	stileid.u32  }
0x8d: {  	s1 =	rddreg [dreg:$0x1];
	p0 =	sne.s32 s2, $0x0  }
0x8e: {  	s3 =	rddreg [dreg:$0x2];
	[bflag:$0x3] =	sbarrier.arrive $0xFFFF;
	s2 =	simm.s32 @!p0 $0x1C01  }
0x8f: {  	[timem:s3], [sflag:s2] =	dma.local @!p0 [hbm:s0], s1  }
0x90: {  	s0 =	simm.s32 @!p0 $0x1  }
0x91: {  	_ =	swait.ge @!p0 [sflag:s0], s1  }
0x92: {  	s1 =	ssub.s32 @!p0 $0x0, s1;
	[sflag:s0] =	ssyncset.done @!p0 $0x0  }
0x93: {  	[sflag:s0] =	ssyncadd.s32 @!p0 s1  }
0x94: {  	[bflag:$0x3] =	sbarrier.arrive $0xFFFF  }
0x95: {  	_ =	shalt  }

</sc_bundles>
